<compile_context>
chip_gen: v7x
topology: tpu7x:2x2x1
jax: 0.10.2.dev20260603
libtpu: 0.0.44.dev20260713+nightly
codegen_flags: <defaults>
</compile_context>

<pallas_src>
import functools

import jax
import jax.numpy as jnp
from jax import lax
from jax.experimental import pallas as pl
from jax.experimental.pallas import tpu as pltpu
from jax.experimental.pallas import tpu_sc as plsc

SENT_N, BATCH_N, L_N = 2048, 512, 8
CH = 128
NBLK = SENT_N // CH
NC, NS = 2, 16
NW = NC * NS
ROWS_PER_W = BATCH_N // NW


LN2 = 0.6931471805599453


def _tc_body(emit_ref, lab_ref, t_ref, out_ref,
             alpha_ref, acce_ref, gacc_ref):
    i = pl.program_id(0)
    nblk = pl.num_programs(0)
    rows = lax.broadcasted_iota(jnp.int32, (L_N, BATCH_N), 0)

    Et = jnp.exp(t_ref[...])
    sub = lax.broadcasted_iota(jnp.int32, (L_N, L_N), 0)
    lan = lax.broadcasted_iota(jnp.int32, (L_N, L_N), 1)
    C = [jnp.sum(jnp.where(lan == (sub + d) % L_N, Et, 0.0),
                 axis=1, keepdims=True)
         for d in range(L_N)]

    def substep(emit_t, lab_t, alpha, gacc):
        gacc = gacc + jnp.where(rows == lab_t, emit_t, 0.0)

        w = jnp.exp(emit_t)
        prods = [jnp.roll(alpha, -d, axis=0) * C[d] if d else alpha * C[0]
                 for d in range(L_N)]
        while len(prods) > 1:
            prods = [prods[k] + prods[k + 1] for k in range(0, len(prods), 2)]
        return prods[0] * w, gacc

    def renorm(alpha, acce):
        bits = lax.bitcast_convert_type(alpha[0:1, :], jnp.int32)
        e = lax.shift_right_logical(bits, 23)
        scale = lax.bitcast_convert_type(
            lax.shift_left(254 - e, 23), jnp.float32)
        return alpha * scale, acce + (e - 127)

    KG = 8

    def group(g, carry):
        alpha, acce, gacc = carry
        lab_g = lab_ref[pl.ds(g * KG, KG), :]
        for dt in range(KG):
            emit_t = emit_ref[g * KG + dt]
            alpha, gacc = substep(emit_t, lab_g[dt:dt + 1, :], alpha, gacc)
        alpha, acce = renorm(alpha, acce)
        return alpha, acce, gacc

    zeros_1 = jnp.zeros((1, BATCH_N), jnp.int32)

    @pl.when(i == 0)
    def _first_block():
        emit0 = emit_ref[0]
        lab_g = lab_ref[pl.ds(0, KG), :]
        gacc = jnp.where(rows == lab_g[0:1, :], emit0, 0.0)
        alpha = jnp.exp(emit0)
        for dt in range(1, KG):
            alpha, gacc = substep(emit_ref[dt], lab_g[dt:dt + 1, :],
                                  alpha, gacc)
        alpha, acce = renorm(alpha, zeros_1)
        carry = (alpha, acce, gacc)
        alpha, acce, gacc = lax.fori_loop(1, CH // KG, group, carry)
        alpha_ref[...], acce_ref[...], gacc_ref[...] = alpha, acce, gacc

    @pl.when(i != 0)
    def _rest():
        carry = (alpha_ref[...], acce_ref[...], gacc_ref[...])
        alpha, acce, gacc = lax.fori_loop(0, CH // KG, group, carry)
        alpha_ref[...], acce_ref[...], gacc_ref[...] = alpha, acce, gacc

    @pl.when(i == nblk - 1)
    def _fin():
        alpha = alpha_ref[...]
        lz = (jnp.log(jnp.sum(alpha, axis=0, keepdims=True))
              + LN2 * acce_ref[...].astype(jnp.float32))
        val = jnp.sum(lz) - jnp.sum(gacc_ref[...])
        out_ref[...] = jnp.full((8, 128), val, jnp.float32)


def _tc_forward(emitT, labT, Tt):
    out = pl.pallas_call(
        _tc_body,
        grid=(NBLK,),
        in_specs=[
            pl.BlockSpec((CH, L_N, BATCH_N), lambda i: (i, 0, 0)),
            pl.BlockSpec((CH, BATCH_N), lambda i: (i, 0)),
            pl.BlockSpec((L_N, L_N), lambda i: (0, 0)),
        ],
        out_specs=pl.BlockSpec((8, 128), lambda i: (0, 0)),
        out_shape=jax.ShapeDtypeStruct((8, 128), jnp.float32),
        scratch_shapes=[
            pltpu.VMEM((L_N, BATCH_N), jnp.float32),
            pltpu.VMEM((1, BATCH_N), jnp.int32),
            pltpu.VMEM((L_N, BATCH_N), jnp.float32),
        ],
    )(emitT, labT, Tt)
    return out[0, 0]


def _sc_gold_trans_build():
    mesh = plsc.VectorSubcoreMesh(core_axis_name="c", subcore_axis_name="s")

    @functools.partial(
        pl.kernel,
        mesh=mesh,
        out_type=jax.ShapeDtypeStruct((NW, 16), jnp.float32),
        scratch_types=[
            pltpu.VMEM((ROWS_PER_W, SENT_N), jnp.int32),
            pltpu.VMEM((64,), jnp.float32),
            pltpu.VMEM((16,), jnp.float32),
        ],
    )
    def sc_kernel(labels_hbm, tflat_hbm, out_hbm, lab_v, t_v, acc_v):
        wid = lax.axis_index("s") * NC + lax.axis_index("c")
        b0 = wid * ROWS_PER_W
        pltpu.sync_copy(labels_hbm.at[pl.ds(b0, ROWS_PER_W)], lab_v)
        pltpu.sync_copy(tflat_hbm, t_v)
        lane = lax.iota(jnp.int32, 16)
        nvec = SENT_N // 16

        dnums = lax.GatherDimensionNumbers(
            offset_dims=(), collapsed_slice_dims=(0,), start_index_map=(0,))

        def _vgather(vec, idx):
            return lax.gather(vec, idx[:, None], dimension_numbers=dnums,
                              slice_sizes=(1,),
                              mode=lax.GatherScatterMode.PROMISE_IN_BOUNDS)

        shift_idx = jnp.minimum(lane + 1, 15)
        zeros_idx = jnp.zeros((16,), jnp.int32)

        def _shift1(a, a_next):
            return jnp.where(lane < 15, _vgather(a, shift_idx),
                             _vgather(a_next, zeros_idx))

        t0 = t_v[pl.ds(0, 16)]
        t1 = t_v[pl.ds(16, 16)]
        t2 = t_v[pl.ds(32, 16)]
        t3 = t_v[pl.ds(48, 16)]

        def _t_lookup(k):
            r = lax.bitwise_and(k, 15)
            q = lax.shift_right_logical(k, 4)
            g01 = jnp.where(q == 0, _vgather(t0, r), _vgather(t1, r))
            g23 = jnp.where(q == 2, _vgather(t2, r), _vgather(t3, r))
            return jnp.where(q < 2, g01, g23)

        def row_loop(j, tot):
            def vec_loop(nv, acc):
                a = lab_v[j, pl.ds(nv * 16, 16)]
                a_next = lab_v[j, pl.ds(nv * 16 + 16, 16)]
                return acc + _t_lookup(a * 8 + _shift1(a, a_next))

            acc = lax.fori_loop(0, nvec - 1, vec_loop, tot)

            a16 = lab_v[j, pl.ds(SENT_N - 16, 16)]
            tv = _t_lookup(a16 * 8 + _shift1(a16, a16))
            return acc + jnp.where(lane < 15, tv, 0.0)

        tot = lax.fori_loop(0, ROWS_PER_W, row_loop,
                            jnp.zeros((16,), jnp.float32))
        acc_v[...] = tot
        pltpu.sync_copy(acc_v, out_hbm.at[wid])

    return sc_kernel


_sc_gold_trans = _sc_gold_trans_build()


def kernel(emit_scores, labels, T):
    emitT = jnp.transpose(emit_scores, (0, 2, 1))
    labT = labels.T
    tflat = T.reshape(-1)
    trans_partials = _sc_gold_trans(labels, tflat)
    tc_val = _tc_forward(emitT, labT, T.T)
    return tc_val - jnp.sum(trans_partials)

# --- scband reference (transcript-rebuilt; emitter-appended) ---
"""Pipeline reference for scband-crf-56341380989360 (READ-ONLY COPY).

The authoritative reference and input builder live on the scoring server;
editing this copy changes nothing except your own understanding.
"""

import jax, jax.numpy as jnp
import numpy as np

SENT, BATCH, L = 2048, 512, 8


def setup_inputs(seed: int = 0) -> dict:
    key = jax.random.key(seed)
    k1, k2, k3 = jax.random.split(key, 3)
    emit_scores = jax.random.normal(k1, (SENT, BATCH, L), dtype=jnp.float32)
    labels = jax.random.randint(k2, (BATCH, SENT), 0, L, dtype=jnp.int32)
    # learned transition parameter T[label_num, label_num] (module inits zeros; use
    # small random values so the reference exercises non-trivial transition math)
    T = jax.random.normal(k3, (L, L), dtype=jnp.float32) * 0.01
    return {"emit_scores": emit_scores, "labels": labels, "T": T}


def reference(emit_scores, labels, T):
    # Linear-chain CRF negative log-likelihood:
    #   loss = logZ(emit, T) - gold_path_score(emit, T, labels)
    # emit_scores: [sent, batch, L]; labels: [batch, sent]; T[i, j] = score(i -> j)
    sent, batch, Lnum = emit_scores.shape
    lab_t = labels.T  # [sent, batch]

    # gold score: emissions along gold path (gather) + transitions along gold path
    gold_emit = jnp.take_along_axis(emit_scores, lab_t[:, :, None], axis=2).squeeze(-1)  # [sent, batch]
    gold_trans = T[labels[:, :-1], labels[:, 1:]]  # [batch, sent-1]
    gold_scores = jnp.sum(gold_emit) + jnp.sum(gold_trans)

    # forward algorithm (log partition): scores[n, i, j] = alpha[n, i] + T[i, j] + emit[n, j]
    def step(alpha, emit_t):
        alpha_new = jax.nn.logsumexp(alpha[:, :, None] + T[None, :, :], axis=1) + emit_t
        return alpha_new, None

    alpha0 = emit_scores[0]  # [batch, L]
    alpha, _ = jax.lax.scan(step, alpha0, emit_scores[1:])
    encoder_scores = jnp.sum(jax.nn.logsumexp(alpha, axis=1))

    return encoder_scores - gold_scores

if __name__ == "__main__":
    import jax
    _d = setup_inputs()
    print(jax.jit(kernel)(*tuple(_d.values())))

</pallas_src>

<mosaic_0001>
#map = affine_map<(d0, d1) -> (0, 0)>
#map1 = affine_map<(d0, d1) -> (0)>
module attributes {stable_mosaic.version = 14 : i64} {
  func.func @sc_kernel(%arg0: i32, %arg1: i32, %arg2: memref<512x2048xi32, #tpu.memory_space<hbm>>, %arg3: memref<64xf32, #tpu.memory_space<hbm>>, %arg4: memref<32x16xf32, #tpu.memory_space<hbm>>, %arg5: memref<16x2048xi32, #tpu.memory_space<vmem>>, %arg6: memref<64xf32, #tpu.memory_space<vmem>>, %arg7: memref<16xf32, #tpu.memory_space<vmem>>) attributes {dimension_semantics = [#tpu.dimension_semantics<core_parallel>, #tpu.dimension_semantics<subcore_parallel>], iteration_bounds = array<i64: 2, 16>, scalar_prefetch = 0 : i64, scratch_operands = 3 : i64, tpu.core_type = #tpu.core_type<sc_vector_subcore>, window_params = [{transform_indices = #map}, {transform_indices = #map1}, {transform_indices = #map}]} {
    %mul3A = arith.constant 2 : i32
    %mul3A_0 = arith.muli %arg1, %mul3A : i32
    %add3A = arith.addi %mul3A_0, %arg0 : i32
    %mul3A_1 = arith.constant 16 : i32
    %mul3A_2 = arith.muli %add3A, %mul3A_1 : i32
    "tpu.region"() ({
      %run_scoped3A = tpu.sem_alloc : memref<!tpu.dma_semaphore, #tpu.memory_space<semaphore_mem>>
      %dma_start3A = arith.constant 0 : i32
      %dma_start3A_30 = tpu.memref_slice %arg2[%mul3A_2, %dma_start3A] : memref<512x2048xi32, #tpu.memory_space<hbm>> -> memref<16x2048xi32, #tpu.memory_space<hbm>>
      %dma_start3A_31 = arith.constant 0 : i32
      %dma_start3A_32 = tpu.memref_slice %arg2[%mul3A_2, %dma_start3A_31] : memref<512x2048xi32, #tpu.memory_space<hbm>> -> memref<16x2048xi32, #tpu.memory_space<hbm>>
      tpu.enqueue_dma source(%dma_start3A_32 : memref<16x2048xi32, #tpu.memory_space<hbm>>) target(%arg5 : memref<16x2048xi32, #tpu.memory_space<vmem>>) target_semaphore(%run_scoped3A : memref<!tpu.dma_semaphore, #tpu.memory_space<semaphore_mem>>)
      %dma_wait3A = arith.constant 0 : i32
      %dma_wait3A_33 = tpu.memref_slice %arg2[%mul3A_2, %dma_wait3A] : memref<512x2048xi32, #tpu.memory_space<hbm>> -> memref<16x2048xi32, #tpu.memory_space<hbm>>
      %dma_wait3A_34 = arith.constant 0 : i32
      %dma_wait3A_35 = tpu.memref_slice %arg2[%mul3A_2, %dma_wait3A_34] : memref<512x2048xi32, #tpu.memory_space<hbm>> -> memref<16x2048xi32, #tpu.memory_space<hbm>>
      tpu.wait_dma2 semaphore(%run_scoped3A : memref<!tpu.dma_semaphore, #tpu.memory_space<semaphore_mem>>) src(%dma_wait3A_35 : memref<16x2048xi32, #tpu.memory_space<hbm>>) dst(%arg5 : memref<16x2048xi32, #tpu.memory_space<vmem>>)
      tpu.yield
    }) : () -> ()
    "tpu.region"() ({
      %run_scoped3A = tpu.sem_alloc : memref<!tpu.dma_semaphore, #tpu.memory_space<semaphore_mem>>
      tpu.enqueue_dma source(%arg3 : memref<64xf32, #tpu.memory_space<hbm>>) target(%arg6 : memref<64xf32, #tpu.memory_space<vmem>>) target_semaphore(%run_scoped3A : memref<!tpu.dma_semaphore, #tpu.memory_space<semaphore_mem>>)
      tpu.wait_dma2 semaphore(%run_scoped3A : memref<!tpu.dma_semaphore, #tpu.memory_space<semaphore_mem>>) src(%arg3 : memref<64xf32, #tpu.memory_space<hbm>>) dst(%arg6 : memref<64xf32, #tpu.memory_space<vmem>>)
      tpu.yield
    }) : () -> ()
    %iota3A = tpu.iota {dimensions = array<i32: 0>} : vector<16xi32>
    %add3A_3 = arith.constant 1 : i32
    %add3A_4 = vector.broadcast %add3A_3 : i32 to vector<16xi32>
    %add3A_5 = arith.addi %iota3A, %add3A_4 : vector<16xi32>
    %min3A = arith.constant 15 : i32
    %min3A_6 = vector.broadcast %min3A : i32 to vector<16xi32>
    %min3A_7 = arith.minsi %add3A_5, %min3A_6 : vector<16xi32>
    %broadcast_in_dim3A = arith.constant 0 : i32
    %broadcast_in_dim3A_8 = vector.broadcast %broadcast_in_dim3A : i32 to vector<16xi32>
    %get3A = arith.constant 0 : index
    %get3A_9 = tpu.vector_load %arg6[%get3A] {strides = array<i32>} : memref<64xf32, #tpu.memory_space<vmem>>, vector<16xf32>,
    %get3A_10 = vector.shape_cast %get3A_9 : vector<16xf32> to vector<16xf32>
    %get3A_11 = arith.constant 16 : index
    %get3A_12 = tpu.vector_load %arg6[%get3A_11] {strides = array<i32>} : memref<64xf32, #tpu.memory_space<vmem>>, vector<16xf32>,
    %get3A_13 = vector.shape_cast %get3A_12 : vector<16xf32> to vector<16xf32>
    %get3A_14 = arith.constant 32 : index
    %get3A_15 = tpu.vector_load %arg6[%get3A_14] {strides = array<i32>} : memref<64xf32, #tpu.memory_space<vmem>>, vector<16xf32>,
    %get3A_16 = vector.shape_cast %get3A_15 : vector<16xf32> to vector<16xf32>
    %get3A_17 = arith.constant 48 : index
    %get3A_18 = tpu.vector_load %arg6[%get3A_17] {strides = array<i32>} : memref<64xf32, #tpu.memory_space<vmem>>, vector<16xf32>,
    %get3A_19 = vector.shape_cast %get3A_18 : vector<16xf32> to vector<16xf32>
    %broadcast_in_dim3A_20 = arith.constant 0.000000e+00 : f32
    %broadcast_in_dim3A_21 = vector.broadcast %broadcast_in_dim3A_20 : f32 to vector<16xf32>
    %scan3A = arith.constant 0 : i32
    %scan3A_22 = arith.constant 16 : i32
    %scan3A_23 = arith.addi %scan3A, %scan3A_22 : i32
    %scan3A_24 = arith.constant 1 : i32
    %scan3A_25 = scf.for %scan3A_30 = %scan3A to %scan3A_23 step %scan3A_24 iter_args(%scan3A_31 = %broadcast_in_dim3A_21) -> (vector<16xf32>)  : i32 {
      %scan3A_32 = arith.constant 0 : i32
      %scan3A_33 = arith.constant 127 : i32
      %scan3A_34 = arith.addi %scan3A_32, %scan3A_33 : i32
      %scan3A_35 = arith.constant 1 : i32
      %scan3A_36 = scf.for %scan3A_86 = %scan3A_32 to %scan3A_34 step %scan3A_35 iter_args(%scan3A_87 = %scan3A_31) -> (vector<16xf32>)  : i32 {
        %mul3A_88 = arith.constant 16 : i32
        %mul3A_89 = arith.muli %scan3A_86, %mul3A_88 : i32
        %get3A_90 = arith.index_cast %scan3A_30 : i32 to index
        %get3A_91 = arith.index_cast %mul3A_89 : i32 to index
        %get3A_92 = tpu.vector_load %arg5[%get3A_90, %get3A_91] {strides = array<i32>} : memref<16x2048xi32, #tpu.memory_space<vmem>>, vector<1x16xi32>,
        %get3A_93 = vector.shape_cast %get3A_92 : vector<1x16xi32> to vector<16xi32>
        %mul3A_94 = arith.constant 16 : i32
        %mul3A_95 = arith.muli %scan3A_86, %mul3A_94 : i32
        %add3A_96 = arith.constant 16 : i32
        %add3A_97 = arith.addi %mul3A_95, %add3A_96 : i32
        %get3A_98 = arith.index_cast %scan3A_30 : i32 to index
        %get3A_99 = arith.index_cast %add3A_97 : i32 to index
        %get3A_100 = tpu.vector_load %arg5[%get3A_98, %get3A_99] {strides = array<i32>} : memref<16x2048xi32, #tpu.memory_space<vmem>>, vector<1x16xi32>,
        %get3A_101 = vector.shape_cast %get3A_100 : vector<1x16xi32> to vector<16xi32>
        %mul3A_102 = arith.constant 8 : i32
        %mul3A_103 = vector.broadcast %mul3A_102 : i32 to vector<16xi32>
        %mul3A_104 = arith.muli %get3A_93, %mul3A_103 : vector<16xi32>
        %lt3A_105 = arith.constant 15 : i32
        %lt3A_106 = vector.broadcast %lt3A_105 : i32 to vector<16xi32>
        %lt3A_107 = arith.cmpi slt, %iota3A, %lt3A_106 : vector<16xi32>
        %broadcast_in_dim3A_108 = vector.shape_cast %min3A_7 : vector<16xi32> to vector<16x1xi32>
        %gather3A_109 = vector.shape_cast %broadcast_in_dim3A_108 : vector<16x1xi32> to vector<16xi32>
        %gather3A_110 = tpu.dynamic_gather %get3A_93[%gather3A_109] in [0] : vector<16xi32>, vector<16xi32> -> vector<16xi32>
        %broadcast_in_dim3A_111 = vector.shape_cast %broadcast_in_dim3A_8 : vector<16xi32> to vector<16x1xi32>
        %gather3A_112 = vector.shape_cast %broadcast_in_dim3A_111 : vector<16x1xi32> to vector<16xi32>
        %gather3A_113 = tpu.dynamic_gather %get3A_101[%gather3A_112] in [0] : vector<16xi32>, vector<16xi32> -> vector<16xi32>
        %select_n3A_114 = arith.select %lt3A_107, %gather3A_110, %gather3A_113 : vector<16xi1>, vector<16xi32>
        %add3A_115 = arith.addi %mul3A_104, %select_n3A_114 : vector<16xi32>
        %and3A_116 = arith.constant 15 : i32
        %and3A_117 = vector.broadcast %and3A_116 : i32 to vector<16xi32>
        %and3A_118 = arith.andi %add3A_115, %and3A_117 : vector<16xi32>
        %shift_right_logical3A_119 = arith.constant 4 : i32
        %shift_right_logical3A_120 = vector.broadcast %shift_right_logical3A_119 : i32 to vector<16xi32>
        %shift_right_logical3A_121 = arith.shrui %add3A_115, %shift_right_logical3A_120 : vector<16xi32>
        %eq3A_122 = arith.constant 0 : i32
        %eq3A_123 = vector.broadcast %eq3A_122 : i32 to vector<16xi32>
        %eq3A_124 = arith.cmpi eq, %shift_right_logical3A_121, %eq3A_123 : vector<16xi32>
        %broadcast_in_dim3A_125 = vector.shape_cast %and3A_118 : vector<16xi32> to vector<16x1xi32>
        %gather3A_126 = vector.shape_cast %broadcast_in_dim3A_125 : vector<16x1xi32> to vector<16xi32>
        %gather3A_127 = tpu.dynamic_gather %get3A_10[%gather3A_126] in [0] : vector<16xf32>, vector<16xi32> -> vector<16xf32>
        %broadcast_in_dim3A_128 = vector.shape_cast %and3A_118 : vector<16xi32> to vector<16x1xi32>
        %gather3A_129 = vector.shape_cast %broadcast_in_dim3A_128 : vector<16x1xi32> to vector<16xi32>
        %gather3A_130 = tpu.dynamic_gather %get3A_13[%gather3A_129] in [0] : vector<16xf32>, vector<16xi32> -> vector<16xf32>
        %select_n3A_131 = arith.select %eq3A_124, %gather3A_127, %gather3A_130 : vector<16xi1>, vector<16xf32>
        %eq3A_132 = arith.constant 2 : i32
        %eq3A_133 = vector.broadcast %eq3A_132 : i32 to vector<16xi32>
        %eq3A_134 = arith.cmpi eq, %shift_right_logical3A_121, %eq3A_133 : vector<16xi32>
        %broadcast_in_dim3A_135 = vector.shape_cast %and3A_118 : vector<16xi32> to vector<16x1xi32>
        %gather3A_136 = vector.shape_cast %broadcast_in_dim3A_135 : vector<16x1xi32> to vector<16xi32>
        %gather3A_137 = tpu.dynamic_gather %get3A_16[%gather3A_136] in [0] : vector<16xf32>, vector<16xi32> -> vector<16xf32>
        %broadcast_in_dim3A_138 = vector.shape_cast %and3A_118 : vector<16xi32> to vector<16x1xi32>
        %gather3A_139 = vector.shape_cast %broadcast_in_dim3A_138 : vector<16x1xi32> to vector<16xi32>
        %gather3A_140 = tpu.dynamic_gather %get3A_19[%gather3A_139] in [0] : vector<16xf32>, vector<16xi32> -> vector<16xf32>
        %select_n3A_141 = arith.select %eq3A_134, %gather3A_137, %gather3A_140 : vector<16xi1>, vector<16xf32>
        %lt3A_142 = arith.constant 2 : i32
        %lt3A_143 = vector.broadcast %lt3A_142 : i32 to vector<16xi32>
        %lt3A_144 = arith.cmpi slt, %shift_right_logical3A_121, %lt3A_143 : vector<16xi32>
        %select_n3A_145 = arith.select %lt3A_144, %select_n3A_131, %select_n3A_141 : vector<16xi1>, vector<16xf32>
        %add3A_146 = arith.addf %scan3A_87, %select_n3A_145 : vector<16xf32>
        scf.yield %add3A_146 : vector<16xf32>
      }
      %scan3A_37 = arith.constant 127 : i32
      %get3A_38 = arith.index_cast %scan3A_30 : i32 to index
      %get3A_39 = arith.constant 2032 : index
      %get3A_40 = tpu.vector_load %arg5[%get3A_38, %get3A_39] {strides = array<i32>} : memref<16x2048xi32, #tpu.memory_space<vmem>>, vector<1x16xi32>,
      %get3A_41 = vector.shape_cast %get3A_40 : vector<1x16xi32> to vector<16xi32>
      %mul3A_42 = arith.constant 8 : i32
      %mul3A_43 = vector.broadcast %mul3A_42 : i32 to vector<16xi32>
      %mul3A_44 = arith.muli %get3A_41, %mul3A_43 : vector<16xi32>
      %lt3A = arith.constant 15 : i32
      %lt3A_45 = vector.broadcast %lt3A : i32 to vector<16xi32>
      %lt3A_46 = arith.cmpi slt, %iota3A, %lt3A_45 : vector<16xi32>
      %broadcast_in_dim3A_47 = vector.shape_cast %min3A_7 : vector<16xi32> to vector<16x1xi32>
      %gather3A = vector.shape_cast %broadcast_in_dim3A_47 : vector<16x1xi32> to vector<16xi32>
      %gather3A_48 = tpu.dynamic_gather %get3A_41[%gather3A] in [0] : vector<16xi32>, vector<16xi32> -> vector<16xi32>
      %broadcast_in_dim3A_49 = vector.shape_cast %broadcast_in_dim3A_8 : vector<16xi32> to vector<16x1xi32>
      %gather3A_50 = vector.shape_cast %broadcast_in_dim3A_49 : vector<16x1xi32> to vector<16xi32>
      %gather3A_51 = tpu.dynamic_gather %get3A_41[%gather3A_50] in [0] : vector<16xi32>, vector<16xi32> -> vector<16xi32>
      %select_n3A = arith.select %lt3A_46, %gather3A_48, %gather3A_51 : vector<16xi1>, vector<16xi32>
      %add3A_52 = arith.addi %mul3A_44, %select_n3A : vector<16xi32>
      %and3A = arith.constant 15 : i32
      %and3A_53 = vector.broadcast %and3A : i32 to vector<16xi32>
      %and3A_54 = arith.andi %add3A_52, %and3A_53 : vector<16xi32>
      %shift_right_logical3A = arith.constant 4 : i32
      %shift_right_logical3A_55 = vector.broadcast %shift_right_logical3A : i32 to vector<16xi32>
      %shift_right_logical3A_56 = arith.shrui %add3A_52, %shift_right_logical3A_55 : vector<16xi32>
      %eq3A = arith.constant 0 : i32
      %eq3A_57 = vector.broadcast %eq3A : i32 to vector<16xi32>
      %eq3A_58 = arith.cmpi eq, %shift_right_logical3A_56, %eq3A_57 : vector<16xi32>
      %broadcast_in_dim3A_59 = vector.shape_cast %and3A_54 : vector<16xi32> to vector<16x1xi32>
      %gather3A_60 = vector.shape_cast %broadcast_in_dim3A_59 : vector<16x1xi32> to vector<16xi32>
      %gather3A_61 = tpu.dynamic_gather %get3A_10[%gather3A_60] in [0] : vector<16xf32>, vector<16xi32> -> vector<16xf32>
      %broadcast_in_dim3A_62 = vector.shape_cast %and3A_54 : vector<16xi32> to vector<16x1xi32>
      %gather3A_63 = vector.shape_cast %broadcast_in_dim3A_62 : vector<16x1xi32> to vector<16xi32>
      %gather3A_64 = tpu.dynamic_gather %get3A_13[%gather3A_63] in [0] : vector<16xf32>, vector<16xi32> -> vector<16xf32>
      %select_n3A_65 = arith.select %eq3A_58, %gather3A_61, %gather3A_64 : vector<16xi1>, vector<16xf32>
      %eq3A_66 = arith.constant 2 : i32
      %eq3A_67 = vector.broadcast %eq3A_66 : i32 to vector<16xi32>
      %eq3A_68 = arith.cmpi eq, %shift_right_logical3A_56, %eq3A_67 : vector<16xi32>
      %broadcast_in_dim3A_69 = vector.shape_cast %and3A_54 : vector<16xi32> to vector<16x1xi32>
      %gather3A_70 = vector.shape_cast %broadcast_in_dim3A_69 : vector<16x1xi32> to vector<16xi32>
      %gather3A_71 = tpu.dynamic_gather %get3A_16[%gather3A_70] in [0] : vector<16xf32>, vector<16xi32> -> vector<16xf32>
      %broadcast_in_dim3A_72 = vector.shape_cast %and3A_54 : vector<16xi32> to vector<16x1xi32>
      %gather3A_73 = vector.shape_cast %broadcast_in_dim3A_72 : vector<16x1xi32> to vector<16xi32>
      %gather3A_74 = tpu.dynamic_gather %get3A_19[%gather3A_73] in [0] : vector<16xf32>, vector<16xi32> -> vector<16xf32>
      %select_n3A_75 = arith.select %eq3A_68, %gather3A_71, %gather3A_74 : vector<16xi1>, vector<16xf32>
      %lt3A_76 = arith.constant 2 : i32
      %lt3A_77 = vector.broadcast %lt3A_76 : i32 to vector<16xi32>
      %lt3A_78 = arith.cmpi slt, %shift_right_logical3A_56, %lt3A_77 : vector<16xi32>
      %select_n3A_79 = arith.select %lt3A_78, %select_n3A_65, %select_n3A_75 : vector<16xi1>, vector<16xf32>
      %lt3A_80 = arith.constant 15 : i32
      %lt3A_81 = vector.broadcast %lt3A_80 : i32 to vector<16xi32>
      %lt3A_82 = arith.cmpi slt, %iota3A, %lt3A_81 : vector<16xi32>
      %jit3A = arith.constant 0.000000e+00 : f32
      %broadcast_in_dim3A_83 = vector.broadcast %jit3A : f32 to vector<16xf32>
      %select_n3A_84 = arith.select %lt3A_82, %select_n3A_79, %broadcast_in_dim3A_83 : vector<16xi1>, vector<16xf32>
      %add3A_85 = arith.addf %scan3A_36, %select_n3A_84 : vector<16xf32>
      scf.yield %add3A_85 : vector<16xf32>
    }
    %scan3A_26 = arith.constant 16 : i32
    %swap3A = arith.constant 0 : index
    %swap3A_27 = tpu.vector_load %arg7[%swap3A] {strides = array<i32>} : memref<16xf32, #tpu.memory_space<vmem>>, vector<16xf32>,
    %swap3A_28 = vector.shape_cast %swap3A_27 : vector<16xf32> to vector<16xf32>
    %swap3A_29 = vector.shape_cast %scan3A_25 : vector<16xf32> to vector<16xf32>
    tpu.vector_store %arg7[%swap3A], %swap3A_29 {strides = array<i32>} : memref<16xf32, #tpu.memory_space<vmem>>, vector<16xf32>,
    "tpu.region"() ({
      %run_scoped3A = tpu.sem_alloc : memref<!tpu.dma_semaphore, #tpu.memory_space<semaphore_mem>>
      %dma_start3A = arith.constant 0 : i32
      %dma_start3A_30 = tpu.memref_slice %arg4[%add3A, %dma_start3A] : memref<32x16xf32, #tpu.memory_space<hbm>> -> memref<1x16xf32, #tpu.memory_space<hbm>>
      %dma_start3A_31 = tpu.memref_squeeze %dma_start3A_30 : memref<1x16xf32, #tpu.memory_space<hbm>> -> memref<16xf32, #tpu.memory_space<hbm>>
      %dma_start3A_32 = arith.constant 0 : i32
      %dma_start3A_33 = tpu.memref_slice %arg4[%add3A, %dma_start3A_32] : memref<32x16xf32, #tpu.memory_space<hbm>> -> memref<1x16xf32, #tpu.memory_space<hbm>>
      %dma_start3A_34 = tpu.memref_squeeze %dma_start3A_33 : memref<1x16xf32, #tpu.memory_space<hbm>> -> memref<16xf32, #tpu.memory_space<hbm>>
      tpu.enqueue_dma source(%arg7 : memref<16xf32, #tpu.memory_space<vmem>>) target(%dma_start3A_34 : memref<16xf32, #tpu.memory_space<hbm>>) target_semaphore(%run_scoped3A : memref<!tpu.dma_semaphore, #tpu.memory_space<semaphore_mem>>)
      %dma_wait3A = arith.constant 0 : i32
      %dma_wait3A_35 = tpu.memref_slice %arg4[%add3A, %dma_wait3A] : memref<32x16xf32, #tpu.memory_space<hbm>> -> memref<1x16xf32, #tpu.memory_space<hbm>>
      %dma_wait3A_36 = tpu.memref_squeeze %dma_wait3A_35 : memref<1x16xf32, #tpu.memory_space<hbm>> -> memref<16xf32, #tpu.memory_space<hbm>>
      %dma_wait3A_37 = arith.constant 0 : i32
      %dma_wait3A_38 = tpu.memref_slice %arg4[%add3A, %dma_wait3A_37] : memref<32x16xf32, #tpu.memory_space<hbm>> -> memref<1x16xf32, #tpu.memory_space<hbm>>
      %dma_wait3A_39 = tpu.memref_squeeze %dma_wait3A_38 : memref<1x16xf32, #tpu.memory_space<hbm>> -> memref<16xf32, #tpu.memory_space<hbm>>
      tpu.wait_dma2 semaphore(%run_scoped3A : memref<!tpu.dma_semaphore, #tpu.memory_space<semaphore_mem>>) src(%arg7 : memref<16xf32, #tpu.memory_space<vmem>>) dst(%dma_wait3A_39 : memref<16xf32, #tpu.memory_space<hbm>>)
      tpu.yield
    }) : () -> ()
    return
  }
}

module attributes {stable_mosaic.version = 14 : i64} {
  func.func @_tc_body(%arg0: i32, %arg1: memref<128x8x512xf32, #tpu.memory_space<vmem>>, %arg2: memref<128x512xi32, #tpu.memory_space<vmem>>, %arg3: memref<8x8xf32, #tpu.memory_space<vmem>>, %arg4: memref<8x128xf32, #tpu.memory_space<vmem>>, %arg5: memref<8x512xf32, #tpu.memory_space<vmem>>, %arg6: memref<1x512xi32, #tpu.memory_space<vmem>>, %arg7: memref<8x512xf32, #tpu.memory_space<vmem>>) attributes {dimension_semantics = [#tpu.dimension_semantics<arbitrary>], iteration_bounds = array<i64: 16>, scalar_prefetch = 0 : i64, scratch_operands = 3 : i64, tpu.core_type = #tpu.core_type<tc>, window_params = [{transform_indices = @transform_0, window_bounds = array<i64: 128, 8, 512>}, {transform_indices = @transform_1, window_bounds = array<i64: 128, 512>}, {pipeline_mode = #tpu.pipeline_mode<synchronous>, transform_indices = @transform_2, window_bounds = array<i64: 8, 8>}, {pipeline_mode = #tpu.pipeline_mode<synchronous>, transform_indices = @transform_3, window_bounds = array<i64: 8, 128>}]} {
    %iota3A = tpu.iota {dimensions = array<i32: 0>} : vector<8x512xi32>
    %get3A = arith.constant 0 : index
    %get3A_0 = arith.constant 0 : index
    %get3A_1 = vector.load %arg3[%get3A, %get3A_0] : memref<8x8xf32, #tpu.memory_space<vmem>>, vector<8x8xf32>
    %exp3A = math.exp %get3A_1 : vector<8x8xf32>
    %iota3A_2 = tpu.iota {dimensions = array<i32: 0>} : vector<8x8xi32>
    %iota3A_3 = tpu.iota {dimensions = array<i32: 1>} : vector<8x8xi32>
    %add3A = arith.constant 0 : i32
    %add3A_4 = vector.broadcast %add3A : i32 to vector<8x8xi32>
    %add3A_5 = arith.addi %iota3A_2, %add3A_4 : vector<8x8xi32>
    %jit3A = arith.constant 8 : i32
    %eq3A = arith.constant 0 : i32
    %eq3A_6 = arith.cmpi eq, %jit3A, %eq3A : i32
    %jit3A_7 = arith.constant 1 : i32
    %select_n3A = arith.select %eq3A_6, %jit3A_7, %jit3A : i32
    %rem3A = vector.broadcast %select_n3A : i32 to vector<8x8xi32>
    %rem3A_8 = arith.remsi %add3A_5, %rem3A : vector<8x8xi32>
    %ne3A = arith.constant 0 : i32
    %ne3A_9 = vector.broadcast %ne3A : i32 to vector<8x8xi32>
    %ne3A_10 = arith.cmpi ne, %rem3A_8, %ne3A_9 : vector<8x8xi32>
    %lt3A = arith.constant 0 : i32
    %lt3A_11 = vector.broadcast %lt3A : i32 to vector<8x8xi32>
    %lt3A_12 = arith.cmpi slt, %rem3A_8, %lt3A_11 : vector<8x8xi32>
    %lt3A_13 = arith.constant 0 : i32
    %lt3A_14 = arith.cmpi slt, %select_n3A, %lt3A_13 : i32
    %ne3A_15 = vector.broadcast %lt3A_14 : i1 to vector<8x8xi1>
    %ne3A_16 = vector.broadcast %ne3A_15 : vector<8x8xi1> to vector<8x8xi1>
    %ne3A_17 = arith.xori %lt3A_12, %ne3A_16 : vector<8x8xi1>
    %and3A = arith.andi %ne3A_17, %ne3A_10 : vector<8x8xi1>
    %add3A_18 = vector.broadcast %select_n3A : i32 to vector<8x8xi32>
    %add3A_19 = arith.addi %rem3A_8, %add3A_18 : vector<8x8xi32>
    %select_n3A_20 = arith.select %and3A, %add3A_19, %rem3A_8 : vector<8x8xi1>, vector<8x8xi32>
    %eq3A_21 = arith.cmpi eq, %iota3A_3, %select_n3A_20 : vector<8x8xi32>
    %jit3A_22 = arith.constant 0.000000e+00 : f32
    %broadcast_in_dim3A = vector.broadcast %jit3A_22 : f32 to vector<8x8xf32>
    %select_n3A_23 = arith.select %eq3A_21, %exp3A, %broadcast_in_dim3A : vector<8x8xi1>, vector<8x8xf32>
    %reduce_sum3A = arith.constant dense<0.000000e+00> : vector<8xf32>
    %reduce_sum3A_24 = vector.multi_reduction <add>, %select_n3A_23, %reduce_sum3A [1] : vector<8x8xf32> to vector<8xf32>
    %broadcast_in_dim3A_25 = vector.shape_cast %reduce_sum3A_24 : vector<8xf32> to vector<8x1xf32>
    %add3A_26 = arith.constant 1 : i32
    %add3A_27 = vector.broadcast %add3A_26 : i32 to vector<8x8xi32>
    %add3A_28 = arith.addi %iota3A_2, %add3A_27 : vector<8x8xi32>
    %jit3A_29 = arith.constant 8 : i32
    %eq3A_30 = arith.constant 0 : i32
    %eq3A_31 = arith.cmpi eq, %jit3A_29, %eq3A_30 : i32
    %jit3A_32 = arith.constant 1 : i32
    %select_n3A_33 = arith.select %eq3A_31, %jit3A_32, %jit3A_29 : i32
    %rem3A_34 = vector.broadcast %select_n3A_33 : i32 to vector<8x8xi32>
    %rem3A_35 = arith.remsi %add3A_28, %rem3A_34 : vector<8x8xi32>
    %ne3A_36 = arith.constant 0 : i32
    %ne3A_37 = vector.broadcast %ne3A_36 : i32 to vector<8x8xi32>
    %ne3A_38 = arith.cmpi ne, %rem3A_35, %ne3A_37 : vector<8x8xi32>
    %lt3A_39 = arith.constant 0 : i32
    %lt3A_40 = vector.broadcast %lt3A_39 : i32 to vector<8x8xi32>
    %lt3A_41 = arith.cmpi slt, %rem3A_35, %lt3A_40 : vector<8x8xi32>
    %lt3A_42 = arith.constant 0 : i32
    %lt3A_43 = arith.cmpi slt, %select_n3A_33, %lt3A_42 : i32
    %ne3A_44 = vector.broadcast %lt3A_43 : i1 to vector<8x8xi1>
    %ne3A_45 = vector.broadcast %ne3A_44 : vector<8x8xi1> to vector<8x8xi1>
    %ne3A_46 = arith.xori %lt3A_41, %ne3A_45 : vector<8x8xi1>
    %and3A_47 = arith.andi %ne3A_46, %ne3A_38 : vector<8x8xi1>
    %add3A_48 = vector.broadcast %select_n3A_33 : i32 to vector<8x8xi32>
    %add3A_49 = arith.addi %rem3A_35, %add3A_48 : vector<8x8xi32>
    %select_n3A_50 = arith.select %and3A_47, %add3A_49, %rem3A_35 : vector<8x8xi1>, vector<8x8xi32>
    %eq3A_51 = arith.cmpi eq, %iota3A_3, %select_n3A_50 : vector<8x8xi32>
    %jit3A_52 = arith.constant 0.000000e+00 : f32
    %broadcast_in_dim3A_53 = vector.broadcast %jit3A_52 : f32 to vector<8x8xf32>
    %select_n3A_54 = arith.select %eq3A_51, %exp3A, %broadcast_in_dim3A_53 : vector<8x8xi1>, vector<8x8xf32>
    %reduce_sum3A_55 = arith.constant dense<0.000000e+00> : vector<8xf32>
    %reduce_sum3A_56 = vector.multi_reduction <add>, %select_n3A_54, %reduce_sum3A_55 [1] : vector<8x8xf32> to vector<8xf32>
    %broadcast_in_dim3A_57 = vector.shape_cast %reduce_sum3A_56 : vector<8xf32> to vector<8x1xf32>
    %add3A_58 = arith.constant 2 : i32
    %add3A_59 = vector.broadcast %add3A_58 : i32 to vector<8x8xi32>
    %add3A_60 = arith.addi %iota3A_2, %add3A_59 : vector<8x8xi32>
    %jit3A_61 = arith.constant 8 : i32
    %eq3A_62 = arith.constant 0 : i32
    %eq3A_63 = arith.cmpi eq, %jit3A_61, %eq3A_62 : i32
    %jit3A_64 = arith.constant 1 : i32
    %select_n3A_65 = arith.select %eq3A_63, %jit3A_64, %jit3A_61 : i32
    %rem3A_66 = vector.broadcast %select_n3A_65 : i32 to vector<8x8xi32>
    %rem3A_67 = arith.remsi %add3A_60, %rem3A_66 : vector<8x8xi32>
    %ne3A_68 = arith.constant 0 : i32
    %ne3A_69 = vector.broadcast %ne3A_68 : i32 to vector<8x8xi32>
    %ne3A_70 = arith.cmpi ne, %rem3A_67, %ne3A_69 : vector<8x8xi32>
    %lt3A_71 = arith.constant 0 : i32
    %lt3A_72 = vector.broadcast %lt3A_71 : i32 to vector<8x8xi32>
    %lt3A_73 = arith.cmpi slt, %rem3A_67, %lt3A_72 : vector<8x8xi32>
    %lt3A_74 = arith.constant 0 : i32
    %lt3A_75 = arith.cmpi slt, %select_n3A_65, %lt3A_74 : i32
    %ne3A_76 = vector.broadcast %lt3A_75 : i1 to vector<8x8xi1>
    %ne3A_77 = vector.broadcast %ne3A_76 : vector<8x8xi1> to vector<8x8xi1>
    %ne3A_78 = arith.xori %lt3A_73, %ne3A_77 : vector<8x8xi1>
    %and3A_79 = arith.andi %ne3A_78, %ne3A_70 : vector<8x8xi1>
    %add3A_80 = vector.broadcast %select_n3A_65 : i32 to vector<8x8xi32>
    %add3A_81 = arith.addi %rem3A_67, %add3A_80 : vector<8x8xi32>
    %select_n3A_82 = arith.select %and3A_79, %add3A_81, %rem3A_67 : vector<8x8xi1>, vector<8x8xi32>
    %eq3A_83 = arith.cmpi eq, %iota3A_3, %select_n3A_82 : vector<8x8xi32>
    %jit3A_84 = arith.constant 0.000000e+00 : f32
    %broadcast_in_dim3A_85 = vector.broadcast %jit3A_84 : f32 to vector<8x8xf32>
    %select_n3A_86 = arith.select %eq3A_83, %exp3A, %broadcast_in_dim3A_85 : vector<8x8xi1>, vector<8x8xf32>
    %reduce_sum3A_87 = arith.constant dense<0.000000e+00> : vector<8xf32>
    %reduce_sum3A_88 = vector.multi_reduction <add>, %select_n3A_86, %reduce_sum3A_87 [1] : vector<8x8xf32> to vector<8xf32>
    %broadcast_in_dim3A_89 = vector.shape_cast %reduce_sum3A_88 : vector<8xf32> to vector<8x1xf32>
    %add3A_90 = arith.constant 3 : i32
    %add3A_91 = vector.broadcast %add3A_90 : i32 to vector<8x8xi32>
    %add3A_92 = arith.addi %iota3A_2, %add3A_91 : vector<8x8xi32>
    %jit3A_93 = arith.constant 8 : i32
    %eq3A_94 = arith.constant 0 : i32
    %eq3A_95 = arith.cmpi eq, %jit3A_93, %eq3A_94 : i32
    %jit3A_96 = arith.constant 1 : i32
    %select_n3A_97 = arith.select %eq3A_95, %jit3A_96, %jit3A_93 : i32
    %rem3A_98 = vector.broadcast %select_n3A_97 : i32 to vector<8x8xi32>
    %rem3A_99 = arith.remsi %add3A_92, %rem3A_98 : vector<8x8xi32>
    %ne3A_100 = arith.constant 0 : i32
    %ne3A_101 = vector.broadcast %ne3A_100 : i32 to vector<8x8xi32>
    %ne3A_102 = arith.cmpi ne, %rem3A_99, %ne3A_101 : vector<8x8xi32>
    %lt3A_103 = arith.constant 0 : i32
    %lt3A_104 = vector.broadcast %lt3A_103 : i32 to vector<8x8xi32>
    %lt3A_105 = arith.cmpi slt, %rem3A_99, %lt3A_104 : vector<8x8xi32>
    %lt3A_106 = arith.constant 0 : i32
    %lt3A_107 = arith.cmpi slt, %select_n3A_97, %lt3A_106 : i32
    %ne3A_108 = vector.broadcast %lt3A_107 : i1 to vector<8x8xi1>
    %ne3A_109 = vector.broadcast %ne3A_108 : vector<8x8xi1> to vector<8x8xi1>
    %ne3A_110 = arith.xori %lt3A_105, %ne3A_109 : vector<8x8xi1>
    %and3A_111 = arith.andi %ne3A_110, %ne3A_102 : vector<8x8xi1>
    %add3A_112 = vector.broadcast %select_n3A_97 : i32 to vector<8x8xi32>
    %add3A_113 = arith.addi %rem3A_99, %add3A_112 : vector<8x8xi32>
    %select_n3A_114 = arith.select %and3A_111, %add3A_113, %rem3A_99 : vector<8x8xi1>, vector<8x8xi32>
    %eq3A_115 = arith.cmpi eq, %iota3A_3, %select_n3A_114 : vector<8x8xi32>
    %jit3A_116 = arith.constant 0.000000e+00 : f32
    %broadcast_in_dim3A_117 = vector.broadcast %jit3A_116 : f32 to vector<8x8xf32>
    %select_n3A_118 = arith.select %eq3A_115, %exp3A, %broadcast_in_dim3A_117 : vector<8x8xi1>, vector<8x8xf32>
    %reduce_sum3A_119 = arith.constant dense<0.000000e+00> : vector<8xf32>
    %reduce_sum3A_120 = vector.multi_reduction <add>, %select_n3A_118, %reduce_sum3A_119 [1] : vector<8x8xf32> to vector<8xf32>
    %broadcast_in_dim3A_121 = vector.shape_cast %reduce_sum3A_120 : vector<8xf32> to vector<8x1xf32>
    %add3A_122 = arith.constant 4 : i32
    %add3A_123 = vector.broadcast %add3A_122 : i32 to vector<8x8xi32>
    %add3A_124 = arith.addi %iota3A_2, %add3A_123 : vector<8x8xi32>
    %jit3A_125 = arith.constant 8 : i32
    %eq3A_126 = arith.constant 0 : i32
    %eq3A_127 = arith.cmpi eq, %jit3A_125, %eq3A_126 : i32
    %jit3A_128 = arith.constant 1 : i32
    %select_n3A_129 = arith.select %eq3A_127, %jit3A_128, %jit3A_125 : i32
    %rem3A_130 = vector.broadcast %select_n3A_129 : i32 to vector<8x8xi32>
    %rem3A_131 = arith.remsi %add3A_124, %rem3A_130 : vector<8x8xi32>
    %ne3A_132 = arith.constant 0 : i32
    %ne3A_133 = vector.broadcast %ne3A_132 : i32 to vector<8x8xi32>
    %ne3A_134 = arith.cmpi ne, %rem3A_131, %ne3A_133 : vector<8x8xi32>
    %lt3A_135 = arith.constant 0 : i32
    %lt3A_136 = vector.broadcast %lt3A_135 : i32 to vector<8x8xi32>
    %lt3A_137 = arith.cmpi slt, %rem3A_131, %lt3A_136 : vector<8x8xi32>
    %lt3A_138 = arith.constant 0 : i32
    %lt3A_139 = arith.cmpi slt, %select_n3A_129, %lt3A_138 : i32
    %ne3A_140 = vector.broadcast %lt3A_139 : i1 to vector<8x8xi1>
    %ne3A_141 = vector.broadcast %ne3A_140 : vector<8x8xi1> to vector<8x8xi1>
    %ne3A_142 = arith.xori %lt3A_137, %ne3A_141 : vector<8x8xi1>
    %and3A_143 = arith.andi %ne3A_142, %ne3A_134 : vector<8x8xi1>
    %add3A_144 = vector.broadcast %select_n3A_129 : i32 to vector<8x8xi32>
    %add3A_145 = arith.addi %rem3A_131, %add3A_144 : vector<8x8xi32>
    %select_n3A_146 = arith.select %and3A_143, %add3A_145, %rem3A_131 : vector<8x8xi1>, vector<8x8xi32>
    %eq3A_147 = arith.cmpi eq, %iota3A_3, %select_n3A_146 : vector<8x8xi32>
    %jit3A_148 = arith.constant 0.000000e+00 : f32
    %broadcast_in_dim3A_149 = vector.broadcast %jit3A_148 : f32 to vector<8x8xf32>
    %select_n3A_150 = arith.select %eq3A_147, %exp3A, %broadcast_in_dim3A_149 : vector<8x8xi1>, vector<8x8xf32>
    %reduce_sum3A_151 = arith.constant dense<0.000000e+00> : vector<8xf32>
    %reduce_sum3A_152 = vector.multi_reduction <add>, %select_n3A_150, %reduce_sum3A_151 [1] : vector<8x8xf32> to vector<8xf32>
    %broadcast_in_dim3A_153 = vector.shape_cast %reduce_sum3A_152 : vector<8xf32> to vector<8x1xf32>
    %add3A_154 = arith.constant 5 : i32
    %add3A_155 = vector.broadcast %add3A_154 : i32 to vector<8x8xi32>
    %add3A_156 = arith.addi %iota3A_2, %add3A_155 : vector<8x8xi32>
    %jit3A_157 = arith.constant 8 : i32
    %eq3A_158 = arith.constant 0 : i32
    %eq3A_159 = arith.cmpi eq, %jit3A_157, %eq3A_158 : i32
    %jit3A_160 = arith.constant 1 : i32
    %select_n3A_161 = arith.select %eq3A_159, %jit3A_160, %jit3A_157 : i32
    %rem3A_162 = vector.broadcast %select_n3A_161 : i32 to vector<8x8xi32>
    %rem3A_163 = arith.remsi %add3A_156, %rem3A_162 : vector<8x8xi32>
    %ne3A_164 = arith.constant 0 : i32
    %ne3A_165 = vector.broadcast %ne3A_164 : i32 to vector<8x8xi32>
    %ne3A_166 = arith.cmpi ne, %rem3A_163, %ne3A_165 : vector<8x8xi32>
    %lt3A_167 = arith.constant 0 : i32
    %lt3A_168 = vector.broadcast %lt3A_167 : i32 to vector<8x8xi32>
    %lt3A_169 = arith.cmpi slt, %rem3A_163, %lt3A_168 : vector<8x8xi32>
    %lt3A_170 = arith.constant 0 : i32
    %lt3A_171 = arith.cmpi slt, %select_n3A_161, %lt3A_170 : i32
    %ne3A_172 = vector.broadcast %lt3A_171 : i1 to vector<8x8xi1>
    %ne3A_173 = vector.broadcast %ne3A_172 : vector<8x8xi1> to vector<8x8xi1>
    %ne3A_174 = arith.xori %lt3A_169, %ne3A_173 : vector<8x8xi1>
    %and3A_175 = arith.andi %ne3A_174, %ne3A_166 : vector<8x8xi1>
    %add3A_176 = vector.broadcast %select_n3A_161 : i32 to vector<8x8xi32>
    %add3A_177 = arith.addi %rem3A_163, %add3A_176 : vector<8x8xi32>
    %select_n3A_178 = arith.select %and3A_175, %add3A_177, %rem3A_163 : vector<8x8xi1>, vector<8x8xi32>
    %eq3A_179 = arith.cmpi eq, %iota3A_3, %select_n3A_178 : vector<8x8xi32>
    %jit3A_180 = arith.constant 0.000000e+00 : f32
    %broadcast_in_dim3A_181 = vector.broadcast %jit3A_180 : f32 to vector<8x8xf32>
    %select_n3A_182 = arith.select %eq3A_179, %exp3A, %broadcast_in_dim3A_181 : vector<8x8xi1>, vector<8x8xf32>
    %reduce_sum3A_183 = arith.constant dense<0.000000e+00> : vector<8xf32>
    %reduce_sum3A_184 = vector.multi_reduction <add>, %select_n3A_182, %reduce_sum3A_183 [1] : vector<8x8xf32> to vector<8xf32>
    %broadcast_in_dim3A_185 = vector.shape_cast %reduce_sum3A_184 : vector<8xf32> to vector<8x1xf32>
    %add3A_186 = arith.constant 6 : i32
    %add3A_187 = vector.broadcast %add3A_186 : i32 to vector<8x8xi32>
    %add3A_188 = arith.addi %iota3A_2, %add3A_187 : vector<8x8xi32>
    %jit3A_189 = arith.constant 8 : i32
    %eq3A_190 = arith.constant 0 : i32
    %eq3A_191 = arith.cmpi eq, %jit3A_189, %eq3A_190 : i32
    %jit3A_192 = arith.constant 1 : i32
    %select_n3A_193 = arith.select %eq3A_191, %jit3A_192, %jit3A_189 : i32
    %rem3A_194 = vector.broadcast %select_n3A_193 : i32 to vector<8x8xi32>
    %rem3A_195 = arith.remsi %add3A_188, %rem3A_194 : vector<8x8xi32>
    %ne3A_196 = arith.constant 0 : i32
    %ne3A_197 = vector.broadcast %ne3A_196 : i32 to vector<8x8xi32>
    %ne3A_198 = arith.cmpi ne, %rem3A_195, %ne3A_197 : vector<8x8xi32>
    %lt3A_199 = arith.constant 0 : i32
    %lt3A_200 = vector.broadcast %lt3A_199 : i32 to vector<8x8xi32>
    %lt3A_201 = arith.cmpi slt, %rem3A_195, %lt3A_200 : vector<8x8xi32>
    %lt3A_202 = arith.constant 0 : i32
    %lt3A_203 = arith.cmpi slt, %select_n3A_193, %lt3A_202 : i32
    %ne3A_204 = vector.broadcast %lt3A_203 : i1 to vector<8x8xi1>
    %ne3A_205 = vector.broadcast %ne3A_204 : vector<8x8xi1> to vector<8x8xi1>
    %ne3A_206 = arith.xori %lt3A_201, %ne3A_205 : vector<8x8xi1>
    %and3A_207 = arith.andi %ne3A_206, %ne3A_198 : vector<8x8xi1>
    %add3A_208 = vector.broadcast %select_n3A_193 : i32 to vector<8x8xi32>
    %add3A_209 = arith.addi %rem3A_195, %add3A_208 : vector<8x8xi32>
    %select_n3A_210 = arith.select %and3A_207, %add3A_209, %rem3A_195 : vector<8x8xi1>, vector<8x8xi32>
    %eq3A_211 = arith.cmpi eq, %iota3A_3, %select_n3A_210 : vector<8x8xi32>
    %jit3A_212 = arith.constant 0.000000e+00 : f32
    %broadcast_in_dim3A_213 = vector.broadcast %jit3A_212 : f32 to vector<8x8xf32>
    %select_n3A_214 = arith.select %eq3A_211, %exp3A, %broadcast_in_dim3A_213 : vector<8x8xi1>, vector<8x8xf32>
    %reduce_sum3A_215 = arith.constant dense<0.000000e+00> : vector<8xf32>
    %reduce_sum3A_216 = vector.multi_reduction <add>, %select_n3A_214, %reduce_sum3A_215 [1] : vector<8x8xf32> to vector<8xf32>
    %broadcast_in_dim3A_217 = vector.shape_cast %reduce_sum3A_216 : vector<8xf32> to vector<8x1xf32>
    %add3A_218 = arith.constant 7 : i32
    %add3A_219 = vector.broadcast %add3A_218 : i32 to vector<8x8xi32>
    %add3A_220 = arith.addi %iota3A_2, %add3A_219 : vector<8x8xi32>
    %jit3A_221 = arith.constant 8 : i32
    %eq3A_222 = arith.constant 0 : i32
    %eq3A_223 = arith.cmpi eq, %jit3A_221, %eq3A_222 : i32
    %jit3A_224 = arith.constant 1 : i32
    %select_n3A_225 = arith.select %eq3A_223, %jit3A_224, %jit3A_221 : i32
    %rem3A_226 = vector.broadcast %select_n3A_225 : i32 to vector<8x8xi32>
    %rem3A_227 = arith.remsi %add3A_220, %rem3A_226 : vector<8x8xi32>
    %ne3A_228 = arith.constant 0 : i32
    %ne3A_229 = vector.broadcast %ne3A_228 : i32 to vector<8x8xi32>
    %ne3A_230 = arith.cmpi ne, %rem3A_227, %ne3A_229 : vector<8x8xi32>
    %lt3A_231 = arith.constant 0 : i32
    %lt3A_232 = vector.broadcast %lt3A_231 : i32 to vector<8x8xi32>
    %lt3A_233 = arith.cmpi slt, %rem3A_227, %lt3A_232 : vector<8x8xi32>
    %lt3A_234 = arith.constant 0 : i32
    %lt3A_235 = arith.cmpi slt, %select_n3A_225, %lt3A_234 : i32
    %ne3A_236 = vector.broadcast %lt3A_235 : i1 to vector<8x8xi1>
    %ne3A_237 = vector.broadcast %ne3A_236 : vector<8x8xi1> to vector<8x8xi1>
    %ne3A_238 = arith.xori %lt3A_233, %ne3A_237 : vector<8x8xi1>
    %and3A_239 = arith.andi %ne3A_238, %ne3A_230 : vector<8x8xi1>
    %add3A_240 = vector.broadcast %select_n3A_225 : i32 to vector<8x8xi32>
    %add3A_241 = arith.addi %rem3A_227, %add3A_240 : vector<8x8xi32>
    %select_n3A_242 = arith.select %and3A_239, %add3A_241, %rem3A_227 : vector<8x8xi1>, vector<8x8xi32>
    %eq3A_243 = arith.cmpi eq, %iota3A_3, %select_n3A_242 : vector<8x8xi32>
    %jit3A_244 = arith.constant 0.000000e+00 : f32
    %broadcast_in_dim3A_245 = vector.broadcast %jit3A_244 : f32 to vector<8x8xf32>
    %select_n3A_246 = arith.select %eq3A_243, %exp3A, %broadcast_in_dim3A_245 : vector<8x8xi1>, vector<8x8xf32>
    %reduce_sum3A_247 = arith.constant dense<0.000000e+00> : vector<8xf32>
    %reduce_sum3A_248 = vector.multi_reduction <add>, %select_n3A_246, %reduce_sum3A_247 [1] : vector<8x8xf32> to vector<8xf32>
    %broadcast_in_dim3A_249 = vector.shape_cast %reduce_sum3A_248 : vector<8xf32> to vector<8x1xf32>
    %broadcast_in_dim3A_250 = arith.constant 0 : i32
    %broadcast_in_dim3A_251 = vector.broadcast %broadcast_in_dim3A_250 : i32 to vector<1x512xi32>
    %eq3A_252 = arith.constant 0 : i32
    %eq3A_253 = arith.cmpi eq, %arg0, %eq3A_252 : i32
    %convert_element_type3A = arith.extui %eq3A_253 : i1 to i32
    %cond3A = arith.constant 0 : i32
    %cond3A_254 = arith.cmpi ne, %convert_element_type3A, %cond3A : i32
    scf.if %cond3A_254 {
      %get3A_265 = arith.constant 0 : index
      %get3A_266 = arith.constant 0 : index
      %get3A_267 = arith.constant 0 : index
      %get3A_268 = vector.load %arg1[%get3A_265, %get3A_266, %get3A_267] : memref<128x8x512xf32, #tpu.memory_space<vmem>>, vector<1x8x512xf32>
      %get3A_269 = vector.shape_cast %get3A_268 : vector<1x8x512xf32> to vector<8x512xf32>
      %get3A_270 = arith.constant 0 : index
      %get3A_271 = arith.constant 0 : index
      %get3A_272 = vector.load %arg2[%get3A_270, %get3A_271] : memref<128x512xi32, #tpu.memory_space<vmem>>, vector<8x512xi32>
      %slice3A = vector.extract_strided_slice %get3A_272 {offsets = [0, 0], sizes = [1, 512], strides = [1, 1]} : vector<8x512xi32> to vector<1x512xi32>
      %eq3A_273 = vector.broadcast %slice3A : vector<1x512xi32> to vector<8x512xi32>
      %eq3A_274 = arith.cmpi eq, %iota3A, %eq3A_273 : vector<8x512xi32>
      %jit3A_275 = arith.constant 0.000000e+00 : f32
      %broadcast_in_dim3A_276 = vector.broadcast %jit3A_275 : f32 to vector<8x512xf32>
      %select_n3A_277 = arith.select %eq3A_274, %get3A_269, %broadcast_in_dim3A_276 : vector<8x512xi1>, vector<8x512xf32>
      %exp3A_278 = math.exp %get3A_269 : vector<8x512xf32>
      %get3A_279 = arith.constant 1 : index
      %get3A_280 = arith.constant 0 : index
      %get3A_281 = arith.constant 0 : index
      %get3A_282 = vector.load %arg1[%get3A_279, %get3A_280, %get3A_281] : memref<128x8x512xf32, #tpu.memory_space<vmem>>, vector<1x8x512xf32>
      %get3A_283 = vector.shape_cast %get3A_282 : vector<1x8x512xf32> to vector<8x512xf32>
      %slice3A_284 = vector.extract_strided_slice %get3A_272 {offsets = [1, 0], sizes = [1, 512], strides = [1, 1]} : vector<8x512xi32> to vector<1x512xi32>
      %eq3A_285 = vector.broadcast %slice3A_284 : vector<1x512xi32> to vector<8x512xi32>
      %eq3A_286 = arith.cmpi eq, %iota3A, %eq3A_285 : vector<8x512xi32>
      %jit3A_287 = arith.constant 0.000000e+00 : f32
      %broadcast_in_dim3A_288 = vector.broadcast %jit3A_287 : f32 to vector<8x512xf32>
      %select_n3A_289 = arith.select %eq3A_286, %get3A_283, %broadcast_in_dim3A_288 : vector<8x512xi1>, vector<8x512xf32>
      %add3A_290 = arith.addf %select_n3A_277, %select_n3A_289 : vector<8x512xf32>
      %exp3A_291 = math.exp %get3A_283 : vector<8x512xf32>
      %mul3A = vector.broadcast %broadcast_in_dim3A_25 : vector<8x1xf32> to vector<8x512xf32>
      %mul3A_292 = arith.mulf %exp3A_278, %mul3A : vector<8x512xf32>
      %slice3A_293 = vector.extract_strided_slice %exp3A_278 {offsets = [1, 0], sizes = [7, 512], strides = [1, 1]} : vector<8x512xf32> to vector<7x512xf32>
      %slice3A_294 = vector.extract_strided_slice %exp3A_278 {offsets = [0, 0], sizes = [1, 512], strides = [1, 1]} : vector<8x512xf32> to vector<1x512xf32>
      %concatenate3A = tpu.concatenate %slice3A_293, %slice3A_294 in 0 : vector<7x512xf32>, vector<1x512xf32> -> vector<8x512xf32>
      %mul3A_295 = vector.broadcast %broadcast_in_dim3A_57 : vector<8x1xf32> to vector<8x512xf32>
      %mul3A_296 = arith.mulf %concatenate3A, %mul3A_295 : vector<8x512xf32>
      %slice3A_297 = vector.extract_strided_slice %exp3A_278 {offsets = [2, 0], sizes = [6, 512], strides = [1, 1]} : vector<8x512xf32> to vector<6x512xf32>
      %slice3A_298 = vector.extract_strided_slice %exp3A_278 {offsets = [0, 0], sizes = [2, 512], strides = [1, 1]} : vector<8x512xf32> to vector<2x512xf32>
      %concatenate3A_299 = tpu.concatenate %slice3A_297, %slice3A_298 in 0 : vector<6x512xf32>, vector<2x512xf32> -> vector<8x512xf32>
      %mul3A_300 = vector.broadcast %broadcast_in_dim3A_89 : vector<8x1xf32> to vector<8x512xf32>
      %mul3A_301 = arith.mulf %concatenate3A_299, %mul3A_300 : vector<8x512xf32>
      %slice3A_302 = vector.extract_strided_slice %exp3A_278 {offsets = [3, 0], sizes = [5, 512], strides = [1, 1]} : vector<8x512xf32> to vector<5x512xf32>
      %slice3A_303 = vector.extract_strided_slice %exp3A_278 {offsets = [0, 0], sizes = [3, 512], strides = [1, 1]} : vector<8x512xf32> to vector<3x512xf32>
      %concatenate3A_304 = tpu.concatenate %slice3A_302, %slice3A_303 in 0 : vector<5x512xf32>, vector<3x512xf32> -> vector<8x512xf32>
      %mul3A_305 = vector.broadcast %broadcast_in_dim3A_121 : vector<8x1xf32> to vector<8x512xf32>
      %mul3A_306 = arith.mulf %concatenate3A_304, %mul3A_305 : vector<8x512xf32>
      %slice3A_307 = vector.extract_strided_slice %exp3A_278 {offsets = [4, 0], sizes = [4, 512], strides = [1, 1]} : vector<8x512xf32> to vector<4x512xf32>
      %slice3A_308 = vector.extract_strided_slice %exp3A_278 {offsets = [0, 0], sizes = [4, 512], strides = [1, 1]} : vector<8x512xf32> to vector<4x512xf32>
      %concatenate3A_309 = tpu.concatenate %slice3A_307, %slice3A_308 in 0 : vector<4x512xf32>, vector<4x512xf32> -> vector<8x512xf32>
      %mul3A_310 = vector.broadcast %broadcast_in_dim3A_153 : vector<8x1xf32> to vector<8x512xf32>
      %mul3A_311 = arith.mulf %concatenate3A_309, %mul3A_310 : vector<8x512xf32>
      %slice3A_312 = vector.extract_strided_slice %exp3A_278 {offsets = [5, 0], sizes = [3, 512], strides = [1, 1]} : vector<8x512xf32> to vector<3x512xf32>
      %slice3A_313 = vector.extract_strided_slice %exp3A_278 {offsets = [0, 0], sizes = [5, 512], strides = [1, 1]} : vector<8x512xf32> to vector<5x512xf32>
      %concatenate3A_314 = tpu.concatenate %slice3A_312, %slice3A_313 in 0 : vector<3x512xf32>, vector<5x512xf32> -> vector<8x512xf32>
      %mul3A_315 = vector.broadcast %broadcast_in_dim3A_185 : vector<8x1xf32> to vector<8x512xf32>
      %mul3A_316 = arith.mulf %concatenate3A_314, %mul3A_315 : vector<8x512xf32>
      %slice3A_317 = vector.extract_strided_slice %exp3A_278 {offsets = [6, 0], sizes = [2, 512], strides = [1, 1]} : vector<8x512xf32> to vector<2x512xf32>
      %slice3A_318 = vector.extract_strided_slice %exp3A_278 {offsets = [0, 0], sizes = [6, 512], strides = [1, 1]} : vector<8x512xf32> to vector<6x512xf32>
      %concatenate3A_319 = tpu.concatenate %slice3A_317, %slice3A_318 in 0 : vector<2x512xf32>, vector<6x512xf32> -> vector<8x512xf32>
      %mul3A_320 = vector.broadcast %broadcast_in_dim3A_217 : vector<8x1xf32> to vector<8x512xf32>
      %mul3A_321 = arith.mulf %concatenate3A_319, %mul3A_320 : vector<8x512xf32>
      %slice3A_322 = vector.extract_strided_slice %exp3A_278 {offsets = [7, 0], sizes = [1, 512], strides = [1, 1]} : vector<8x512xf32> to vector<1x512xf32>
      %slice3A_323 = vector.extract_strided_slice %exp3A_278 {offsets = [0, 0], sizes = [7, 512], strides = [1, 1]} : vector<8x512xf32> to vector<7x512xf32>
      %concatenate3A_324 = tpu.concatenate %slice3A_322, %slice3A_323 in 0 : vector<1x512xf32>, vector<7x512xf32> -> vector<8x512xf32>
      %mul3A_325 = vector.broadcast %broadcast_in_dim3A_249 : vector<8x1xf32> to vector<8x512xf32>
      %mul3A_326 = arith.mulf %concatenate3A_324, %mul3A_325 : vector<8x512xf32>
      %add3A_327 = arith.addf %mul3A_292, %mul3A_296 : vector<8x512xf32>
      %add3A_328 = arith.addf %mul3A_301, %mul3A_306 : vector<8x512xf32>
      %add3A_329 = arith.addf %mul3A_311, %mul3A_316 : vector<8x512xf32>
      %add3A_330 = arith.addf %mul3A_321, %mul3A_326 : vector<8x512xf32>
      %add3A_331 = arith.addf %add3A_327, %add3A_328 : vector<8x512xf32>
      %add3A_332 = arith.addf %add3A_329, %add3A_330 : vector<8x512xf32>
      %add3A_333 = arith.addf %add3A_331, %add3A_332 : vector<8x512xf32>
      %mul3A_334 = arith.mulf %add3A_333, %exp3A_291 : vector<8x512xf32>
      %get3A_335 = arith.constant 2 : index
      %get3A_336 = arith.constant 0 : index
      %get3A_337 = arith.constant 0 : index
      %get3A_338 = vector.load %arg1[%get3A_335, %get3A_336, %get3A_337] : memref<128x8x512xf32, #tpu.memory_space<vmem>>, vector<1x8x512xf32>
      %get3A_339 = vector.shape_cast %get3A_338 : vector<1x8x512xf32> to vector<8x512xf32>
      %slice3A_340 = vector.extract_strided_slice %get3A_272 {offsets = [2, 0], sizes = [1, 512], strides = [1, 1]} : vector<8x512xi32> to vector<1x512xi32>
      %eq3A_341 = vector.broadcast %slice3A_340 : vector<1x512xi32> to vector<8x512xi32>
      %eq3A_342 = arith.cmpi eq, %iota3A, %eq3A_341 : vector<8x512xi32>
      %jit3A_343 = arith.constant 0.000000e+00 : f32
      %broadcast_in_dim3A_344 = vector.broadcast %jit3A_343 : f32 to vector<8x512xf32>
      %select_n3A_345 = arith.select %eq3A_342, %get3A_339, %broadcast_in_dim3A_344 : vector<8x512xi1>, vector<8x512xf32>
      %add3A_346 = arith.addf %add3A_290, %select_n3A_345 : vector<8x512xf32>
      %exp3A_347 = math.exp %get3A_339 : vector<8x512xf32>
      %mul3A_348 = vector.broadcast %broadcast_in_dim3A_25 : vector<8x1xf32> to vector<8x512xf32>
      %mul3A_349 = arith.mulf %mul3A_334, %mul3A_348 : vector<8x512xf32>
      %slice3A_350 = vector.extract_strided_slice %mul3A_334 {offsets = [1, 0], sizes = [7, 512], strides = [1, 1]} : vector<8x512xf32> to vector<7x512xf32>
      %slice3A_351 = vector.extract_strided_slice %mul3A_334 {offsets = [0, 0], sizes = [1, 512], strides = [1, 1]} : vector<8x512xf32> to vector<1x512xf32>
      %concatenate3A_352 = tpu.concatenate %slice3A_350, %slice3A_351 in 0 : vector<7x512xf32>, vector<1x512xf32> -> vector<8x512xf32>
      %mul3A_353 = vector.broadcast %broadcast_in_dim3A_57 : vector<8x1xf32> to vector<8x512xf32>
      %mul3A_354 = arith.mulf %concatenate3A_352, %mul3A_353 : vector<8x512xf32>
      %slice3A_355 = vector.extract_strided_slice %mul3A_334 {offsets = [2, 0], sizes = [6, 512], strides = [1, 1]} : vector<8x512xf32> to vector<6x512xf32>
      %slice3A_356 = vector.extract_strided_slice %mul3A_334 {offsets = [0, 0], sizes = [2, 512], strides = [1, 1]} : vector<8x512xf32> to vector<2x512xf32>
      %concatenate3A_357 = tpu.concatenate %slice3A_355, %slice3A_356 in 0 : vector<6x512xf32>, vector<2x512xf32> -> vector<8x512xf32>
      %mul3A_358 = vector.broadcast %broadcast_in_dim3A_89 : vector<8x1xf32> to vector<8x512xf32>
      %mul3A_359 = arith.mulf %concatenate3A_357, %mul3A_358 : vector<8x512xf32>
      %slice3A_360 = vector.extract_strided_slice %mul3A_334 {offsets = [3, 0], sizes = [5, 512], strides = [1, 1]} : vector<8x512xf32> to vector<5x512xf32>
      %slice3A_361 = vector.extract_strided_slice %mul3A_334 {offsets = [0, 0], sizes = [3, 512], strides = [1, 1]} : vector<8x512xf32> to vector<3x512xf32>
      %concatenate3A_362 = tpu.concatenate %slice3A_360, %slice3A_361 in 0 : vector<5x512xf32>, vector<3x512xf32> -> vector<8x512xf32>
      %mul3A_363 = vector.broadcast %broadcast_in_dim3A_121 : vector<8x1xf32> to vector<8x512xf32>
      %mul3A_364 = arith.mulf %concatenate3A_362, %mul3A_363 : vector<8x512xf32>
      %slice3A_365 = vector.extract_strided_slice %mul3A_334 {offsets = [4, 0], sizes = [4, 512], strides = [1, 1]} : vector<8x512xf32> to vector<4x512xf32>
      %slice3A_366 = vector.extract_strided_slice %mul3A_334 {offsets = [0, 0], sizes = [4, 512], strides = [1, 1]} : vector<8x512xf32> to vector<4x512xf32>
      %concatenate3A_367 = tpu.concatenate %slice3A_365, %slice3A_366 in 0 : vector<4x512xf32>, vector<4x512xf32> -> vector<8x512xf32>
      %mul3A_368 = vector.broadcast %broadcast_in_dim3A_153 : vector<8x1xf32> to vector<8x512xf32>
      %mul3A_369 = arith.mulf %concatenate3A_367, %mul3A_368 : vector<8x512xf32>
      %slice3A_370 = vector.extract_strided_slice %mul3A_334 {offsets = [5, 0], sizes = [3, 512], strides = [1, 1]} : vector<8x512xf32> to vector<3x512xf32>
      %slice3A_371 = vector.extract_strided_slice %mul3A_334 {offsets = [0, 0], sizes = [5, 512], strides = [1, 1]} : vector<8x512xf32> to vector<5x512xf32>
      %concatenate3A_372 = tpu.concatenate %slice3A_370, %slice3A_371 in 0 : vector<3x512xf32>, vector<5x512xf32> -> vector<8x512xf32>
      %mul3A_373 = vector.broadcast %broadcast_in_dim3A_185 : vector<8x1xf32> to vector<8x512xf32>
      %mul3A_374 = arith.mulf %concatenate3A_372, %mul3A_373 : vector<8x512xf32>
      %slice3A_375 = vector.extract_strided_slice %mul3A_334 {offsets = [6, 0], sizes = [2, 512], strides = [1, 1]} : vector<8x512xf32> to vector<2x512xf32>
      %slice3A_376 = vector.extract_strided_slice %mul3A_334 {offsets = [0, 0], sizes = [6, 512], strides = [1, 1]} : vector<8x512xf32> to vector<6x512xf32>
      %concatenate3A_377 = tpu.concatenate %slice3A_375, %slice3A_376 in 0 : vector<2x512xf32>, vector<6x512xf32> -> vector<8x512xf32>
      %mul3A_378 = vector.broadcast %broadcast_in_dim3A_217 : vector<8x1xf32> to vector<8x512xf32>
      %mul3A_379 = arith.mulf %concatenate3A_377, %mul3A_378 : vector<8x512xf32>
      %slice3A_380 = vector.extract_strided_slice %mul3A_334 {offsets = [7, 0], sizes = [1, 512], strides = [1, 1]} : vector<8x512xf32> to vector<1x512xf32>
      %slice3A_381 = vector.extract_strided_slice %mul3A_334 {offsets = [0, 0], sizes = [7, 512], strides = [1, 1]} : vector<8x512xf32> to vector<7x512xf32>
      %concatenate3A_382 = tpu.concatenate %slice3A_380, %slice3A_381 in 0 : vector<1x512xf32>, vector<7x512xf32> -> vector<8x512xf32>
      %mul3A_383 = vector.broadcast %broadcast_in_dim3A_249 : vector<8x1xf32> to vector<8x512xf32>
      %mul3A_384 = arith.mulf %concatenate3A_382, %mul3A_383 : vector<8x512xf32>
      %add3A_385 = arith.addf %mul3A_349, %mul3A_354 : vector<8x512xf32>
      %add3A_386 = arith.addf %mul3A_359, %mul3A_364 : vector<8x512xf32>
      %add3A_387 = arith.addf %mul3A_369, %mul3A_374 : vector<8x512xf32>
      %add3A_388 = arith.addf %mul3A_379, %mul3A_384 : vector<8x512xf32>
      %add3A_389 = arith.addf %add3A_385, %add3A_386 : vector<8x512xf32>
      %add3A_390 = arith.addf %add3A_387, %add3A_388 : vector<8x512xf32>
      %add3A_391 = arith.addf %add3A_389, %add3A_390 : vector<8x512xf32>
      %mul3A_392 = arith.mulf %add3A_391, %exp3A_347 : vector<8x512xf32>
      %get3A_393 = arith.constant 3 : index
      %get3A_394 = arith.constant 0 : index
      %get3A_395 = arith.constant 0 : index
      %get3A_396 = vector.load %arg1[%get3A_393, %get3A_394, %get3A_395] : memref<128x8x512xf32, #tpu.memory_space<vmem>>, vector<1x8x512xf32>
      %get3A_397 = vector.shape_cast %get3A_396 : vector<1x8x512xf32> to vector<8x512xf32>
      %slice3A_398 = vector.extract_strided_slice %get3A_272 {offsets = [3, 0], sizes = [1, 512], strides = [1, 1]} : vector<8x512xi32> to vector<1x512xi32>
      %eq3A_399 = vector.broadcast %slice3A_398 : vector<1x512xi32> to vector<8x512xi32>
      %eq3A_400 = arith.cmpi eq, %iota3A, %eq3A_399 : vector<8x512xi32>
      %jit3A_401 = arith.constant 0.000000e+00 : f32
      %broadcast_in_dim3A_402 = vector.broadcast %jit3A_401 : f32 to vector<8x512xf32>
      %select_n3A_403 = arith.select %eq3A_400, %get3A_397, %broadcast_in_dim3A_402 : vector<8x512xi1>, vector<8x512xf32>
      %add3A_404 = arith.addf %add3A_346, %select_n3A_403 : vector<8x512xf32>
      %exp3A_405 = math.exp %get3A_397 : vector<8x512xf32>
      %mul3A_406 = vector.broadcast %broadcast_in_dim3A_25 : vector<8x1xf32> to vector<8x512xf32>
      %mul3A_407 = arith.mulf %mul3A_392, %mul3A_406 : vector<8x512xf32>
      %slice3A_408 = vector.extract_strided_slice %mul3A_392 {offsets = [1, 0], sizes = [7, 512], strides = [1, 1]} : vector<8x512xf32> to vector<7x512xf32>
      %slice3A_409 = vector.extract_strided_slice %mul3A_392 {offsets = [0, 0], sizes = [1, 512], strides = [1, 1]} : vector<8x512xf32> to vector<1x512xf32>
      %concatenate3A_410 = tpu.concatenate %slice3A_408, %slice3A_409 in 0 : vector<7x512xf32>, vector<1x512xf32> -> vector<8x512xf32>
      %mul3A_411 = vector.broadcast %broadcast_in_dim3A_57 : vector<8x1xf32> to vector<8x512xf32>
      %mul3A_412 = arith.mulf %concatenate3A_410, %mul3A_411 : vector<8x512xf32>
      %slice3A_413 = vector.extract_strided_slice %mul3A_392 {offsets = [2, 0], sizes = [6, 512], strides = [1, 1]} : vector<8x512xf32> to vector<6x512xf32>
      %slice3A_414 = vector.extract_strided_slice %mul3A_392 {offsets = [0, 0], sizes = [2, 512], strides = [1, 1]} : vector<8x512xf32> to vector<2x512xf32>
      %concatenate3A_415 = tpu.concatenate %slice3A_413, %slice3A_414 in 0 : vector<6x512xf32>, vector<2x512xf32> -> vector<8x512xf32>
      %mul3A_416 = vector.broadcast %broadcast_in_dim3A_89 : vector<8x1xf32> to vector<8x512xf32>
      %mul3A_417 = arith.mulf %concatenate3A_415, %mul3A_416 : vector<8x512xf32>
      %slice3A_418 = vector.extract_strided_slice %mul3A_392 {offsets = [3, 0], sizes = [5, 512], strides = [1, 1]} : vector<8x512xf32> to vector<5x512xf32>
      %slice3A_419 = vector.extract_strided_slice %mul3A_392 {offsets = [0, 0], sizes = [3, 512], strides = [1, 1]} : vector<8x512xf32> to vector<3x512xf32>
      %concatenate3A_420 = tpu.concatenate %slice3A_418, %slice3A_419 in 0 : vector<5x512xf32>, vector<3x512xf32> -> vector<8x512xf32>
      %mul3A_421 = vector.broadcast %broadcast_in_dim3A_121 : vector<8x1xf32> to vector<8x512xf32>
      %mul3A_422 = arith.mulf %concatenate3A_420, %mul3A_421 : vector<8x512xf32>
      %slice3A_423 = vector.extract_strided_slice %mul3A_392 {offsets = [4, 0], sizes = [4, 512], strides = [1, 1]} : vector<8x512xf32> to vector<4x512xf32>
      %slice3A_424 = vector.extract_strided_slice %mul3A_392 {offsets = [0, 0], sizes = [4, 512], strides = [1, 1]} : vector<8x512xf32> to vector<4x512xf32>
      %concatenate3A_425 = tpu.concatenate %slice3A_423, %slice3A_424 in 0 : vector<4x512xf32>, vector<4x512xf32> -> vector<8x512xf32>
      %mul3A_426 = vector.broadcast %broadcast_in_dim3A_153 : vector<8x1xf32> to vector<8x512xf32>
      %mul3A_427 = arith.mulf %concatenate3A_425, %mul3A_426 : vector<8x512xf32>
      %slice3A_428 = vector.extract_strided_slice %mul3A_392 {offsets = [5, 0], sizes = [3, 512], strides = [1, 1]} : vector<8x512xf32> to vector<3x512xf32>
      %slice3A_429 = vector.extract_strided_slice %mul3A_392 {offsets = [0, 0], sizes = [5, 512], strides = [1, 1]} : vector<8x512xf32> to vector<5x512xf32>
      %concatenate3A_430 = tpu.concatenate %slice3A_428, %slice3A_429 in 0 : vector<3x512xf32>, vector<5x512xf32> -> vector<8x512xf32>
      %mul3A_431 = vector.broadcast %broadcast_in_dim3A_185 : vector<8x1xf32> to vector<8x512xf32>
      %mul3A_432 = arith.mulf %concatenate3A_430, %mul3A_431 : vector<8x512xf32>
      %slice3A_433 = vector.extract_strided_slice %mul3A_392 {offsets = [6, 0], sizes = [2, 512], strides = [1, 1]} : vector<8x512xf32> to vector<2x512xf32>
      %slice3A_434 = vector.extract_strided_slice %mul3A_392 {offsets = [0, 0], sizes = [6, 512], strides = [1, 1]} : vector<8x512xf32> to vector<6x512xf32>
      %concatenate3A_435 = tpu.concatenate %slice3A_433, %slice3A_434 in 0 : vector<2x512xf32>, vector<6x512xf32> -> vector<8x512xf32>
      %mul3A_436 = vector.broadcast %broadcast_in_dim3A_217 : vector<8x1xf32> to vector<8x512xf32>
      %mul3A_437 = arith.mulf %concatenate3A_435, %mul3A_436 : vector<8x512xf32>
      %slice3A_438 = vector.extract_strided_slice %mul3A_392 {offsets = [7, 0], sizes = [1, 512], strides = [1, 1]} : vector<8x512xf32> to vector<1x512xf32>
      %slice3A_439 = vector.extract_strided_slice %mul3A_392 {offsets = [0, 0], sizes = [7, 512], strides = [1, 1]} : vector<8x512xf32> to vector<7x512xf32>
      %concatenate3A_440 = tpu.concatenate %slice3A_438, %slice3A_439 in 0 : vector<1x512xf32>, vector<7x512xf32> -> vector<8x512xf32>
      %mul3A_441 = vector.broadcast %broadcast_in_dim3A_249 : vector<8x1xf32> to vector<8x512xf32>
      %mul3A_442 = arith.mulf %concatenate3A_440, %mul3A_441 : vector<8x512xf32>
      %add3A_443 = arith.addf %mul3A_407, %mul3A_412 : vector<8x512xf32>
      %add3A_444 = arith.addf %mul3A_417, %mul3A_422 : vector<8x512xf32>
      %add3A_445 = arith.addf %mul3A_427, %mul3A_432 : vector<8x512xf32>
      %add3A_446 = arith.addf %mul3A_437, %mul3A_442 : vector<8x512xf32>
      %add3A_447 = arith.addf %add3A_443, %add3A_444 : vector<8x512xf32>
      %add3A_448 = arith.addf %add3A_445, %add3A_446 : vector<8x512xf32>
      %add3A_449 = arith.addf %add3A_447, %add3A_448 : vector<8x512xf32>
      %mul3A_450 = arith.mulf %add3A_449, %exp3A_405 : vector<8x512xf32>
      %get3A_451 = arith.constant 4 : index
      %get3A_452 = arith.constant 0 : index
      %get3A_453 = arith.constant 0 : index
      %get3A_454 = vector.load %arg1[%get3A_451, %get3A_452, %get3A_453] : memref<128x8x512xf32, #tpu.memory_space<vmem>>, vector<1x8x512xf32>
      %get3A_455 = vector.shape_cast %get3A_454 : vector<1x8x512xf32> to vector<8x512xf32>
      %slice3A_456 = vector.extract_strided_slice %get3A_272 {offsets = [4, 0], sizes = [1, 512], strides = [1, 1]} : vector<8x512xi32> to vector<1x512xi32>
      %eq3A_457 = vector.broadcast %slice3A_456 : vector<1x512xi32> to vector<8x512xi32>
      %eq3A_458 = arith.cmpi eq, %iota3A, %eq3A_457 : vector<8x512xi32>
      %jit3A_459 = arith.constant 0.000000e+00 : f32
      %broadcast_in_dim3A_460 = vector.broadcast %jit3A_459 : f32 to vector<8x512xf32>
      %select_n3A_461 = arith.select %eq3A_458, %get3A_455, %broadcast_in_dim3A_460 : vector<8x512xi1>, vector<8x512xf32>
      %add3A_462 = arith.addf %add3A_404, %select_n3A_461 : vector<8x512xf32>
      %exp3A_463 = math.exp %get3A_455 : vector<8x512xf32>
      %mul3A_464 = vector.broadcast %broadcast_in_dim3A_25 : vector<8x1xf32> to vector<8x512xf32>
      %mul3A_465 = arith.mulf %mul3A_450, %mul3A_464 : vector<8x512xf32>
      %slice3A_466 = vector.extract_strided_slice %mul3A_450 {offsets = [1, 0], sizes = [7, 512], strides = [1, 1]} : vector<8x512xf32> to vector<7x512xf32>
      %slice3A_467 = vector.extract_strided_slice %mul3A_450 {offsets = [0, 0], sizes = [1, 512], strides = [1, 1]} : vector<8x512xf32> to vector<1x512xf32>
      %concatenate3A_468 = tpu.concatenate %slice3A_466, %slice3A_467 in 0 : vector<7x512xf32>, vector<1x512xf32> -> vector<8x512xf32>
      %mul3A_469 = vector.broadcast %broadcast_in_dim3A_57 : vector<8x1xf32> to vector<8x512xf32>
      %mul3A_470 = arith.mulf %concatenate3A_468, %mul3A_469 : vector<8x512xf32>
      %slice3A_471 = vector.extract_strided_slice %mul3A_450 {offsets = [2, 0], sizes = [6, 512], strides = [1, 1]} : vector<8x512xf32> to vector<6x512xf32>
      %slice3A_472 = vector.extract_strided_slice %mul3A_450 {offsets = [0, 0], sizes = [2, 512], strides = [1, 1]} : vector<8x512xf32> to vector<2x512xf32>
      %concatenate3A_473 = tpu.concatenate %slice3A_471, %slice3A_472 in 0 : vector<6x512xf32>, vector<2x512xf32> -> vector<8x512xf32>
      %mul3A_474 = vector.broadcast %broadcast_in_dim3A_89 : vector<8x1xf32> to vector<8x512xf32>
      %mul3A_475 = arith.mulf %concatenate3A_473, %mul3A_474 : vector<8x512xf32>
      %slice3A_476 = vector.extract_strided_slice %mul3A_450 {offsets = [3, 0], sizes = [5, 512], strides = [1, 1]} : vector<8x512xf32> to vector<5x512xf32>
      %slice3A_477 = vector.extract_strided_slice %mul3A_450 {offsets = [0, 0], sizes = [3, 512], strides = [1, 1]} : vector<8x512xf32> to vector<3x512xf32>
      %concatenate3A_478 = tpu.concatenate %slice3A_476, %slice3A_477 in 0 : vector<5x512xf32>, vector<3x512xf32> -> vector<8x512xf32>
      %mul3A_479 = vector.broadcast %broadcast_in_dim3A_121 : vector<8x1xf32> to vector<8x512xf32>
      %mul3A_480 = arith.mulf %concatenate3A_478, %mul3A_479 : vector<8x512xf32>
      %slice3A_481 = vector.extract_strided_slice %mul3A_450 {offsets = [4, 0], sizes = [4, 512], strides = [1, 1]} : vector<8x512xf32> to vector<4x512xf32>
      %slice3A_482 = vector.extract_strided_slice %mul3A_450 {offsets = [0, 0], sizes = [4, 512], strides = [1, 1]} : vector<8x512xf32> to vector<4x512xf32>
      %concatenate3A_483 = tpu.concatenate %slice3A_481, %slice3A_482 in 0 : vector<4x512xf32>, vector<4x512xf32> -> vector<8x512xf32>
      %mul3A_484 = vector.broadcast %broadcast_in_dim3A_153 : vector<8x1xf32> to vector<8x512xf32>
      %mul3A_485 = arith.mulf %concatenate3A_483, %mul3A_484 : vector<8x512xf32>
      %slice3A_486 = vector.extract_strided_slice %mul3A_450 {offsets = [5, 0], sizes = [3, 512], strides = [1, 1]} : vector<8x512xf32> to vector<3x512xf32>
      %slice3A_487 = vector.extract_strided_slice %mul3A_450 {offsets = [0, 0], sizes = [5, 512], strides = [1, 1]} : vector<8x512xf32> to vector<5x512xf32>
      %concatenate3A_488 = tpu.concatenate %slice3A_486, %slice3A_487 in 0 : vector<3x512xf32>, vector<5x512xf32> -> vector<8x512xf32>
      %mul3A_489 = vector.broadcast %broadcast_in_dim3A_185 : vector<8x1xf32> to vector<8x512xf32>
      %mul3A_490 = arith.mulf %concatenate3A_488, %mul3A_489 : vector<8x512xf32>
      %slice3A_491 = vector.extract_strided_slice %mul3A_450 {offsets = [6, 0], sizes = [2, 512], strides = [1, 1]} : vector<8x512xf32> to vector<2x512xf32>
      %slice3A_492 = vector.extract_strided_slice %mul3A_450 {offsets = [0, 0], sizes = [6, 512], strides = [1, 1]} : vector<8x512xf32> to vector<6x512xf32>
      %concatenate3A_493 = tpu.concatenate %slice3A_491, %slice3A_492 in 0 : vector<2x512xf32>, vector<6x512xf32> -> vector<8x512xf32>
      %mul3A_494 = vector.broadcast %broadcast_in_dim3A_217 : vector<8x1xf32> to vector<8x512xf32>
      %mul3A_495 = arith.mulf %concatenate3A_493, %mul3A_494 : vector<8x512xf32>
      %slice3A_496 = vector.extract_strided_slice %mul3A_450 {offsets = [7, 0], sizes = [1, 512], strides = [1, 1]} : vector<8x512xf32> to vector<1x512xf32>
      %slice3A_497 = vector.extract_strided_slice %mul3A_450 {offsets = [0, 0], sizes = [7, 512], strides = [1, 1]} : vector<8x512xf32> to vector<7x512xf32>
      %concatenate3A_498 = tpu.concatenate %slice3A_496, %slice3A_497 in 0 : vector<1x512xf32>, vector<7x512xf32> -> vector<8x512xf32>
      %mul3A_499 = vector.broadcast %broadcast_in_dim3A_249 : vector<8x1xf32> to vector<8x512xf32>
      %mul3A_500 = arith.mulf %concatenate3A_498, %mul3A_499 : vector<8x512xf32>
      %add3A_501 = arith.addf %mul3A_465, %mul3A_470 : vector<8x512xf32>
      %add3A_502 = arith.addf %mul3A_475, %mul3A_480 : vector<8x512xf32>
      %add3A_503 = arith.addf %mul3A_485, %mul3A_490 : vector<8x512xf32>
      %add3A_504 = arith.addf %mul3A_495, %mul3A_500 : vector<8x512xf32>
      %add3A_505 = arith.addf %add3A_501, %add3A_502 : vector<8x512xf32>
      %add3A_506 = arith.addf %add3A_503, %add3A_504 : vector<8x512xf32>
      %add3A_507 = arith.addf %add3A_505, %add3A_506 : vector<8x512xf32>
      %mul3A_508 = arith.mulf %add3A_507, %exp3A_463 : vector<8x512xf32>
      %get3A_509 = arith.constant 5 : index
      %get3A_510 = arith.constant 0 : index
      %get3A_511 = arith.constant 0 : index
      %get3A_512 = vector.load %arg1[%get3A_509, %get3A_510, %get3A_511] : memref<128x8x512xf32, #tpu.memory_space<vmem>>, vector<1x8x512xf32>
      %get3A_513 = vector.shape_cast %get3A_512 : vector<1x8x512xf32> to vector<8x512xf32>
      %slice3A_514 = vector.extract_strided_slice %get3A_272 {offsets = [5, 0], sizes = [1, 512], strides = [1, 1]} : vector<8x512xi32> to vector<1x512xi32>
      %eq3A_515 = vector.broadcast %slice3A_514 : vector<1x512xi32> to vector<8x512xi32>
      %eq3A_516 = arith.cmpi eq, %iota3A, %eq3A_515 : vector<8x512xi32>
      %jit3A_517 = arith.constant 0.000000e+00 : f32
      %broadcast_in_dim3A_518 = vector.broadcast %jit3A_517 : f32 to vector<8x512xf32>
      %select_n3A_519 = arith.select %eq3A_516, %get3A_513, %broadcast_in_dim3A_518 : vector<8x512xi1>, vector<8x512xf32>
      %add3A_520 = arith.addf %add3A_462, %select_n3A_519 : vector<8x512xf32>
      %exp3A_521 = math.exp %get3A_513 : vector<8x512xf32>
      %mul3A_522 = vector.broadcast %broadcast_in_dim3A_25 : vector<8x1xf32> to vector<8x512xf32>
      %mul3A_523 = arith.mulf %mul3A_508, %mul3A_522 : vector<8x512xf32>
      %slice3A_524 = vector.extract_strided_slice %mul3A_508 {offsets = [1, 0], sizes = [7, 512], strides = [1, 1]} : vector<8x512xf32> to vector<7x512xf32>
      %slice3A_525 = vector.extract_strided_slice %mul3A_508 {offsets = [0, 0], sizes = [1, 512], strides = [1, 1]} : vector<8x512xf32> to vector<1x512xf32>
      %concatenate3A_526 = tpu.concatenate %slice3A_524, %slice3A_525 in 0 : vector<7x512xf32>, vector<1x512xf32> -> vector<8x512xf32>
      %mul3A_527 = vector.broadcast %broadcast_in_dim3A_57 : vector<8x1xf32> to vector<8x512xf32>
      %mul3A_528 = arith.mulf %concatenate3A_526, %mul3A_527 : vector<8x512xf32>
      %slice3A_529 = vector.extract_strided_slice %mul3A_508 {offsets = [2, 0], sizes = [6, 512], strides = [1, 1]} : vector<8x512xf32> to vector<6x512xf32>
      %slice3A_530 = vector.extract_strided_slice %mul3A_508 {offsets = [0, 0], sizes = [2, 512], strides = [1, 1]} : vector<8x512xf32> to vector<2x512xf32>
      %concatenate3A_531 = tpu.concatenate %slice3A_529, %slice3A_530 in 0 : vector<6x512xf32>, vector<2x512xf32> -> vector<8x512xf32>
      %mul3A_532 = vector.broadcast %broadcast_in_dim3A_89 : vector<8x1xf32> to vector<8x512xf32>
      %mul3A_533 = arith.mulf %concatenate3A_531, %mul3A_532 : vector<8x512xf32>
      %slice3A_534 = vector.extract_strided_slice %mul3A_508 {offsets = [3, 0], sizes = [5, 512], strides = [1, 1]} : vector<8x512xf32> to vector<5x512xf32>
      %slice3A_535 = vector.extract_strided_slice %mul3A_508 {offsets = [0, 0], sizes = [3, 512], strides = [1, 1]} : vector<8x512xf32> to vector<3x512xf32>
      %concatenate3A_536 = tpu.concatenate %slice3A_534, %slice3A_535 in 0 : vector<5x512xf32>, vector<3x512xf32> -> vector<8x512xf32>
      %mul3A_537 = vector.broadcast %broadcast_in_dim3A_121 : vector<8x1xf32> to vector<8x512xf32>
      %mul3A_538 = arith.mulf %concatenate3A_536, %mul3A_537 : vector<8x512xf32>
      %slice3A_539 = vector.extract_strided_slice %mul3A_508 {offsets = [4, 0], sizes = [4, 512], strides = [1, 1]} : vector<8x512xf32> to vector<4x512xf32>
      %slice3A_540 = vector.extract_strided_slice %mul3A_508 {offsets = [0, 0], sizes = [4, 512], strides = [1, 1]} : vector<8x512xf32> to vector<4x512xf32>
      %concatenate3A_541 = tpu.concatenate %slice3A_539, %slice3A_540 in 0 : vector<4x512xf32>, vector<4x512xf32> -> vector<8x512xf32>
      %mul3A_542 = vector.broadcast %broadcast_in_dim3A_153 : vector<8x1xf32> to vector<8x512xf32>
      %mul3A_543 = arith.mulf %concatenate3A_541, %mul3A_542 : vector<8x512xf32>
      %slice3A_544 = vector.extract_strided_slice %mul3A_508 {offsets = [5, 0], sizes = [3, 512], strides = [1, 1]} : vector<8x512xf32> to vector<3x512xf32>
      %slice3A_545 = vector.extract_strided_slice %mul3A_508 {offsets = [0, 0], sizes = [5, 512], strides = [1, 1]} : vector<8x512xf32> to vector<5x512xf32>
      %concatenate3A_546 = tpu.concatenate %slice3A_544, %slice3A_545 in 0 : vector<3x512xf32>, vector<5x512xf32> -> vector<8x512xf32>
      %mul3A_547 = vector.broadcast %broadcast_in_dim3A_185 : vector<8x1xf32> to vector<8x512xf32>
      %mul3A_548 = arith.mulf %concatenate3A_546, %mul3A_547 : vector<8x512xf32>
      %slice3A_549 = vector.extract_strided_slice %mul3A_508 {offsets = [6, 0], sizes = [2, 512], strides = [1, 1]} : vector<8x512xf32> to vector<2x512xf32>
      %slice3A_550 = vector.extract_strided_slice %mul3A_508 {offsets = [0, 0], sizes = [6, 512], strides = [1, 1]} : vector<8x512xf32> to vector<6x512xf32>
      %concatenate3A_551 = tpu.concatenate %slice3A_549, %slice3A_550 in 0 : vector<2x512xf32>, vector<6x512xf32> -> vector<8x512xf32>
      %mul3A_552 = vector.broadcast %broadcast_in_dim3A_217 : vector<8x1xf32> to vector<8x512xf32>
      %mul3A_553 = arith.mulf %concatenate3A_551, %mul3A_552 : vector<8x512xf32>
      %slice3A_554 = vector.extract_strided_slice %mul3A_508 {offsets = [7, 0], sizes = [1, 512], strides = [1, 1]} : vector<8x512xf32> to vector<1x512xf32>
      %slice3A_555 = vector.extract_strided_slice %mul3A_508 {offsets = [0, 0], sizes = [7, 512], strides = [1, 1]} : vector<8x512xf32> to vector<7x512xf32>
      %concatenate3A_556 = tpu.concatenate %slice3A_554, %slice3A_555 in 0 : vector<1x512xf32>, vector<7x512xf32> -> vector<8x512xf32>
      %mul3A_557 = vector.broadcast %broadcast_in_dim3A_249 : vector<8x1xf32> to vector<8x512xf32>
      %mul3A_558 = arith.mulf %concatenate3A_556, %mul3A_557 : vector<8x512xf32>
      %add3A_559 = arith.addf %mul3A_523, %mul3A_528 : vector<8x512xf32>
      %add3A_560 = arith.addf %mul3A_533, %mul3A_538 : vector<8x512xf32>
      %add3A_561 = arith.addf %mul3A_543, %mul3A_548 : vector<8x512xf32>
      %add3A_562 = arith.addf %mul3A_553, %mul3A_558 : vector<8x512xf32>
      %add3A_563 = arith.addf %add3A_559, %add3A_560 : vector<8x512xf32>
      %add3A_564 = arith.addf %add3A_561, %add3A_562 : vector<8x512xf32>
      %add3A_565 = arith.addf %add3A_563, %add3A_564 : vector<8x512xf32>
      %mul3A_566 = arith.mulf %add3A_565, %exp3A_521 : vector<8x512xf32>
      %get3A_567 = arith.constant 6 : index
      %get3A_568 = arith.constant 0 : index
      %get3A_569 = arith.constant 0 : index
      %get3A_570 = vector.load %arg1[%get3A_567, %get3A_568, %get3A_569] : memref<128x8x512xf32, #tpu.memory_space<vmem>>, vector<1x8x512xf32>
      %get3A_571 = vector.shape_cast %get3A_570 : vector<1x8x512xf32> to vector<8x512xf32>
      %slice3A_572 = vector.extract_strided_slice %get3A_272 {offsets = [6, 0], sizes = [1, 512], strides = [1, 1]} : vector<8x512xi32> to vector<1x512xi32>
      %eq3A_573 = vector.broadcast %slice3A_572 : vector<1x512xi32> to vector<8x512xi32>
      %eq3A_574 = arith.cmpi eq, %iota3A, %eq3A_573 : vector<8x512xi32>
      %jit3A_575 = arith.constant 0.000000e+00 : f32
      %broadcast_in_dim3A_576 = vector.broadcast %jit3A_575 : f32 to vector<8x512xf32>
      %select_n3A_577 = arith.select %eq3A_574, %get3A_571, %broadcast_in_dim3A_576 : vector<8x512xi1>, vector<8x512xf32>
      %add3A_578 = arith.addf %add3A_520, %select_n3A_577 : vector<8x512xf32>
      %exp3A_579 = math.exp %get3A_571 : vector<8x512xf32>
      %mul3A_580 = vector.broadcast %broadcast_in_dim3A_25 : vector<8x1xf32> to vector<8x512xf32>
      %mul3A_581 = arith.mulf %mul3A_566, %mul3A_580 : vector<8x512xf32>
      %slice3A_582 = vector.extract_strided_slice %mul3A_566 {offsets = [1, 0], sizes = [7, 512], strides = [1, 1]} : vector<8x512xf32> to vector<7x512xf32>
      %slice3A_583 = vector.extract_strided_slice %mul3A_566 {offsets = [0, 0], sizes = [1, 512], strides = [1, 1]} : vector<8x512xf32> to vector<1x512xf32>
      %concatenate3A_584 = tpu.concatenate %slice3A_582, %slice3A_583 in 0 : vector<7x512xf32>, vector<1x512xf32> -> vector<8x512xf32>
      %mul3A_585 = vector.broadcast %broadcast_in_dim3A_57 : vector<8x1xf32> to vector<8x512xf32>
      %mul3A_586 = arith.mulf %concatenate3A_584, %mul3A_585 : vector<8x512xf32>
      %slice3A_587 = vector.extract_strided_slice %mul3A_566 {offsets = [2, 0], sizes = [6, 512], strides = [1, 1]} : vector<8x512xf32> to vector<6x512xf32>
      %slice3A_588 = vector.extract_strided_slice %mul3A_566 {offsets = [0, 0], sizes = [2, 512], strides = [1, 1]} : vector<8x512xf32> to vector<2x512xf32>
      %concatenate3A_589 = tpu.concatenate %slice3A_587, %slice3A_588 in 0 : vector<6x512xf32>, vector<2x512xf32> -> vector<8x512xf32>
      %mul3A_590 = vector.broadcast %broadcast_in_dim3A_89 : vector<8x1xf32> to vector<8x512xf32>
      %mul3A_591 = arith.mulf %concatenate3A_589, %mul3A_590 : vector<8x512xf32>
      %slice3A_592 = vector.extract_strided_slice %mul3A_566 {offsets = [3, 0], sizes = [5, 512], strides = [1, 1]} : vector<8x512xf32> to vector<5x512xf32>
      %slice3A_593 = vector.extract_strided_slice %mul3A_566 {offsets = [0, 0], sizes = [3, 512], strides = [1, 1]} : vector<8x512xf32> to vector<3x512xf32>
      %concatenate3A_594 = tpu.concatenate %slice3A_592, %slice3A_593 in 0 : vector<5x512xf32>, vector<3x512xf32> -> vector<8x512xf32>
      %mul3A_595 = vector.broadcast %broadcast_in_dim3A_121 : vector<8x1xf32> to vector<8x512xf32>
      %mul3A_596 = arith.mulf %concatenate3A_594, %mul3A_595 : vector<8x512xf32>
      %slice3A_597 = vector.extract_strided_slice %mul3A_566 {offsets = [4, 0], sizes = [4, 512], strides = [1, 1]} : vector<8x512xf32> to vector<4x512xf32>
      %slice3A_598 = vector.extract_strided_slice %mul3A_566 {offsets = [0, 0], sizes = [4, 512], strides = [1, 1]} : vector<8x512xf32> to vector<4x512xf32>
      %concatenate3A_599 = tpu.concatenate %slice3A_597, %slice3A_598 in 0 : vector<4x512xf32>, vector<4x512xf32> -> vector<8x512xf32>
      %mul3A_600 = vector.broadcast %broadcast_in_dim3A_153 : vector<8x1xf32> to vector<8x512xf32>
      %mul3A_601 = arith.mulf %concatenate3A_599, %mul3A_600 : vector<8x512xf32>
      %slice3A_602 = vector.extract_strided_slice %mul3A_566 {offsets = [5, 0], sizes = [3, 512], strides = [1, 1]} : vector<8x512xf32> to vector<3x512xf32>
      %slice3A_603 = vector.extract_strided_slice %mul3A_566 {offsets = [0, 0], sizes = [5, 512], strides = [1, 1]} : vector<8x512xf32> to vector<5x512xf32>
      %concatenate3A_604 = tpu.concatenate %slice3A_602, %slice3A_603 in 0 : vector<3x512xf32>, vector<5x512xf32> -> vector<8x512xf32>
      %mul3A_605 = vector.broadcast %broadcast_in_dim3A_185 : vector<8x1xf32> to vector<8x512xf32>
      %mul3A_606 = arith.mulf %concatenate3A_604, %mul3A_605 : vector<8x512xf32>
      %slice3A_607 = vector.extract_strided_slice %mul3A_566 {offsets = [6, 0], sizes = [2, 512], strides = [1, 1]} : vector<8x512xf32> to vector<2x512xf32>
      %slice3A_608 = vector.extract_strided_slice %mul3A_566 {offsets = [0, 0], sizes = [6, 512], strides = [1, 1]} : vector<8x512xf32> to vector<6x512xf32>
      %concatenate3A_609 = tpu.concatenate %slice3A_607, %slice3A_608 in 0 : vector<2x512xf32>, vector<6x512xf32> -> vector<8x512xf32>
      %mul3A_610 = vector.broadcast %broadcast_in_dim3A_217 : vector<8x1xf32> to vector<8x512xf32>
      %mul3A_611 = arith.mulf %concatenate3A_609, %mul3A_610 : vector<8x512xf32>
      %slice3A_612 = vector.extract_strided_slice %mul3A_566 {offsets = [7, 0], sizes = [1, 512], strides = [1, 1]} : vector<8x512xf32> to vector<1x512xf32>
      %slice3A_613 = vector.extract_strided_slice %mul3A_566 {offsets = [0, 0], sizes = [7, 512], strides = [1, 1]} : vector<8x512xf32> to vector<7x512xf32>
      %concatenate3A_614 = tpu.concatenate %slice3A_612, %slice3A_613 in 0 : vector<1x512xf32>, vector<7x512xf32> -> vector<8x512xf32>
      %mul3A_615 = vector.broadcast %broadcast_in_dim3A_249 : vector<8x1xf32> to vector<8x512xf32>
      %mul3A_616 = arith.mulf %concatenate3A_614, %mul3A_615 : vector<8x512xf32>
      %add3A_617 = arith.addf %mul3A_581, %mul3A_586 : vector<8x512xf32>
      %add3A_618 = arith.addf %mul3A_591, %mul3A_596 : vector<8x512xf32>
      %add3A_619 = arith.addf %mul3A_601, %mul3A_606 : vector<8x512xf32>
      %add3A_620 = arith.addf %mul3A_611, %mul3A_616 : vector<8x512xf32>
      %add3A_621 = arith.addf %add3A_617, %add3A_618 : vector<8x512xf32>
      %add3A_622 = arith.addf %add3A_619, %add3A_620 : vector<8x512xf32>
      %add3A_623 = arith.addf %add3A_621, %add3A_622 : vector<8x512xf32>
      %mul3A_624 = arith.mulf %add3A_623, %exp3A_579 : vector<8x512xf32>
      %get3A_625 = arith.constant 7 : index
      %get3A_626 = arith.constant 0 : index
      %get3A_627 = arith.constant 0 : index
      %get3A_628 = vector.load %arg1[%get3A_625, %get3A_626, %get3A_627] : memref<128x8x512xf32, #tpu.memory_space<vmem>>, vector<1x8x512xf32>
      %get3A_629 = vector.shape_cast %get3A_628 : vector<1x8x512xf32> to vector<8x512xf32>
      %slice3A_630 = vector.extract_strided_slice %get3A_272 {offsets = [7, 0], sizes = [1, 512], strides = [1, 1]} : vector<8x512xi32> to vector<1x512xi32>
      %eq3A_631 = vector.broadcast %slice3A_630 : vector<1x512xi32> to vector<8x512xi32>
      %eq3A_632 = arith.cmpi eq, %iota3A, %eq3A_631 : vector<8x512xi32>
      %jit3A_633 = arith.constant 0.000000e+00 : f32
      %broadcast_in_dim3A_634 = vector.broadcast %jit3A_633 : f32 to vector<8x512xf32>
      %select_n3A_635 = arith.select %eq3A_632, %get3A_629, %broadcast_in_dim3A_634 : vector<8x512xi1>, vector<8x512xf32>
      %add3A_636 = arith.addf %add3A_578, %select_n3A_635 : vector<8x512xf32>
      %exp3A_637 = math.exp %get3A_629 : vector<8x512xf32>
      %mul3A_638 = vector.broadcast %broadcast_in_dim3A_25 : vector<8x1xf32> to vector<8x512xf32>
      %mul3A_639 = arith.mulf %mul3A_624, %mul3A_638 : vector<8x512xf32>
      %slice3A_640 = vector.extract_strided_slice %mul3A_624 {offsets = [1, 0], sizes = [7, 512], strides = [1, 1]} : vector<8x512xf32> to vector<7x512xf32>
      %slice3A_641 = vector.extract_strided_slice %mul3A_624 {offsets = [0, 0], sizes = [1, 512], strides = [1, 1]} : vector<8x512xf32> to vector<1x512xf32>
      %concatenate3A_642 = tpu.concatenate %slice3A_640, %slice3A_641 in 0 : vector<7x512xf32>, vector<1x512xf32> -> vector<8x512xf32>
      %mul3A_643 = vector.broadcast %broadcast_in_dim3A_57 : vector<8x1xf32> to vector<8x512xf32>
      %mul3A_644 = arith.mulf %concatenate3A_642, %mul3A_643 : vector<8x512xf32>
      %slice3A_645 = vector.extract_strided_slice %mul3A_624 {offsets = [2, 0], sizes = [6, 512], strides = [1, 1]} : vector<8x512xf32> to vector<6x512xf32>
      %slice3A_646 = vector.extract_strided_slice %mul3A_624 {offsets = [0, 0], sizes = [2, 512], strides = [1, 1]} : vector<8x512xf32> to vector<2x512xf32>
      %concatenate3A_647 = tpu.concatenate %slice3A_645, %slice3A_646 in 0 : vector<6x512xf32>, vector<2x512xf32> -> vector<8x512xf32>
      %mul3A_648 = vector.broadcast %broadcast_in_dim3A_89 : vector<8x1xf32> to vector<8x512xf32>
      %mul3A_649 = arith.mulf %concatenate3A_647, %mul3A_648 : vector<8x512xf32>
      %slice3A_650 = vector.extract_strided_slice %mul3A_624 {offsets = [3, 0], sizes = [5, 512], strides = [1, 1]} : vector<8x512xf32> to vector<5x512xf32>
      %slice3A_651 = vector.extract_strided_slice %mul3A_624 {offsets = [0, 0], sizes = [3, 512], strides = [1, 1]} : vector<8x512xf32> to vector<3x512xf32>
      %concatenate3A_652 = tpu.concatenate %slice3A_650, %slice3A_651 in 0 : vector<5x512xf32>, vector<3x512xf32> -> vector<8x512xf32>
      %mul3A_653 = vector.broadcast %broadcast_in_dim3A_121 : vector<8x1xf32> to vector<8x512xf32>
      %mul3A_654 = arith.mulf %concatenate3A_652, %mul3A_653 : vector<8x512xf32>
      %slice3A_655 = vector.extract_strided_slice %mul3A_624 {offsets = [4, 0], sizes = [4, 512], strides = [1, 1]} : vector<8x512xf32> to vector<4x512xf32>
      %slice3A_656 = vector.extract_strided_slice %mul3A_624 {offsets = [0, 0], sizes = [4, 512], strides = [1, 1]} : vector<8x512xf32> to vector<4x512xf32>
      %concatenate3A_657 = tpu.concatenate %slice3A_655, %slice3A_656 in 0 : vector<4x512xf32>, vector<4x512xf32> -> vector<8x512xf32>
      %mul3A_658 = vector.broadcast %broadcast_in_dim3A_153 : vector<8x1xf32> to vector<8x512xf32>
      %mul3A_659 = arith.mulf %concatenate3A_657, %mul3A_658 : vector<8x512xf32>
      %slice3A_660 = vector.extract_strided_slice %mul3A_624 {offsets = [5, 0], sizes = [3, 512], strides = [1, 1]} : vector<8x512xf32> to vector<3x512xf32>
      %slice3A_661 = vector.extract_strided_slice %mul3A_624 {offsets = [0, 0], sizes = [5, 512], strides = [1, 1]} : vector<8x512xf32> to vector<5x512xf32>
      %concatenate3A_662 = tpu.concatenate %slice3A_660, %slice3A_661 in 0 : vector<3x512xf32>, vector<5x512xf32> -> vector<8x512xf32>
      %mul3A_663 = vector.broadcast %broadcast_in_dim3A_185 : vector<8x1xf32> to vector<8x512xf32>
      %mul3A_664 = arith.mulf %concatenate3A_662, %mul3A_663 : vector<8x512xf32>
      %slice3A_665 = vector.extract_strided_slice %mul3A_624 {offsets = [6, 0], sizes = [2, 512], strides = [1, 1]} : vector<8x512xf32> to vector<2x512xf32>
      %slice3A_666 = vector.extract_strided_slice %mul3A_624 {offsets = [0, 0], sizes = [6, 512], strides = [1, 1]} : vector<8x512xf32> to vector<6x512xf32>
      %concatenate3A_667 = tpu.concatenate %slice3A_665, %slice3A_666 in 0 : vector<2x512xf32>, vector<6x512xf32> -> vector<8x512xf32>
      %mul3A_668 = vector.broadcast %broadcast_in_dim3A_217 : vector<8x1xf32> to vector<8x512xf32>
      %mul3A_669 = arith.mulf %concatenate3A_667, %mul3A_668 : vector<8x512xf32>
      %slice3A_670 = vector.extract_strided_slice %mul3A_624 {offsets = [7, 0], sizes = [1, 512], strides = [1, 1]} : vector<8x512xf32> to vector<1x512xf32>
      %slice3A_671 = vector.extract_strided_slice %mul3A_624 {offsets = [0, 0], sizes = [7, 512], strides = [1, 1]} : vector<8x512xf32> to vector<7x512xf32>
      %concatenate3A_672 = tpu.concatenate %slice3A_670, %slice3A_671 in 0 : vector<1x512xf32>, vector<7x512xf32> -> vector<8x512xf32>
      %mul3A_673 = vector.broadcast %broadcast_in_dim3A_249 : vector<8x1xf32> to vector<8x512xf32>
      %mul3A_674 = arith.mulf %concatenate3A_672, %mul3A_673 : vector<8x512xf32>
      %add3A_675 = arith.addf %mul3A_639, %mul3A_644 : vector<8x512xf32>
      %add3A_676 = arith.addf %mul3A_649, %mul3A_654 : vector<8x512xf32>
      %add3A_677 = arith.addf %mul3A_659, %mul3A_664 : vector<8x512xf32>
      %add3A_678 = arith.addf %mul3A_669, %mul3A_674 : vector<8x512xf32>
      %add3A_679 = arith.addf %add3A_675, %add3A_676 : vector<8x512xf32>
      %add3A_680 = arith.addf %add3A_677, %add3A_678 : vector<8x512xf32>
      %add3A_681 = arith.addf %add3A_679, %add3A_680 : vector<8x512xf32>
      %mul3A_682 = arith.mulf %add3A_681, %exp3A_637 : vector<8x512xf32>
      %slice3A_683 = vector.extract_strided_slice %mul3A_682 {offsets = [0, 0], sizes = [1, 512], strides = [1, 1]} : vector<8x512xf32> to vector<1x512xf32>
      %bitcast_convert_type3A = tpu.bitcast %slice3A_683 : vector<1x512xf32> -> vector<1x512xi32>
      %shift_right_logical3A = arith.constant 23 : i32
      %shift_right_logical3A_684 = vector.broadcast %shift_right_logical3A : i32 to vector<1x512xi32>
      %shift_right_logical3A_685 = arith.shrui %bitcast_convert_type3A, %shift_right_logical3A_684 : vector<1x512xi32>
      %sub3A = arith.constant 254 : i32
      %sub3A_686 = vector.broadcast %sub3A : i32 to vector<1x512xi32>
      %sub3A_687 = arith.subi %sub3A_686, %shift_right_logical3A_685 : vector<1x512xi32>
      %shift_left3A = arith.constant 23 : i32
      %shift_left3A_688 = vector.broadcast %shift_left3A : i32 to vector<1x512xi32>
      %shift_left3A_689 = arith.shli %sub3A_687, %shift_left3A_688 : vector<1x512xi32>
      %bitcast_convert_type3A_690 = tpu.bitcast %shift_left3A_689 : vector<1x512xi32> -> vector<1x512xf32>
      %mul3A_691 = vector.broadcast %bitcast_convert_type3A_690 : vector<1x512xf32> to vector<8x512xf32>
      %mul3A_692 = arith.mulf %mul3A_682, %mul3A_691 : vector<8x512xf32>
      %sub3A_693 = arith.constant 127 : i32
      %sub3A_694 = vector.broadcast %sub3A_693 : i32 to vector<1x512xi32>
      %sub3A_695 = arith.subi %shift_right_logical3A_685, %sub3A_694 : vector<1x512xi32>
      %add3A_696 = arith.addi %broadcast_in_dim3A_251, %sub3A_695 : vector<1x512xi32>
      %scan3A = arith.constant 1 : i32
      %scan3A_697 = arith.constant 15 : i32
      %scan3A_698 = arith.addi %scan3A, %scan3A_697 : i32
      %scan3A_699 = arith.constant 1 : i32
      %scan3A_700:3 = scf.for %scan3A_710 = %scan3A to %scan3A_698 step %scan3A_699 iter_args(%scan3A_711 = %mul3A_692, %scan3A_712 = %add3A_696, %scan3A_713 = %add3A_636) -> (vector<8x512xf32>, vector<1x512xi32>, vector<8x512xf32>)  : i32 {
        %mul3A_714 = arith.constant 8 : i32
        %mul3A_715 = arith.muli %scan3A_710, %mul3A_714 : i32
        %get3A_716 = arith.index_cast %mul3A_715 : i32 to index
        %get3A_717 = arith.constant 0 : index
        %get3A_718 = vector.load %arg2[%get3A_716, %get3A_717] : memref<128x512xi32, #tpu.memory_space<vmem>>, vector<8x512xi32>
        %mul3A_719 = arith.constant 8 : i32
        %mul3A_720 = arith.muli %scan3A_710, %mul3A_719 : i32
        %add3A_721 = arith.constant 0 : i32
        %add3A_722 = arith.addi %mul3A_720, %add3A_721 : i32
        %get3A_723 = arith.index_cast %add3A_722 : i32 to index
        %get3A_724 = arith.constant 0 : index
        %get3A_725 = arith.constant 0 : index
        %get3A_726 = vector.load %arg1[%get3A_723, %get3A_724, %get3A_725] : memref<128x8x512xf32, #tpu.memory_space<vmem>>, vector<1x8x512xf32>
        %get3A_727 = vector.shape_cast %get3A_726 : vector<1x8x512xf32> to vector<8x512xf32>
        %slice3A_728 = vector.extract_strided_slice %get3A_718 {offsets = [0, 0], sizes = [1, 512], strides = [1, 1]} : vector<8x512xi32> to vector<1x512xi32>
        %eq3A_729 = vector.broadcast %slice3A_728 : vector<1x512xi32> to vector<8x512xi32>
        %eq3A_730 = arith.cmpi eq, %iota3A, %eq3A_729 : vector<8x512xi32>
        %jit3A_731 = arith.constant 0.000000e+00 : f32
        %broadcast_in_dim3A_732 = vector.broadcast %jit3A_731 : f32 to vector<8x512xf32>
        %select_n3A_733 = arith.select %eq3A_730, %get3A_727, %broadcast_in_dim3A_732 : vector<8x512xi1>, vector<8x512xf32>
        %add3A_734 = arith.addf %scan3A_713, %select_n3A_733 : vector<8x512xf32>
        %exp3A_735 = math.exp %get3A_727 : vector<8x512xf32>
        %mul3A_736 = vector.broadcast %broadcast_in_dim3A_25 : vector<8x1xf32> to vector<8x512xf32>
        %mul3A_737 = arith.mulf %scan3A_711, %mul3A_736 : vector<8x512xf32>
        %slice3A_738 = vector.extract_strided_slice %scan3A_711 {offsets = [1, 0], sizes = [7, 512], strides = [1, 1]} : vector<8x512xf32> to vector<7x512xf32>
        %slice3A_739 = vector.extract_strided_slice %scan3A_711 {offsets = [0, 0], sizes = [1, 512], strides = [1, 1]} : vector<8x512xf32> to vector<1x512xf32>
        %concatenate3A_740 = tpu.concatenate %slice3A_738, %slice3A_739 in 0 : vector<7x512xf32>, vector<1x512xf32> -> vector<8x512xf32>
        %mul3A_741 = vector.broadcast %broadcast_in_dim3A_57 : vector<8x1xf32> to vector<8x512xf32>
        %mul3A_742 = arith.mulf %concatenate3A_740, %mul3A_741 : vector<8x512xf32>
        %slice3A_743 = vector.extract_strided_slice %scan3A_711 {offsets = [2, 0], sizes = [6, 512], strides = [1, 1]} : vector<8x512xf32> to vector<6x512xf32>
        %slice3A_744 = vector.extract_strided_slice %scan3A_711 {offsets = [0, 0], sizes = [2, 512], strides = [1, 1]} : vector<8x512xf32> to vector<2x512xf32>
        %concatenate3A_745 = tpu.concatenate %slice3A_743, %slice3A_744 in 0 : vector<6x512xf32>, vector<2x512xf32> -> vector<8x512xf32>
        %mul3A_746 = vector.broadcast %broadcast_in_dim3A_89 : vector<8x1xf32> to vector<8x512xf32>
        %mul3A_747 = arith.mulf %concatenate3A_745, %mul3A_746 : vector<8x512xf32>
        %slice3A_748 = vector.extract_strided_slice %scan3A_711 {offsets = [3, 0], sizes = [5, 512], strides = [1, 1]} : vector<8x512xf32> to vector<5x512xf32>
        %slice3A_749 = vector.extract_strided_slice %scan3A_711 {offsets = [0, 0], sizes = [3, 512], strides = [1, 1]} : vector<8x512xf32> to vector<3x512xf32>
        %concatenate3A_750 = tpu.concatenate %slice3A_748, %slice3A_749 in 0 : vector<5x512xf32>, vector<3x512xf32> -> vector<8x512xf32>
        %mul3A_751 = vector.broadcast %broadcast_in_dim3A_121 : vector<8x1xf32> to vector<8x512xf32>
        %mul3A_752 = arith.mulf %concatenate3A_750, %mul3A_751 : vector<8x512xf32>
        %slice3A_753 = vector.extract_strided_slice %scan3A_711 {offsets = [4, 0], sizes = [4, 512], strides = [1, 1]} : vector<8x512xf32> to vector<4x512xf32>
        %slice3A_754 = vector.extract_strided_slice %scan3A_711 {offsets = [0, 0], sizes = [4, 512], strides = [1, 1]} : vector<8x512xf32> to vector<4x512xf32>
        %concatenate3A_755 = tpu.concatenate %slice3A_753, %slice3A_754 in 0 : vector<4x512xf32>, vector<4x512xf32> -> vector<8x512xf32>
        %mul3A_756 = vector.broadcast %broadcast_in_dim3A_153 : vector<8x1xf32> to vector<8x512xf32>
        %mul3A_757 = arith.mulf %concatenate3A_755, %mul3A_756 : vector<8x512xf32>
        %slice3A_758 = vector.extract_strided_slice %scan3A_711 {offsets = [5, 0], sizes = [3, 512], strides = [1, 1]} : vector<8x512xf32> to vector<3x512xf32>
        %slice3A_759 = vector.extract_strided_slice %scan3A_711 {offsets = [0, 0], sizes = [5, 512], strides = [1, 1]} : vector<8x512xf32> to vector<5x512xf32>
        %concatenate3A_760 = tpu.concatenate %slice3A_758, %slice3A_759 in 0 : vector<3x512xf32>, vector<5x512xf32> -> vector<8x512xf32>
        %mul3A_761 = vector.broadcast %broadcast_in_dim3A_185 : vector<8x1xf32> to vector<8x512xf32>
        %mul3A_762 = arith.mulf %concatenate3A_760, %mul3A_761 : vector<8x512xf32>
        %slice3A_763 = vector.extract_strided_slice %scan3A_711 {offsets = [6, 0], sizes = [2, 512], strides = [1, 1]} : vector<8x512xf32> to vector<2x512xf32>
        %slice3A_764 = vector.extract_strided_slice %scan3A_711 {offsets = [0, 0], sizes = [6, 512], strides = [1, 1]} : vector<8x512xf32> to vector<6x512xf32>
        %concatenate3A_765 = tpu.concatenate %slice3A_763, %slice3A_764 in 0 : vector<2x512xf32>, vector<6x512xf32> -> vector<8x512xf32>
        %mul3A_766 = vector.broadcast %broadcast_in_dim3A_217 : vector<8x1xf32> to vector<8x512xf32>
        %mul3A_767 = arith.mulf %concatenate3A_765, %mul3A_766 : vector<8x512xf32>
        %slice3A_768 = vector.extract_strided_slice %scan3A_711 {offsets = [7, 0], sizes = [1, 512], strides = [1, 1]} : vector<8x512xf32> to vector<1x512xf32>
        %slice3A_769 = vector.extract_strided_slice %scan3A_711 {offsets = [0, 0], sizes = [7, 512], strides = [1, 1]} : vector<8x512xf32> to vector<7x512xf32>
        %concatenate3A_770 = tpu.concatenate %slice3A_768, %slice3A_769 in 0 : vector<1x512xf32>, vector<7x512xf32> -> vector<8x512xf32>
        %mul3A_771 = vector.broadcast %broadcast_in_dim3A_249 : vector<8x1xf32> to vector<8x512xf32>
        %mul3A_772 = arith.mulf %concatenate3A_770, %mul3A_771 : vector<8x512xf32>
        %add3A_773 = arith.addf %mul3A_737, %mul3A_742 : vector<8x512xf32>
        %add3A_774 = arith.addf %mul3A_747, %mul3A_752 : vector<8x512xf32>
        %add3A_775 = arith.addf %mul3A_757, %mul3A_762 : vector<8x512xf32>
        %add3A_776 = arith.addf %mul3A_767, %mul3A_772 : vector<8x512xf32>
        %add3A_777 = arith.addf %add3A_773, %add3A_774 : vector<8x512xf32>
        %add3A_778 = arith.addf %add3A_775, %add3A_776 : vector<8x512xf32>
        %add3A_779 = arith.addf %add3A_777, %add3A_778 : vector<8x512xf32>
        %mul3A_780 = arith.mulf %add3A_779, %exp3A_735 : vector<8x512xf32>
        %mul3A_781 = arith.constant 8 : i32
        %mul3A_782 = arith.muli %scan3A_710, %mul3A_781 : i32
        %add3A_783 = arith.constant 1 : i32
        %add3A_784 = arith.addi %mul3A_782, %add3A_783 : i32
        %get3A_785 = arith.index_cast %add3A_784 : i32 to index
        %get3A_786 = arith.constant 0 : index
        %get3A_787 = arith.constant 0 : index
        %get3A_788 = vector.load %arg1[%get3A_785, %get3A_786, %get3A_787] : memref<128x8x512xf32, #tpu.memory_space<vmem>>, vector<1x8x512xf32>
        %get3A_789 = vector.shape_cast %get3A_788 : vector<1x8x512xf32> to vector<8x512xf32>
        %slice3A_790 = vector.extract_strided_slice %get3A_718 {offsets = [1, 0], sizes = [1, 512], strides = [1, 1]} : vector<8x512xi32> to vector<1x512xi32>
        %eq3A_791 = vector.broadcast %slice3A_790 : vector<1x512xi32> to vector<8x512xi32>
        %eq3A_792 = arith.cmpi eq, %iota3A, %eq3A_791 : vector<8x512xi32>
        %jit3A_793 = arith.constant 0.000000e+00 : f32
        %broadcast_in_dim3A_794 = vector.broadcast %jit3A_793 : f32 to vector<8x512xf32>
        %select_n3A_795 = arith.select %eq3A_792, %get3A_789, %broadcast_in_dim3A_794 : vector<8x512xi1>, vector<8x512xf32>
        %add3A_796 = arith.addf %add3A_734, %select_n3A_795 : vector<8x512xf32>
        %exp3A_797 = math.exp %get3A_789 : vector<8x512xf32>
        %mul3A_798 = vector.broadcast %broadcast_in_dim3A_25 : vector<8x1xf32> to vector<8x512xf32>
        %mul3A_799 = arith.mulf %mul3A_780, %mul3A_798 : vector<8x512xf32>
        %slice3A_800 = vector.extract_strided_slice %mul3A_780 {offsets = [1, 0], sizes = [7, 512], strides = [1, 1]} : vector<8x512xf32> to vector<7x512xf32>
        %slice3A_801 = vector.extract_strided_slice %mul3A_780 {offsets = [0, 0], sizes = [1, 512], strides = [1, 1]} : vector<8x512xf32> to vector<1x512xf32>
        %concatenate3A_802 = tpu.concatenate %slice3A_800, %slice3A_801 in 0 : vector<7x512xf32>, vector<1x512xf32> -> vector<8x512xf32>
        %mul3A_803 = vector.broadcast %broadcast_in_dim3A_57 : vector<8x1xf32> to vector<8x512xf32>
        %mul3A_804 = arith.mulf %concatenate3A_802, %mul3A_803 : vector<8x512xf32>
        %slice3A_805 = vector.extract_strided_slice %mul3A_780 {offsets = [2, 0], sizes = [6, 512], strides = [1, 1]} : vector<8x512xf32> to vector<6x512xf32>
        %slice3A_806 = vector.extract_strided_slice %mul3A_780 {offsets = [0, 0], sizes = [2, 512], strides = [1, 1]} : vector<8x512xf32> to vector<2x512xf32>
        %concatenate3A_807 = tpu.concatenate %slice3A_805, %slice3A_806 in 0 : vector<6x512xf32>, vector<2x512xf32> -> vector<8x512xf32>
        %mul3A_808 = vector.broadcast %broadcast_in_dim3A_89 : vector<8x1xf32> to vector<8x512xf32>
        %mul3A_809 = arith.mulf %concatenate3A_807, %mul3A_808 : vector<8x512xf32>
        %slice3A_810 = vector.extract_strided_slice %mul3A_780 {offsets = [3, 0], sizes = [5, 512], strides = [1, 1]} : vector<8x512xf32> to vector<5x512xf32>
        %slice3A_811 = vector.extract_strided_slice %mul3A_780 {offsets = [0, 0], sizes = [3, 512], strides = [1, 1]} : vector<8x512xf32> to vector<3x512xf32>
        %concatenate3A_812 = tpu.concatenate %slice3A_810, %slice3A_811 in 0 : vector<5x512xf32>, vector<3x512xf32> -> vector<8x512xf32>
        %mul3A_813 = vector.broadcast %broadcast_in_dim3A_121 : vector<8x1xf32> to vector<8x512xf32>
        %mul3A_814 = arith.mulf %concatenate3A_812, %mul3A_813 : vector<8x512xf32>
        %slice3A_815 = vector.extract_strided_slice %mul3A_780 {offsets = [4, 0], sizes = [4, 512], strides = [1, 1]} : vector<8x512xf32> to vector<4x512xf32>
        %slice3A_816 = vector.extract_strided_slice %mul3A_780 {offsets = [0, 0], sizes = [4, 512], strides = [1, 1]} : vector<8x512xf32> to vector<4x512xf32>
        %concatenate3A_817 = tpu.concatenate %slice3A_815, %slice3A_816 in 0 : vector<4x512xf32>, vector<4x512xf32> -> vector<8x512xf32>
        %mul3A_818 = vector.broadcast %broadcast_in_dim3A_153 : vector<8x1xf32> to vector<8x512xf32>
        %mul3A_819 = arith.mulf %concatenate3A_817, %mul3A_818 : vector<8x512xf32>
        %slice3A_820 = vector.extract_strided_slice %mul3A_780 {offsets = [5, 0], sizes = [3, 512], strides = [1, 1]} : vector<8x512xf32> to vector<3x512xf32>
        %slice3A_821 = vector.extract_strided_slice %mul3A_780 {offsets = [0, 0], sizes = [5, 512], strides = [1, 1]} : vector<8x512xf32> to vector<5x512xf32>
        %concatenate3A_822 = tpu.concatenate %slice3A_820, %slice3A_821 in 0 : vector<3x512xf32>, vector<5x512xf32> -> vector<8x512xf32>
        %mul3A_823 = vector.broadcast %broadcast_in_dim3A_185 : vector<8x1xf32> to vector<8x512xf32>
        %mul3A_824 = arith.mulf %concatenate3A_822, %mul3A_823 : vector<8x512xf32>
        %slice3A_825 = vector.extract_strided_slice %mul3A_780 {offsets = [6, 0], sizes = [2, 512], strides = [1, 1]} : vector<8x512xf32> to vector<2x512xf32>
        %slice3A_826 = vector.extract_strided_slice %mul3A_780 {offsets = [0, 0], sizes = [6, 512], strides = [1, 1]} : vector<8x512xf32> to vector<6x512xf32>
        %concatenate3A_827 = tpu.concatenate %slice3A_825, %slice3A_826 in 0 : vector<2x512xf32>, vector<6x512xf32> -> vector<8x512xf32>
        %mul3A_828 = vector.broadcast %broadcast_in_dim3A_217 : vector<8x1xf32> to vector<8x512xf32>
        %mul3A_829 = arith.mulf %concatenate3A_827, %mul3A_828 : vector<8x512xf32>
        %slice3A_830 = vector.extract_strided_slice %mul3A_780 {offsets = [7, 0], sizes = [1, 512], strides = [1, 1]} : vector<8x512xf32> to vector<1x512xf32>
        %slice3A_831 = vector.extract_strided_slice %mul3A_780 {offsets = [0, 0], sizes = [7, 512], strides = [1, 1]} : vector<8x512xf32> to vector<7x512xf32>
        %concatenate3A_832 = tpu.concatenate %slice3A_830, %slice3A_831 in 0 : vector<1x512xf32>, vector<7x512xf32> -> vector<8x512xf32>
        %mul3A_833 = vector.broadcast %broadcast_in_dim3A_249 : vector<8x1xf32> to vector<8x512xf32>
        %mul3A_834 = arith.mulf %concatenate3A_832, %mul3A_833 : vector<8x512xf32>
        %add3A_835 = arith.addf %mul3A_799, %mul3A_804 : vector<8x512xf32>
        %add3A_836 = arith.addf %mul3A_809, %mul3A_814 : vector<8x512xf32>
        %add3A_837 = arith.addf %mul3A_819, %mul3A_824 : vector<8x512xf32>
        %add3A_838 = arith.addf %mul3A_829, %mul3A_834 : vector<8x512xf32>
        %add3A_839 = arith.addf %add3A_835, %add3A_836 : vector<8x512xf32>
        %add3A_840 = arith.addf %add3A_837, %add3A_838 : vector<8x512xf32>
        %add3A_841 = arith.addf %add3A_839, %add3A_840 : vector<8x512xf32>
        %mul3A_842 = arith.mulf %add3A_841, %exp3A_797 : vector<8x512xf32>
        %mul3A_843 = arith.constant 8 : i32
        %mul3A_844 = arith.muli %scan3A_710, %mul3A_843 : i32
        %add3A_845 = arith.constant 2 : i32
        %add3A_846 = arith.addi %mul3A_844, %add3A_845 : i32
        %get3A_847 = arith.index_cast %add3A_846 : i32 to index
        %get3A_848 = arith.constant 0 : index
        %get3A_849 = arith.constant 0 : index
        %get3A_850 = vector.load %arg1[%get3A_847, %get3A_848, %get3A_849] : memref<128x8x512xf32, #tpu.memory_space<vmem>>, vector<1x8x512xf32>
        %get3A_851 = vector.shape_cast %get3A_850 : vector<1x8x512xf32> to vector<8x512xf32>
        %slice3A_852 = vector.extract_strided_slice %get3A_718 {offsets = [2, 0], sizes = [1, 512], strides = [1, 1]} : vector<8x512xi32> to vector<1x512xi32>
        %eq3A_853 = vector.broadcast %slice3A_852 : vector<1x512xi32> to vector<8x512xi32>
        %eq3A_854 = arith.cmpi eq, %iota3A, %eq3A_853 : vector<8x512xi32>
        %jit3A_855 = arith.constant 0.000000e+00 : f32
        %broadcast_in_dim3A_856 = vector.broadcast %jit3A_855 : f32 to vector<8x512xf32>
        %select_n3A_857 = arith.select %eq3A_854, %get3A_851, %broadcast_in_dim3A_856 : vector<8x512xi1>, vector<8x512xf32>
        %add3A_858 = arith.addf %add3A_796, %select_n3A_857 : vector<8x512xf32>
        %exp3A_859 = math.exp %get3A_851 : vector<8x512xf32>
        %mul3A_860 = vector.broadcast %broadcast_in_dim3A_25 : vector<8x1xf32> to vector<8x512xf32>
        %mul3A_861 = arith.mulf %mul3A_842, %mul3A_860 : vector<8x512xf32>
        %slice3A_862 = vector.extract_strided_slice %mul3A_842 {offsets = [1, 0], sizes = [7, 512], strides = [1, 1]} : vector<8x512xf32> to vector<7x512xf32>
        %slice3A_863 = vector.extract_strided_slice %mul3A_842 {offsets = [0, 0], sizes = [1, 512], strides = [1, 1]} : vector<8x512xf32> to vector<1x512xf32>
        %concatenate3A_864 = tpu.concatenate %slice3A_862, %slice3A_863 in 0 : vector<7x512xf32>, vector<1x512xf32> -> vector<8x512xf32>
        %mul3A_865 = vector.broadcast %broadcast_in_dim3A_57 : vector<8x1xf32> to vector<8x512xf32>
        %mul3A_866 = arith.mulf %concatenate3A_864, %mul3A_865 : vector<8x512xf32>
        %slice3A_867 = vector.extract_strided_slice %mul3A_842 {offsets = [2, 0], sizes = [6, 512], strides = [1, 1]} : vector<8x512xf32> to vector<6x512xf32>
        %slice3A_868 = vector.extract_strided_slice %mul3A_842 {offsets = [0, 0], sizes = [2, 512], strides = [1, 1]} : vector<8x512xf32> to vector<2x512xf32>
        %concatenate3A_869 = tpu.concatenate %slice3A_867, %slice3A_868 in 0 : vector<6x512xf32>, vector<2x512xf32> -> vector<8x512xf32>
        %mul3A_870 = vector.broadcast %broadcast_in_dim3A_89 : vector<8x1xf32> to vector<8x512xf32>
        %mul3A_871 = arith.mulf %concatenate3A_869, %mul3A_870 : vector<8x512xf32>
        %slice3A_872 = vector.extract_strided_slice %mul3A_842 {offsets = [3, 0], sizes = [5, 512], strides = [1, 1]} : vector<8x512xf32> to vector<5x512xf32>
        %slice3A_873 = vector.extract_strided_slice %mul3A_842 {offsets = [0, 0], sizes = [3, 512], strides = [1, 1]} : vector<8x512xf32> to vector<3x512xf32>
        %concatenate3A_874 = tpu.concatenate %slice3A_872, %slice3A_873 in 0 : vector<5x512xf32>, vector<3x512xf32> -> vector<8x512xf32>
        %mul3A_875 = vector.broadcast %broadcast_in_dim3A_121 : vector<8x1xf32> to vector<8x512xf32>
        %mul3A_876 = arith.mulf %concatenate3A_874, %mul3A_875 : vector<8x512xf32>
        %slice3A_877 = vector.extract_strided_slice %mul3A_842 {offsets = [4, 0], sizes = [4, 512], strides = [1, 1]} : vector<8x512xf32> to vector<4x512xf32>
        %slice3A_878 = vector.extract_strided_slice %mul3A_842 {offsets = [0, 0], sizes = [4, 512], strides = [1, 1]} : vector<8x512xf32> to vector<4x512xf32>
        %concatenate3A_879 = tpu.concatenate %slice3A_877, %slice3A_878 in 0 : vector<4x512xf32>, vector<4x512xf32> -> vector<8x512xf32>
        %mul3A_880 = vector.broadcast %broadcast_in_dim3A_153 : vector<8x1xf32> to vector<8x512xf32>
        %mul3A_881 = arith.mulf %concatenate3A_879, %mul3A_880 : vector<8x512xf32>
        %slice3A_882 = vector.extract_strided_slice %mul3A_842 {offsets = [5, 0], sizes = [3, 512], strides = [1, 1]} : vector<8x512xf32> to vector<3x512xf32>
        %slice3A_883 = vector.extract_strided_slice %mul3A_842 {offsets = [0, 0], sizes = [5, 512], strides = [1, 1]} : vector<8x512xf32> to vector<5x512xf32>
        %concatenate3A_884 = tpu.concatenate %slice3A_882, %slice3A_883 in 0 : vector<3x512xf32>, vector<5x512xf32> -> vector<8x512xf32>
        %mul3A_885 = vector.broadcast %broadcast_in_dim3A_185 : vector<8x1xf32> to vector<8x512xf32>
        %mul3A_886 = arith.mulf %concatenate3A_884, %mul3A_885 : vector<8x512xf32>
        %slice3A_887 = vector.extract_strided_slice %mul3A_842 {offsets = [6, 0], sizes = [2, 512], strides = [1, 1]} : vector<8x512xf32> to vector<2x512xf32>
        %slice3A_888 = vector.extract_strided_slice %mul3A_842 {offsets = [0, 0], sizes = [6, 512], strides = [1, 1]} : vector<8x512xf32> to vector<6x512xf32>
        %concatenate3A_889 = tpu.concatenate %slice3A_887, %slice3A_888 in 0 : vector<2x512xf32>, vector<6x512xf32> -> vector<8x512xf32>
        %mul3A_890 = vector.broadcast %broadcast_in_dim3A_217 : vector<8x1xf32> to vector<8x512xf32>
        %mul3A_891 = arith.mulf %concatenate3A_889, %mul3A_890 : vector<8x512xf32>
        %slice3A_892 = vector.extract_strided_slice %mul3A_842 {offsets = [7, 0], sizes = [1, 512], strides = [1, 1]} : vector<8x512xf32> to vector<1x512xf32>
        %slice3A_893 = vector.extract_strided_slice %mul3A_842 {offsets = [0, 0], sizes = [7, 512], strides = [1, 1]} : vector<8x512xf32> to vector<7x512xf32>
        %concatenate3A_894 = tpu.concatenate %slice3A_892, %slice3A_893 in 0 : vector<1x512xf32>, vector<7x512xf32> -> vector<8x512xf32>
        %mul3A_895 = vector.broadcast %broadcast_in_dim3A_249 : vector<8x1xf32> to vector<8x512xf32>
        %mul3A_896 = arith.mulf %concatenate3A_894, %mul3A_895 : vector<8x512xf32>
        %add3A_897 = arith.addf %mul3A_861, %mul3A_866 : vector<8x512xf32>
        %add3A_898 = arith.addf %mul3A_871, %mul3A_876 : vector<8x512xf32>
        %add3A_899 = arith.addf %mul3A_881, %mul3A_886 : vector<8x512xf32>
        %add3A_900 = arith.addf %mul3A_891, %mul3A_896 : vector<8x512xf32>
        %add3A_901 = arith.addf %add3A_897, %add3A_898 : vector<8x512xf32>
        %add3A_902 = arith.addf %add3A_899, %add3A_900 : vector<8x512xf32>
        %add3A_903 = arith.addf %add3A_901, %add3A_902 : vector<8x512xf32>
        %mul3A_904 = arith.mulf %add3A_903, %exp3A_859 : vector<8x512xf32>
        %mul3A_905 = arith.constant 8 : i32
        %mul3A_906 = arith.muli %scan3A_710, %mul3A_905 : i32
        %add3A_907 = arith.constant 3 : i32
        %add3A_908 = arith.addi %mul3A_906, %add3A_907 : i32
        %get3A_909 = arith.index_cast %add3A_908 : i32 to index
        %get3A_910 = arith.constant 0 : index
        %get3A_911 = arith.constant 0 : index
        %get3A_912 = vector.load %arg1[%get3A_909, %get3A_910, %get3A_911] : memref<128x8x512xf32, #tpu.memory_space<vmem>>, vector<1x8x512xf32>
        %get3A_913 = vector.shape_cast %get3A_912 : vector<1x8x512xf32> to vector<8x512xf32>
        %slice3A_914 = vector.extract_strided_slice %get3A_718 {offsets = [3, 0], sizes = [1, 512], strides = [1, 1]} : vector<8x512xi32> to vector<1x512xi32>
        %eq3A_915 = vector.broadcast %slice3A_914 : vector<1x512xi32> to vector<8x512xi32>
        %eq3A_916 = arith.cmpi eq, %iota3A, %eq3A_915 : vector<8x512xi32>
        %jit3A_917 = arith.constant 0.000000e+00 : f32
        %broadcast_in_dim3A_918 = vector.broadcast %jit3A_917 : f32 to vector<8x512xf32>
        %select_n3A_919 = arith.select %eq3A_916, %get3A_913, %broadcast_in_dim3A_918 : vector<8x512xi1>, vector<8x512xf32>
        %add3A_920 = arith.addf %add3A_858, %select_n3A_919 : vector<8x512xf32>
        %exp3A_921 = math.exp %get3A_913 : vector<8x512xf32>
        %mul3A_922 = vector.broadcast %broadcast_in_dim3A_25 : vector<8x1xf32> to vector<8x512xf32>
        %mul3A_923 = arith.mulf %mul3A_904, %mul3A_922 : vector<8x512xf32>
        %slice3A_924 = vector.extract_strided_slice %mul3A_904 {offsets = [1, 0], sizes = [7, 512], strides = [1, 1]} : vector<8x512xf32> to vector<7x512xf32>
        %slice3A_925 = vector.extract_strided_slice %mul3A_904 {offsets = [0, 0], sizes = [1, 512], strides = [1, 1]} : vector<8x512xf32> to vector<1x512xf32>
        %concatenate3A_926 = tpu.concatenate %slice3A_924, %slice3A_925 in 0 : vector<7x512xf32>, vector<1x512xf32> -> vector<8x512xf32>
        %mul3A_927 = vector.broadcast %broadcast_in_dim3A_57 : vector<8x1xf32> to vector<8x512xf32>
        %mul3A_928 = arith.mulf %concatenate3A_926, %mul3A_927 : vector<8x512xf32>
        %slice3A_929 = vector.extract_strided_slice %mul3A_904 {offsets = [2, 0], sizes = [6, 512], strides = [1, 1]} : vector<8x512xf32> to vector<6x512xf32>
        %slice3A_930 = vector.extract_strided_slice %mul3A_904 {offsets = [0, 0], sizes = [2, 512], strides = [1, 1]} : vector<8x512xf32> to vector<2x512xf32>
        %concatenate3A_931 = tpu.concatenate %slice3A_929, %slice3A_930 in 0 : vector<6x512xf32>, vector<2x512xf32> -> vector<8x512xf32>
        %mul3A_932 = vector.broadcast %broadcast_in_dim3A_89 : vector<8x1xf32> to vector<8x512xf32>
        %mul3A_933 = arith.mulf %concatenate3A_931, %mul3A_932 : vector<8x512xf32>
        %slice3A_934 = vector.extract_strided_slice %mul3A_904 {offsets = [3, 0], sizes = [5, 512], strides = [1, 1]} : vector<8x512xf32> to vector<5x512xf32>
        %slice3A_935 = vector.extract_strided_slice %mul3A_904 {offsets = [0, 0], sizes = [3, 512], strides = [1, 1]} : vector<8x512xf32> to vector<3x512xf32>
        %concatenate3A_936 = tpu.concatenate %slice3A_934, %slice3A_935 in 0 : vector<5x512xf32>, vector<3x512xf32> -> vector<8x512xf32>
        %mul3A_937 = vector.broadcast %broadcast_in_dim3A_121 : vector<8x1xf32> to vector<8x512xf32>
        %mul3A_938 = arith.mulf %concatenate3A_936, %mul3A_937 : vector<8x512xf32>
        %slice3A_939 = vector.extract_strided_slice %mul3A_904 {offsets = [4, 0], sizes = [4, 512], strides = [1, 1]} : vector<8x512xf32> to vector<4x512xf32>
        %slice3A_940 = vector.extract_strided_slice %mul3A_904 {offsets = [0, 0], sizes = [4, 512], strides = [1, 1]} : vector<8x512xf32> to vector<4x512xf32>
        %concatenate3A_941 = tpu.concatenate %slice3A_939, %slice3A_940 in 0 : vector<4x512xf32>, vector<4x512xf32> -> vector<8x512xf32>
        %mul3A_942 = vector.broadcast %broadcast_in_dim3A_153 : vector<8x1xf32> to vector<8x512xf32>
        %mul3A_943 = arith.mulf %concatenate3A_941, %mul3A_942 : vector<8x512xf32>
        %slice3A_944 = vector.extract_strided_slice %mul3A_904 {offsets = [5, 0], sizes = [3, 512], strides = [1, 1]} : vector<8x512xf32> to vector<3x512xf32>
        %slice3A_945 = vector.extract_strided_slice %mul3A_904 {offsets = [0, 0], sizes = [5, 512], strides = [1, 1]} : vector<8x512xf32> to vector<5x512xf32>
        %concatenate3A_946 = tpu.concatenate %slice3A_944, %slice3A_945 in 0 : vector<3x512xf32>, vector<5x512xf32> -> vector<8x512xf32>
        %mul3A_947 = vector.broadcast %broadcast_in_dim3A_185 : vector<8x1xf32> to vector<8x512xf32>
        %mul3A_948 = arith.mulf %concatenate3A_946, %mul3A_947 : vector<8x512xf32>
        %slice3A_949 = vector.extract_strided_slice %mul3A_904 {offsets = [6, 0], sizes = [2, 512], strides = [1, 1]} : vector<8x512xf32> to vector<2x512xf32>
        %slice3A_950 = vector.extract_strided_slice %mul3A_904 {offsets = [0, 0], sizes = [6, 512], strides = [1, 1]} : vector<8x512xf32> to vector<6x512xf32>
        %concatenate3A_951 = tpu.concatenate %slice3A_949, %slice3A_950 in 0 : vector<2x512xf32>, vector<6x512xf32> -> vector<8x512xf32>
        %mul3A_952 = vector.broadcast %broadcast_in_dim3A_217 : vector<8x1xf32> to vector<8x512xf32>
        %mul3A_953 = arith.mulf %concatenate3A_951, %mul3A_952 : vector<8x512xf32>
        %slice3A_954 = vector.extract_strided_slice %mul3A_904 {offsets = [7, 0], sizes = [1, 512], strides = [1, 1]} : vector<8x512xf32> to vector<1x512xf32>
        %slice3A_955 = vector.extract_strided_slice %mul3A_904 {offsets = [0, 0], sizes = [7, 512], strides = [1, 1]} : vector<8x512xf32> to vector<7x512xf32>
        %concatenate3A_956 = tpu.concatenate %slice3A_954, %slice3A_955 in 0 : vector<1x512xf32>, vector<7x512xf32> -> vector<8x512xf32>
        %mul3A_957 = vector.broadcast %broadcast_in_dim3A_249 : vector<8x1xf32> to vector<8x512xf32>
        %mul3A_958 = arith.mulf %concatenate3A_956, %mul3A_957 : vector<8x512xf32>
        %add3A_959 = arith.addf %mul3A_923, %mul3A_928 : vector<8x512xf32>
        %add3A_960 = arith.addf %mul3A_933, %mul3A_938 : vector<8x512xf32>
        %add3A_961 = arith.addf %mul3A_943, %mul3A_948 : vector<8x512xf32>
        %add3A_962 = arith.addf %mul3A_953, %mul3A_958 : vector<8x512xf32>
        %add3A_963 = arith.addf %add3A_959, %add3A_960 : vector<8x512xf32>
        %add3A_964 = arith.addf %add3A_961, %add3A_962 : vector<8x512xf32>
        %add3A_965 = arith.addf %add3A_963, %add3A_964 : vector<8x512xf32>
        %mul3A_966 = arith.mulf %add3A_965, %exp3A_921 : vector<8x512xf32>
        %mul3A_967 = arith.constant 8 : i32
        %mul3A_968 = arith.muli %scan3A_710, %mul3A_967 : i32
        %add3A_969 = arith.constant 4 : i32
        %add3A_970 = arith.addi %mul3A_968, %add3A_969 : i32
        %get3A_971 = arith.index_cast %add3A_970 : i32 to index
        %get3A_972 = arith.constant 0 : index
        %get3A_973 = arith.constant 0 : index
        %get3A_974 = vector.load %arg1[%get3A_971, %get3A_972, %get3A_973] : memref<128x8x512xf32, #tpu.memory_space<vmem>>, vector<1x8x512xf32>
        %get3A_975 = vector.shape_cast %get3A_974 : vector<1x8x512xf32> to vector<8x512xf32>
        %slice3A_976 = vector.extract_strided_slice %get3A_718 {offsets = [4, 0], sizes = [1, 512], strides = [1, 1]} : vector<8x512xi32> to vector<1x512xi32>
        %eq3A_977 = vector.broadcast %slice3A_976 : vector<1x512xi32> to vector<8x512xi32>
        %eq3A_978 = arith.cmpi eq, %iota3A, %eq3A_977 : vector<8x512xi32>
        %jit3A_979 = arith.constant 0.000000e+00 : f32
        %broadcast_in_dim3A_980 = vector.broadcast %jit3A_979 : f32 to vector<8x512xf32>
        %select_n3A_981 = arith.select %eq3A_978, %get3A_975, %broadcast_in_dim3A_980 : vector<8x512xi1>, vector<8x512xf32>
        %add3A_982 = arith.addf %add3A_920, %select_n3A_981 : vector<8x512xf32>
        %exp3A_983 = math.exp %get3A_975 : vector<8x512xf32>
        %mul3A_984 = vector.broadcast %broadcast_in_dim3A_25 : vector<8x1xf32> to vector<8x512xf32>
        %mul3A_985 = arith.mulf %mul3A_966, %mul3A_984 : vector<8x512xf32>
        %slice3A_986 = vector.extract_strided_slice %mul3A_966 {offsets = [1, 0], sizes = [7, 512], strides = [1, 1]} : vector<8x512xf32> to vector<7x512xf32>
        %slice3A_987 = vector.extract_strided_slice %mul3A_966 {offsets = [0, 0], sizes = [1, 512], strides = [1, 1]} : vector<8x512xf32> to vector<1x512xf32>
        %concatenate3A_988 = tpu.concatenate %slice3A_986, %slice3A_987 in 0 : vector<7x512xf32>, vector<1x512xf32> -> vector<8x512xf32>
        %mul3A_989 = vector.broadcast %broadcast_in_dim3A_57 : vector<8x1xf32> to vector<8x512xf32>
        %mul3A_990 = arith.mulf %concatenate3A_988, %mul3A_989 : vector<8x512xf32>
        %slice3A_991 = vector.extract_strided_slice %mul3A_966 {offsets = [2, 0], sizes = [6, 512], strides = [1, 1]} : vector<8x512xf32> to vector<6x512xf32>
        %slice3A_992 = vector.extract_strided_slice %mul3A_966 {offsets = [0, 0], sizes = [2, 512], strides = [1, 1]} : vector<8x512xf32> to vector<2x512xf32>
        %concatenate3A_993 = tpu.concatenate %slice3A_991, %slice3A_992 in 0 : vector<6x512xf32>, vector<2x512xf32> -> vector<8x512xf32>
        %mul3A_994 = vector.broadcast %broadcast_in_dim3A_89 : vector<8x1xf32> to vector<8x512xf32>
        %mul3A_995 = arith.mulf %concatenate3A_993, %mul3A_994 : vector<8x512xf32>
        %slice3A_996 = vector.extract_strided_slice %mul3A_966 {offsets = [3, 0], sizes = [5, 512], strides = [1, 1]} : vector<8x512xf32> to vector<5x512xf32>
        %slice3A_997 = vector.extract_strided_slice %mul3A_966 {offsets = [0, 0], sizes = [3, 512], strides = [1, 1]} : vector<8x512xf32> to vector<3x512xf32>
        %concatenate3A_998 = tpu.concatenate %slice3A_996, %slice3A_997 in 0 : vector<5x512xf32>, vector<3x512xf32> -> vector<8x512xf32>
        %mul3A_999 = vector.broadcast %broadcast_in_dim3A_121 : vector<8x1xf32> to vector<8x512xf32>
        %mul3A_1000 = arith.mulf %concatenate3A_998, %mul3A_999 : vector<8x512xf32>
        %slice3A_1001 = vector.extract_strided_slice %mul3A_966 {offsets = [4, 0], sizes = [4, 512], strides = [1, 1]} : vector<8x512xf32> to vector<4x512xf32>
        %slice3A_1002 = vector.extract_strided_slice %mul3A_966 {offsets = [0, 0], sizes = [4, 512], strides = [1, 1]} : vector<8x512xf32> to vector<4x512xf32>
        %concatenate3A_1003 = tpu.concatenate %slice3A_1001, %slice3A_1002 in 0 : vector<4x512xf32>, vector<4x512xf32> -> vector<8x512xf32>
        %mul3A_1004 = vector.broadcast %broadcast_in_dim3A_153 : vector<8x1xf32> to vector<8x512xf32>
        %mul3A_1005 = arith.mulf %concatenate3A_1003, %mul3A_1004 : vector<8x512xf32>
        %slice3A_1006 = vector.extract_strided_slice %mul3A_966 {offsets = [5, 0], sizes = [3, 512], strides = [1, 1]} : vector<8x512xf32> to vector<3x512xf32>
        %slice3A_1007 = vector.extract_strided_slice %mul3A_966 {offsets = [0, 0], sizes = [5, 512], strides = [1, 1]} : vector<8x512xf32> to vector<5x512xf32>
        %concatenate3A_1008 = tpu.concatenate %slice3A_1006, %slice3A_1007 in 0 : vector<3x512xf32>, vector<5x512xf32> -> vector<8x512xf32>
        %mul3A_1009 = vector.broadcast %broadcast_in_dim3A_185 : vector<8x1xf32> to vector<8x512xf32>
        %mul3A_1010 = arith.mulf %concatenate3A_1008, %mul3A_1009 : vector<8x512xf32>
        %slice3A_1011 = vector.extract_strided_slice %mul3A_966 {offsets = [6, 0], sizes = [2, 512], strides = [1, 1]} : vector<8x512xf32> to vector<2x512xf32>
        %slice3A_1012 = vector.extract_strided_slice %mul3A_966 {offsets = [0, 0], sizes = [6, 512], strides = [1, 1]} : vector<8x512xf32> to vector<6x512xf32>
        %concatenate3A_1013 = tpu.concatenate %slice3A_1011, %slice3A_1012 in 0 : vector<2x512xf32>, vector<6x512xf32> -> vector<8x512xf32>
        %mul3A_1014 = vector.broadcast %broadcast_in_dim3A_217 : vector<8x1xf32> to vector<8x512xf32>
        %mul3A_1015 = arith.mulf %concatenate3A_1013, %mul3A_1014 : vector<8x512xf32>
        %slice3A_1016 = vector.extract_strided_slice %mul3A_966 {offsets = [7, 0], sizes = [1, 512], strides = [1, 1]} : vector<8x512xf32> to vector<1x512xf32>
        %slice3A_1017 = vector.extract_strided_slice %mul3A_966 {offsets = [0, 0], sizes = [7, 512], strides = [1, 1]} : vector<8x512xf32> to vector<7x512xf32>
        %concatenate3A_1018 = tpu.concatenate %slice3A_1016, %slice3A_1017 in 0 : vector<1x512xf32>, vector<7x512xf32> -> vector<8x512xf32>
        %mul3A_1019 = vector.broadcast %broadcast_in_dim3A_249 : vector<8x1xf32> to vector<8x512xf32>
        %mul3A_1020 = arith.mulf %concatenate3A_1018, %mul3A_1019 : vector<8x512xf32>
        %add3A_1021 = arith.addf %mul3A_985, %mul3A_990 : vector<8x512xf32>
        %add3A_1022 = arith.addf %mul3A_995, %mul3A_1000 : vector<8x512xf32>
        %add3A_1023 = arith.addf %mul3A_1005, %mul3A_1010 : vector<8x512xf32>
        %add3A_1024 = arith.addf %mul3A_1015, %mul3A_1020 : vector<8x512xf32>
        %add3A_1025 = arith.addf %add3A_1021, %add3A_1022 : vector<8x512xf32>
        %add3A_1026 = arith.addf %add3A_1023, %add3A_1024 : vector<8x512xf32>
        %add3A_1027 = arith.addf %add3A_1025, %add3A_1026 : vector<8x512xf32>
        %mul3A_1028 = arith.mulf %add3A_1027, %exp3A_983 : vector<8x512xf32>
        %mul3A_1029 = arith.constant 8 : i32
        %mul3A_1030 = arith.muli %scan3A_710, %mul3A_1029 : i32
        %add3A_1031 = arith.constant 5 : i32
        %add3A_1032 = arith.addi %mul3A_1030, %add3A_1031 : i32
        %get3A_1033 = arith.index_cast %add3A_1032 : i32 to index
        %get3A_1034 = arith.constant 0 : index
        %get3A_1035 = arith.constant 0 : index
        %get3A_1036 = vector.load %arg1[%get3A_1033, %get3A_1034, %get3A_1035] : memref<128x8x512xf32, #tpu.memory_space<vmem>>, vector<1x8x512xf32>
        %get3A_1037 = vector.shape_cast %get3A_1036 : vector<1x8x512xf32> to vector<8x512xf32>
        %slice3A_1038 = vector.extract_strided_slice %get3A_718 {offsets = [5, 0], sizes = [1, 512], strides = [1, 1]} : vector<8x512xi32> to vector<1x512xi32>
        %eq3A_1039 = vector.broadcast %slice3A_1038 : vector<1x512xi32> to vector<8x512xi32>
        %eq3A_1040 = arith.cmpi eq, %iota3A, %eq3A_1039 : vector<8x512xi32>
        %jit3A_1041 = arith.constant 0.000000e+00 : f32
        %broadcast_in_dim3A_1042 = vector.broadcast %jit3A_1041 : f32 to vector<8x512xf32>
        %select_n3A_1043 = arith.select %eq3A_1040, %get3A_1037, %broadcast_in_dim3A_1042 : vector<8x512xi1>, vector<8x512xf32>
        %add3A_1044 = arith.addf %add3A_982, %select_n3A_1043 : vector<8x512xf32>
        %exp3A_1045 = math.exp %get3A_1037 : vector<8x512xf32>
        %mul3A_1046 = vector.broadcast %broadcast_in_dim3A_25 : vector<8x1xf32> to vector<8x512xf32>
        %mul3A_1047 = arith.mulf %mul3A_1028, %mul3A_1046 : vector<8x512xf32>
        %slice3A_1048 = vector.extract_strided_slice %mul3A_1028 {offsets = [1, 0], sizes = [7, 512], strides = [1, 1]} : vector<8x512xf32> to vector<7x512xf32>
        %slice3A_1049 = vector.extract_strided_slice %mul3A_1028 {offsets = [0, 0], sizes = [1, 512], strides = [1, 1]} : vector<8x512xf32> to vector<1x512xf32>
        %concatenate3A_1050 = tpu.concatenate %slice3A_1048, %slice3A_1049 in 0 : vector<7x512xf32>, vector<1x512xf32> -> vector<8x512xf32>
        %mul3A_1051 = vector.broadcast %broadcast_in_dim3A_57 : vector<8x1xf32> to vector<8x512xf32>
        %mul3A_1052 = arith.mulf %concatenate3A_1050, %mul3A_1051 : vector<8x512xf32>
        %slice3A_1053 = vector.extract_strided_slice %mul3A_1028 {offsets = [2, 0], sizes = [6, 512], strides = [1, 1]} : vector<8x512xf32> to vector<6x512xf32>
        %slice3A_1054 = vector.extract_strided_slice %mul3A_1028 {offsets = [0, 0], sizes = [2, 512], strides = [1, 1]} : vector<8x512xf32> to vector<2x512xf32>
        %concatenate3A_1055 = tpu.concatenate %slice3A_1053, %slice3A_1054 in 0 : vector<6x512xf32>, vector<2x512xf32> -> vector<8x512xf32>
        %mul3A_1056 = vector.broadcast %broadcast_in_dim3A_89 : vector<8x1xf32> to vector<8x512xf32>
        %mul3A_1057 = arith.mulf %concatenate3A_1055, %mul3A_1056 : vector<8x512xf32>
        %slice3A_1058 = vector.extract_strided_slice %mul3A_1028 {offsets = [3, 0], sizes = [5, 512], strides = [1, 1]} : vector<8x512xf32> to vector<5x512xf32>
        %slice3A_1059 = vector.extract_strided_slice %mul3A_1028 {offsets = [0, 0], sizes = [3, 512], strides = [1, 1]} : vector<8x512xf32> to vector<3x512xf32>
        %concatenate3A_1060 = tpu.concatenate %slice3A_1058, %slice3A_1059 in 0 : vector<5x512xf32>, vector<3x512xf32> -> vector<8x512xf32>
        %mul3A_1061 = vector.broadcast %broadcast_in_dim3A_121 : vector<8x1xf32> to vector<8x512xf32>
        %mul3A_1062 = arith.mulf %concatenate3A_1060, %mul3A_1061 : vector<8x512xf32>
        %slice3A_1063 = vector.extract_strided_slice %mul3A_1028 {offsets = [4, 0], sizes = [4, 512], strides = [1, 1]} : vector<8x512xf32> to vector<4x512xf32>
        %slice3A_1064 = vector.extract_strided_slice %mul3A_1028 {offsets = [0, 0], sizes = [4, 512], strides = [1, 1]} : vector<8x512xf32> to vector<4x512xf32>
        %concatenate3A_1065 = tpu.concatenate %slice3A_1063, %slice3A_1064 in 0 : vector<4x512xf32>, vector<4x512xf32> -> vector<8x512xf32>
        %mul3A_1066 = vector.broadcast %broadcast_in_dim3A_153 : vector<8x1xf32> to vector<8x512xf32>
        %mul3A_1067 = arith.mulf %concatenate3A_1065, %mul3A_1066 : vector<8x512xf32>
        %slice3A_1068 = vector.extract_strided_slice %mul3A_1028 {offsets = [5, 0], sizes = [3, 512], strides = [1, 1]} : vector<8x512xf32> to vector<3x512xf32>
        %slice3A_1069 = vector.extract_strided_slice %mul3A_1028 {offsets = [0, 0], sizes = [5, 512], strides = [1, 1]} : vector<8x512xf32> to vector<5x512xf32>
        %concatenate3A_1070 = tpu.concatenate %slice3A_1068, %slice3A_1069 in 0 : vector<3x512xf32>, vector<5x512xf32> -> vector<8x512xf32>
        %mul3A_1071 = vector.broadcast %broadcast_in_dim3A_185 : vector<8x1xf32> to vector<8x512xf32>
        %mul3A_1072 = arith.mulf %concatenate3A_1070, %mul3A_1071 : vector<8x512xf32>
        %slice3A_1073 = vector.extract_strided_slice %mul3A_1028 {offsets = [6, 0], sizes = [2, 512], strides = [1, 1]} : vector<8x512xf32> to vector<2x512xf32>
        %slice3A_1074 = vector.extract_strided_slice %mul3A_1028 {offsets = [0, 0], sizes = [6, 512], strides = [1, 1]} : vector<8x512xf32> to vector<6x512xf32>
        %concatenate3A_1075 = tpu.concatenate %slice3A_1073, %slice3A_1074 in 0 : vector<2x512xf32>, vector<6x512xf32> -> vector<8x512xf32>
        %mul3A_1076 = vector.broadcast %broadcast_in_dim3A_217 : vector<8x1xf32> to vector<8x512xf32>
        %mul3A_1077 = arith.mulf %concatenate3A_1075, %mul3A_1076 : vector<8x512xf32>
        %slice3A_1078 = vector.extract_strided_slice %mul3A_1028 {offsets = [7, 0], sizes = [1, 512], strides = [1, 1]} : vector<8x512xf32> to vector<1x512xf32>
        %slice3A_1079 = vector.extract_strided_slice %mul3A_1028 {offsets = [0, 0], sizes = [7, 512], strides = [1, 1]} : vector<8x512xf32> to vector<7x512xf32>
        %concatenate3A_1080 = tpu.concatenate %slice3A_1078, %slice3A_1079 in 0 : vector<1x512xf32>, vector<7x512xf32> -> vector<8x512xf32>
        %mul3A_1081 = vector.broadcast %broadcast_in_dim3A_249 : vector<8x1xf32> to vector<8x512xf32>
        %mul3A_1082 = arith.mulf %concatenate3A_1080, %mul3A_1081 : vector<8x512xf32>
        %add3A_1083 = arith.addf %mul3A_1047, %mul3A_1052 : vector<8x512xf32>
        %add3A_1084 = arith.addf %mul3A_1057, %mul3A_1062 : vector<8x512xf32>
        %add3A_1085 = arith.addf %mul3A_1067, %mul3A_1072 : vector<8x512xf32>
        %add3A_1086 = arith.addf %mul3A_1077, %mul3A_1082 : vector<8x512xf32>
        %add3A_1087 = arith.addf %add3A_1083, %add3A_1084 : vector<8x512xf32>
        %add3A_1088 = arith.addf %add3A_1085, %add3A_1086 : vector<8x512xf32>
        %add3A_1089 = arith.addf %add3A_1087, %add3A_1088 : vector<8x512xf32>
        %mul3A_1090 = arith.mulf %add3A_1089, %exp3A_1045 : vector<8x512xf32>
        %mul3A_1091 = arith.constant 8 : i32
        %mul3A_1092 = arith.muli %scan3A_710, %mul3A_1091 : i32
        %add3A_1093 = arith.constant 6 : i32
        %add3A_1094 = arith.addi %mul3A_1092, %add3A_1093 : i32
        %get3A_1095 = arith.index_cast %add3A_1094 : i32 to index
        %get3A_1096 = arith.constant 0 : index
        %get3A_1097 = arith.constant 0 : index
        %get3A_1098 = vector.load %arg1[%get3A_1095, %get3A_1096, %get3A_1097] : memref<128x8x512xf32, #tpu.memory_space<vmem>>, vector<1x8x512xf32>
        %get3A_1099 = vector.shape_cast %get3A_1098 : vector<1x8x512xf32> to vector<8x512xf32>
        %slice3A_1100 = vector.extract_strided_slice %get3A_718 {offsets = [6, 0], sizes = [1, 512], strides = [1, 1]} : vector<8x512xi32> to vector<1x512xi32>
        %eq3A_1101 = vector.broadcast %slice3A_1100 : vector<1x512xi32> to vector<8x512xi32>
        %eq3A_1102 = arith.cmpi eq, %iota3A, %eq3A_1101 : vector<8x512xi32>
        %jit3A_1103 = arith.constant 0.000000e+00 : f32
        %broadcast_in_dim3A_1104 = vector.broadcast %jit3A_1103 : f32 to vector<8x512xf32>
        %select_n3A_1105 = arith.select %eq3A_1102, %get3A_1099, %broadcast_in_dim3A_1104 : vector<8x512xi1>, vector<8x512xf32>
        %add3A_1106 = arith.addf %add3A_1044, %select_n3A_1105 : vector<8x512xf32>
        %exp3A_1107 = math.exp %get3A_1099 : vector<8x512xf32>
        %mul3A_1108 = vector.broadcast %broadcast_in_dim3A_25 : vector<8x1xf32> to vector<8x512xf32>
        %mul3A_1109 = arith.mulf %mul3A_1090, %mul3A_1108 : vector<8x512xf32>
        %slice3A_1110 = vector.extract_strided_slice %mul3A_1090 {offsets = [1, 0], sizes = [7, 512], strides = [1, 1]} : vector<8x512xf32> to vector<7x512xf32>
        %slice3A_1111 = vector.extract_strided_slice %mul3A_1090 {offsets = [0, 0], sizes = [1, 512], strides = [1, 1]} : vector<8x512xf32> to vector<1x512xf32>
        %concatenate3A_1112 = tpu.concatenate %slice3A_1110, %slice3A_1111 in 0 : vector<7x512xf32>, vector<1x512xf32> -> vector<8x512xf32>
        %mul3A_1113 = vector.broadcast %broadcast_in_dim3A_57 : vector<8x1xf32> to vector<8x512xf32>
        %mul3A_1114 = arith.mulf %concatenate3A_1112, %mul3A_1113 : vector<8x512xf32>
        %slice3A_1115 = vector.extract_strided_slice %mul3A_1090 {offsets = [2, 0], sizes = [6, 512], strides = [1, 1]} : vector<8x512xf32> to vector<6x512xf32>
        %slice3A_1116 = vector.extract_strided_slice %mul3A_1090 {offsets = [0, 0], sizes = [2, 512], strides = [1, 1]} : vector<8x512xf32> to vector<2x512xf32>
        %concatenate3A_1117 = tpu.concatenate %slice3A_1115, %slice3A_1116 in 0 : vector<6x512xf32>, vector<2x512xf32> -> vector<8x512xf32>
        %mul3A_1118 = vector.broadcast %broadcast_in_dim3A_89 : vector<8x1xf32> to vector<8x512xf32>
        %mul3A_1119 = arith.mulf %concatenate3A_1117, %mul3A_1118 : vector<8x512xf32>
        %slice3A_1120 = vector.extract_strided_slice %mul3A_1090 {offsets = [3, 0], sizes = [5, 512], strides = [1, 1]} : vector<8x512xf32> to vector<5x512xf32>
        %slice3A_1121 = vector.extract_strided_slice %mul3A_1090 {offsets = [0, 0], sizes = [3, 512], strides = [1, 1]} : vector<8x512xf32> to vector<3x512xf32>
        %concatenate3A_1122 = tpu.concatenate %slice3A_1120, %slice3A_1121 in 0 : vector<5x512xf32>, vector<3x512xf32> -> vector<8x512xf32>
        %mul3A_1123 = vector.broadcast %broadcast_in_dim3A_121 : vector<8x1xf32> to vector<8x512xf32>
        %mul3A_1124 = arith.mulf %concatenate3A_1122, %mul3A_1123 : vector<8x512xf32>
        %slice3A_1125 = vector.extract_strided_slice %mul3A_1090 {offsets = [4, 0], sizes = [4, 512], strides = [1, 1]} : vector<8x512xf32> to vector<4x512xf32>
        %slice3A_1126 = vector.extract_strided_slice %mul3A_1090 {offsets = [0, 0], sizes = [4, 512], strides = [1, 1]} : vector<8x512xf32> to vector<4x512xf32>
        %concatenate3A_1127 = tpu.concatenate %slice3A_1125, %slice3A_1126 in 0 : vector<4x512xf32>, vector<4x512xf32> -> vector<8x512xf32>
        %mul3A_1128 = vector.broadcast %broadcast_in_dim3A_153 : vector<8x1xf32> to vector<8x512xf32>
        %mul3A_1129 = arith.mulf %concatenate3A_1127, %mul3A_1128 : vector<8x512xf32>
        %slice3A_1130 = vector.extract_strided_slice %mul3A_1090 {offsets = [5, 0], sizes = [3, 512], strides = [1, 1]} : vector<8x512xf32> to vector<3x512xf32>
        %slice3A_1131 = vector.extract_strided_slice %mul3A_1090 {offsets = [0, 0], sizes = [5, 512], strides = [1, 1]} : vector<8x512xf32> to vector<5x512xf32>
        %concatenate3A_1132 = tpu.concatenate %slice3A_1130, %slice3A_1131 in 0 : vector<3x512xf32>, vector<5x512xf32> -> vector<8x512xf32>
        %mul3A_1133 = vector.broadcast %broadcast_in_dim3A_185 : vector<8x1xf32> to vector<8x512xf32>
        %mul3A_1134 = arith.mulf %concatenate3A_1132, %mul3A_1133 : vector<8x512xf32>
        %slice3A_1135 = vector.extract_strided_slice %mul3A_1090 {offsets = [6, 0], sizes = [2, 512], strides = [1, 1]} : vector<8x512xf32> to vector<2x512xf32>
        %slice3A_1136 = vector.extract_strided_slice %mul3A_1090 {offsets = [0, 0], sizes = [6, 512], strides = [1, 1]} : vector<8x512xf32> to vector<6x512xf32>
        %concatenate3A_1137 = tpu.concatenate %slice3A_1135, %slice3A_1136 in 0 : vector<2x512xf32>, vector<6x512xf32> -> vector<8x512xf32>
        %mul3A_1138 = vector.broadcast %broadcast_in_dim3A_217 : vector<8x1xf32> to vector<8x512xf32>
        %mul3A_1139 = arith.mulf %concatenate3A_1137, %mul3A_1138 : vector<8x512xf32>
        %slice3A_1140 = vector.extract_strided_slice %mul3A_1090 {offsets = [7, 0], sizes = [1, 512], strides = [1, 1]} : vector<8x512xf32> to vector<1x512xf32>
        %slice3A_1141 = vector.extract_strided_slice %mul3A_1090 {offsets = [0, 0], sizes = [7, 512], strides = [1, 1]} : vector<8x512xf32> to vector<7x512xf32>
        %concatenate3A_1142 = tpu.concatenate %slice3A_1140, %slice3A_1141 in 0 : vector<1x512xf32>, vector<7x512xf32> -> vector<8x512xf32>
        %mul3A_1143 = vector.broadcast %broadcast_in_dim3A_249 : vector<8x1xf32> to vector<8x512xf32>
        %mul3A_1144 = arith.mulf %concatenate3A_1142, %mul3A_1143 : vector<8x512xf32>
        %add3A_1145 = arith.addf %mul3A_1109, %mul3A_1114 : vector<8x512xf32>
        %add3A_1146 = arith.addf %mul3A_1119, %mul3A_1124 : vector<8x512xf32>
        %add3A_1147 = arith.addf %mul3A_1129, %mul3A_1134 : vector<8x512xf32>
        %add3A_1148 = arith.addf %mul3A_1139, %mul3A_1144 : vector<8x512xf32>
        %add3A_1149 = arith.addf %add3A_1145, %add3A_1146 : vector<8x512xf32>
        %add3A_1150 = arith.addf %add3A_1147, %add3A_1148 : vector<8x512xf32>
        %add3A_1151 = arith.addf %add3A_1149, %add3A_1150 : vector<8x512xf32>
        %mul3A_1152 = arith.mulf %add3A_1151, %exp3A_1107 : vector<8x512xf32>
        %mul3A_1153 = arith.constant 8 : i32
        %mul3A_1154 = arith.muli %scan3A_710, %mul3A_1153 : i32
        %add3A_1155 = arith.constant 7 : i32
        %add3A_1156 = arith.addi %mul3A_1154, %add3A_1155 : i32
        %get3A_1157 = arith.index_cast %add3A_1156 : i32 to index
        %get3A_1158 = arith.constant 0 : index
        %get3A_1159 = arith.constant 0 : index
        %get3A_1160 = vector.load %arg1[%get3A_1157, %get3A_1158, %get3A_1159] : memref<128x8x512xf32, #tpu.memory_space<vmem>>, vector<1x8x512xf32>
        %get3A_1161 = vector.shape_cast %get3A_1160 : vector<1x8x512xf32> to vector<8x512xf32>
        %slice3A_1162 = vector.extract_strided_slice %get3A_718 {offsets = [7, 0], sizes = [1, 512], strides = [1, 1]} : vector<8x512xi32> to vector<1x512xi32>
        %eq3A_1163 = vector.broadcast %slice3A_1162 : vector<1x512xi32> to vector<8x512xi32>
        %eq3A_1164 = arith.cmpi eq, %iota3A, %eq3A_1163 : vector<8x512xi32>
        %jit3A_1165 = arith.constant 0.000000e+00 : f32
        %broadcast_in_dim3A_1166 = vector.broadcast %jit3A_1165 : f32 to vector<8x512xf32>
        %select_n3A_1167 = arith.select %eq3A_1164, %get3A_1161, %broadcast_in_dim3A_1166 : vector<8x512xi1>, vector<8x512xf32>
        %add3A_1168 = arith.addf %add3A_1106, %select_n3A_1167 : vector<8x512xf32>
        %exp3A_1169 = math.exp %get3A_1161 : vector<8x512xf32>
        %mul3A_1170 = vector.broadcast %broadcast_in_dim3A_25 : vector<8x1xf32> to vector<8x512xf32>
        %mul3A_1171 = arith.mulf %mul3A_1152, %mul3A_1170 : vector<8x512xf32>
        %slice3A_1172 = vector.extract_strided_slice %mul3A_1152 {offsets = [1, 0], sizes = [7, 512], strides = [1, 1]} : vector<8x512xf32> to vector<7x512xf32>
        %slice3A_1173 = vector.extract_strided_slice %mul3A_1152 {offsets = [0, 0], sizes = [1, 512], strides = [1, 1]} : vector<8x512xf32> to vector<1x512xf32>
        %concatenate3A_1174 = tpu.concatenate %slice3A_1172, %slice3A_1173 in 0 : vector<7x512xf32>, vector<1x512xf32> -> vector<8x512xf32>
        %mul3A_1175 = vector.broadcast %broadcast_in_dim3A_57 : vector<8x1xf32> to vector<8x512xf32>
        %mul3A_1176 = arith.mulf %concatenate3A_1174, %mul3A_1175 : vector<8x512xf32>
        %slice3A_1177 = vector.extract_strided_slice %mul3A_1152 {offsets = [2, 0], sizes = [6, 512], strides = [1, 1]} : vector<8x512xf32> to vector<6x512xf32>
        %slice3A_1178 = vector.extract_strided_slice %mul3A_1152 {offsets = [0, 0], sizes = [2, 512], strides = [1, 1]} : vector<8x512xf32> to vector<2x512xf32>
        %concatenate3A_1179 = tpu.concatenate %slice3A_1177, %slice3A_1178 in 0 : vector<6x512xf32>, vector<2x512xf32> -> vector<8x512xf32>
        %mul3A_1180 = vector.broadcast %broadcast_in_dim3A_89 : vector<8x1xf32> to vector<8x512xf32>
        %mul3A_1181 = arith.mulf %concatenate3A_1179, %mul3A_1180 : vector<8x512xf32>
        %slice3A_1182 = vector.extract_strided_slice %mul3A_1152 {offsets = [3, 0], sizes = [5, 512], strides = [1, 1]} : vector<8x512xf32> to vector<5x512xf32>
        %slice3A_1183 = vector.extract_strided_slice %mul3A_1152 {offsets = [0, 0], sizes = [3, 512], strides = [1, 1]} : vector<8x512xf32> to vector<3x512xf32>
        %concatenate3A_1184 = tpu.concatenate %slice3A_1182, %slice3A_1183 in 0 : vector<5x512xf32>, vector<3x512xf32> -> vector<8x512xf32>
        %mul3A_1185 = vector.broadcast %broadcast_in_dim3A_121 : vector<8x1xf32> to vector<8x512xf32>
        %mul3A_1186 = arith.mulf %concatenate3A_1184, %mul3A_1185 : vector<8x512xf32>
        %slice3A_1187 = vector.extract_strided_slice %mul3A_1152 {offsets = [4, 0], sizes = [4, 512], strides = [1, 1]} : vector<8x512xf32> to vector<4x512xf32>
        %slice3A_1188 = vector.extract_strided_slice %mul3A_1152 {offsets = [0, 0], sizes = [4, 512], strides = [1, 1]} : vector<8x512xf32> to vector<4x512xf32>
        %concatenate3A_1189 = tpu.concatenate %slice3A_1187, %slice3A_1188 in 0 : vector<4x512xf32>, vector<4x512xf32> -> vector<8x512xf32>
        %mul3A_1190 = vector.broadcast %broadcast_in_dim3A_153 : vector<8x1xf32> to vector<8x512xf32>
        %mul3A_1191 = arith.mulf %concatenate3A_1189, %mul3A_1190 : vector<8x512xf32>
        %slice3A_1192 = vector.extract_strided_slice %mul3A_1152 {offsets = [5, 0], sizes = [3, 512], strides = [1, 1]} : vector<8x512xf32> to vector<3x512xf32>
        %slice3A_1193 = vector.extract_strided_slice %mul3A_1152 {offsets = [0, 0], sizes = [5, 512], strides = [1, 1]} : vector<8x512xf32> to vector<5x512xf32>
        %concatenate3A_1194 = tpu.concatenate %slice3A_1192, %slice3A_1193 in 0 : vector<3x512xf32>, vector<5x512xf32> -> vector<8x512xf32>
        %mul3A_1195 = vector.broadcast %broadcast_in_dim3A_185 : vector<8x1xf32> to vector<8x512xf32>
        %mul3A_1196 = arith.mulf %concatenate3A_1194, %mul3A_1195 : vector<8x512xf32>
        %slice3A_1197 = vector.extract_strided_slice %mul3A_1152 {offsets = [6, 0], sizes = [2, 512], strides = [1, 1]} : vector<8x512xf32> to vector<2x512xf32>
        %slice3A_1198 = vector.extract_strided_slice %mul3A_1152 {offsets = [0, 0], sizes = [6, 512], strides = [1, 1]} : vector<8x512xf32> to vector<6x512xf32>
        %concatenate3A_1199 = tpu.concatenate %slice3A_1197, %slice3A_1198 in 0 : vector<2x512xf32>, vector<6x512xf32> -> vector<8x512xf32>
        %mul3A_1200 = vector.broadcast %broadcast_in_dim3A_217 : vector<8x1xf32> to vector<8x512xf32>
        %mul3A_1201 = arith.mulf %concatenate3A_1199, %mul3A_1200 : vector<8x512xf32>
        %slice3A_1202 = vector.extract_strided_slice %mul3A_1152 {offsets = [7, 0], sizes = [1, 512], strides = [1, 1]} : vector<8x512xf32> to vector<1x512xf32>
        %slice3A_1203 = vector.extract_strided_slice %mul3A_1152 {offsets = [0, 0], sizes = [7, 512], strides = [1, 1]} : vector<8x512xf32> to vector<7x512xf32>
        %concatenate3A_1204 = tpu.concatenate %slice3A_1202, %slice3A_1203 in 0 : vector<1x512xf32>, vector<7x512xf32> -> vector<8x512xf32>
        %mul3A_1205 = vector.broadcast %broadcast_in_dim3A_249 : vector<8x1xf32> to vector<8x512xf32>
        %mul3A_1206 = arith.mulf %concatenate3A_1204, %mul3A_1205 : vector<8x512xf32>
        %add3A_1207 = arith.addf %mul3A_1171, %mul3A_1176 : vector<8x512xf32>
        %add3A_1208 = arith.addf %mul3A_1181, %mul3A_1186 : vector<8x512xf32>
        %add3A_1209 = arith.addf %mul3A_1191, %mul3A_1196 : vector<8x512xf32>
        %add3A_1210 = arith.addf %mul3A_1201, %mul3A_1206 : vector<8x512xf32>
        %add3A_1211 = arith.addf %add3A_1207, %add3A_1208 : vector<8x512xf32>
        %add3A_1212 = arith.addf %add3A_1209, %add3A_1210 : vector<8x512xf32>
        %add3A_1213 = arith.addf %add3A_1211, %add3A_1212 : vector<8x512xf32>
        %mul3A_1214 = arith.mulf %add3A_1213, %exp3A_1169 : vector<8x512xf32>
        %slice3A_1215 = vector.extract_strided_slice %mul3A_1214 {offsets = [0, 0], sizes = [1, 512], strides = [1, 1]} : vector<8x512xf32> to vector<1x512xf32>
        %bitcast_convert_type3A_1216 = tpu.bitcast %slice3A_1215 : vector<1x512xf32> -> vector<1x512xi32>
        %shift_right_logical3A_1217 = arith.constant 23 : i32
        %shift_right_logical3A_1218 = vector.broadcast %shift_right_logical3A_1217 : i32 to vector<1x512xi32>
        %shift_right_logical3A_1219 = arith.shrui %bitcast_convert_type3A_1216, %shift_right_logical3A_1218 : vector<1x512xi32>
        %sub3A_1220 = arith.constant 254 : i32
        %sub3A_1221 = vector.broadcast %sub3A_1220 : i32 to vector<1x512xi32>
        %sub3A_1222 = arith.subi %sub3A_1221, %shift_right_logical3A_1219 : vector<1x512xi32>
        %shift_left3A_1223 = arith.constant 23 : i32
        %shift_left3A_1224 = vector.broadcast %shift_left3A_1223 : i32 to vector<1x512xi32>
        %shift_left3A_1225 = arith.shli %sub3A_1222, %shift_left3A_1224 : vector<1x512xi32>
        %bitcast_convert_type3A_1226 = tpu.bitcast %shift_left3A_1225 : vector<1x512xi32> -> vector<1x512xf32>
        %mul3A_1227 = vector.broadcast %bitcast_convert_type3A_1226 : vector<1x512xf32> to vector<8x512xf32>
        %mul3A_1228 = arith.mulf %mul3A_1214, %mul3A_1227 : vector<8x512xf32>
        %sub3A_1229 = arith.constant 127 : i32
        %sub3A_1230 = vector.broadcast %sub3A_1229 : i32 to vector<1x512xi32>
        %sub3A_1231 = arith.subi %shift_right_logical3A_1219, %sub3A_1230 : vector<1x512xi32>
        %add3A_1232 = arith.addi %scan3A_712, %sub3A_1231 : vector<1x512xi32>
        scf.yield %mul3A_1228, %add3A_1232, %add3A_1168 : vector<8x512xf32>, vector<1x512xi32>, vector<8x512xf32>
      }
      %scan3A_701 = arith.constant 15 : i32
      %swap3A = arith.constant 0 : index
      %swap3A_702 = arith.constant 0 : index
      %swap3A_703 = vector.load %arg5[%swap3A, %swap3A_702] : memref<8x512xf32, #tpu.memory_space<vmem>>, vector<8x512xf32>
      tpu.vector_store %arg5[%swap3A, %swap3A_702], %scan3A_700#0 {strides = array<i32>} : memref<8x512xf32, #tpu.memory_space<vmem>>, vector<8x512xf32>,
      %swap3A_704 = arith.constant 0 : index
      %swap3A_705 = arith.constant 0 : index
      %swap3A_706 = vector.load %arg6[%swap3A_704, %swap3A_705] : memref<1x512xi32, #tpu.memory_space<vmem>>, vector<1x512xi32>
      tpu.vector_store %arg6[%swap3A_704, %swap3A_705], %scan3A_700#1 {strides = array<i32>} : memref<1x512xi32, #tpu.memory_space<vmem>>, vector<1x512xi32>,
      %swap3A_707 = arith.constant 0 : index
      %swap3A_708 = arith.constant 0 : index
      %swap3A_709 = vector.load %arg7[%swap3A_707, %swap3A_708] : memref<8x512xf32, #tpu.memory_space<vmem>>, vector<8x512xf32>
      tpu.vector_store %arg7[%swap3A_707, %swap3A_708], %scan3A_700#2 {strides = array<i32>} : memref<8x512xf32, #tpu.memory_space<vmem>>, vector<8x512xf32>,
    } else {
    }
    %ne3A_255 = arith.constant 0 : i32
    %ne3A_256 = arith.cmpi ne, %arg0, %ne3A_255 : i32
    %convert_element_type3A_257 = arith.extui %ne3A_256 : i1 to i32
    %cond3A_258 = arith.constant 0 : i32
    %cond3A_259 = arith.cmpi ne, %convert_element_type3A_257, %cond3A_258 : i32
    scf.if %cond3A_259 {
      %get3A_265 = arith.constant 0 : index
      %get3A_266 = arith.constant 0 : index
      %get3A_267 = vector.load %arg5[%get3A_265, %get3A_266] : memref<8x512xf32, #tpu.memory_space<vmem>>, vector<8x512xf32>
      %get3A_268 = arith.constant 0 : index
      %get3A_269 = arith.constant 0 : index
      %get3A_270 = vector.load %arg6[%get3A_268, %get3A_269] : memref<1x512xi32, #tpu.memory_space<vmem>>, vector<1x512xi32>
      %get3A_271 = arith.constant 0 : index
      %get3A_272 = arith.constant 0 : index
      %get3A_273 = vector.load %arg7[%get3A_271, %get3A_272] : memref<8x512xf32, #tpu.memory_space<vmem>>, vector<8x512xf32>
      %scan3A = arith.constant 0 : i32
      %scan3A_274 = arith.constant 16 : i32
      %scan3A_275 = arith.addi %scan3A, %scan3A_274 : i32
      %scan3A_276 = arith.constant 1 : i32
      %scan3A_277:3 = scf.for %scan3A_287 = %scan3A to %scan3A_275 step %scan3A_276 iter_args(%scan3A_288 = %get3A_267, %scan3A_289 = %get3A_270, %scan3A_290 = %get3A_273) -> (vector<8x512xf32>, vector<1x512xi32>, vector<8x512xf32>)  : i32 {
        %mul3A = arith.constant 8 : i32
        %mul3A_291 = arith.muli %scan3A_287, %mul3A : i32
        %get3A_292 = arith.index_cast %mul3A_291 : i32 to index
        %get3A_293 = arith.constant 0 : index
        %get3A_294 = vector.load %arg2[%get3A_292, %get3A_293] : memref<128x512xi32, #tpu.memory_space<vmem>>, vector<8x512xi32>
        %mul3A_295 = arith.constant 8 : i32
        %mul3A_296 = arith.muli %scan3A_287, %mul3A_295 : i32
        %add3A_297 = arith.constant 0 : i32
        %add3A_298 = arith.addi %mul3A_296, %add3A_297 : i32
        %get3A_299 = arith.index_cast %add3A_298 : i32 to index
        %get3A_300 = arith.constant 0 : index
        %get3A_301 = arith.constant 0 : index
        %get3A_302 = vector.load %arg1[%get3A_299, %get3A_300, %get3A_301] : memref<128x8x512xf32, #tpu.memory_space<vmem>>, vector<1x8x512xf32>
        %get3A_303 = vector.shape_cast %get3A_302 : vector<1x8x512xf32> to vector<8x512xf32>
        %slice3A = vector.extract_strided_slice %get3A_294 {offsets = [0, 0], sizes = [1, 512], strides = [1, 1]} : vector<8x512xi32> to vector<1x512xi32>
        %eq3A_304 = vector.broadcast %slice3A : vector<1x512xi32> to vector<8x512xi32>
        %eq3A_305 = arith.cmpi eq, %iota3A, %eq3A_304 : vector<8x512xi32>
        %jit3A_306 = arith.constant 0.000000e+00 : f32
        %broadcast_in_dim3A_307 = vector.broadcast %jit3A_306 : f32 to vector<8x512xf32>
        %select_n3A_308 = arith.select %eq3A_305, %get3A_303, %broadcast_in_dim3A_307 : vector<8x512xi1>, vector<8x512xf32>
        %add3A_309 = arith.addf %scan3A_290, %select_n3A_308 : vector<8x512xf32>
        %exp3A_310 = math.exp %get3A_303 : vector<8x512xf32>
        %mul3A_311 = vector.broadcast %broadcast_in_dim3A_25 : vector<8x1xf32> to vector<8x512xf32>
        %mul3A_312 = arith.mulf %scan3A_288, %mul3A_311 : vector<8x512xf32>
        %slice3A_313 = vector.extract_strided_slice %scan3A_288 {offsets = [1, 0], sizes = [7, 512], strides = [1, 1]} : vector<8x512xf32> to vector<7x512xf32>
        %slice3A_314 = vector.extract_strided_slice %scan3A_288 {offsets = [0, 0], sizes = [1, 512], strides = [1, 1]} : vector<8x512xf32> to vector<1x512xf32>
        %concatenate3A = tpu.concatenate %slice3A_313, %slice3A_314 in 0 : vector<7x512xf32>, vector<1x512xf32> -> vector<8x512xf32>
        %mul3A_315 = vector.broadcast %broadcast_in_dim3A_57 : vector<8x1xf32> to vector<8x512xf32>
        %mul3A_316 = arith.mulf %concatenate3A, %mul3A_315 : vector<8x512xf32>
        %slice3A_317 = vector.extract_strided_slice %scan3A_288 {offsets = [2, 0], sizes = [6, 512], strides = [1, 1]} : vector<8x512xf32> to vector<6x512xf32>
        %slice3A_318 = vector.extract_strided_slice %scan3A_288 {offsets = [0, 0], sizes = [2, 512], strides = [1, 1]} : vector<8x512xf32> to vector<2x512xf32>
        %concatenate3A_319 = tpu.concatenate %slice3A_317, %slice3A_318 in 0 : vector<6x512xf32>, vector<2x512xf32> -> vector<8x512xf32>
        %mul3A_320 = vector.broadcast %broadcast_in_dim3A_89 : vector<8x1xf32> to vector<8x512xf32>
        %mul3A_321 = arith.mulf %concatenate3A_319, %mul3A_320 : vector<8x512xf32>
        %slice3A_322 = vector.extract_strided_slice %scan3A_288 {offsets = [3, 0], sizes = [5, 512], strides = [1, 1]} : vector<8x512xf32> to vector<5x512xf32>
        %slice3A_323 = vector.extract_strided_slice %scan3A_288 {offsets = [0, 0], sizes = [3, 512], strides = [1, 1]} : vector<8x512xf32> to vector<3x512xf32>
        %concatenate3A_324 = tpu.concatenate %slice3A_322, %slice3A_323 in 0 : vector<5x512xf32>, vector<3x512xf32> -> vector<8x512xf32>
        %mul3A_325 = vector.broadcast %broadcast_in_dim3A_121 : vector<8x1xf32> to vector<8x512xf32>
        %mul3A_326 = arith.mulf %concatenate3A_324, %mul3A_325 : vector<8x512xf32>
        %slice3A_327 = vector.extract_strided_slice %scan3A_288 {offsets = [4, 0], sizes = [4, 512], strides = [1, 1]} : vector<8x512xf32> to vector<4x512xf32>
        %slice3A_328 = vector.extract_strided_slice %scan3A_288 {offsets = [0, 0], sizes = [4, 512], strides = [1, 1]} : vector<8x512xf32> to vector<4x512xf32>
        %concatenate3A_329 = tpu.concatenate %slice3A_327, %slice3A_328 in 0 : vector<4x512xf32>, vector<4x512xf32> -> vector<8x512xf32>
        %mul3A_330 = vector.broadcast %broadcast_in_dim3A_153 : vector<8x1xf32> to vector<8x512xf32>
        %mul3A_331 = arith.mulf %concatenate3A_329, %mul3A_330 : vector<8x512xf32>
        %slice3A_332 = vector.extract_strided_slice %scan3A_288 {offsets = [5, 0], sizes = [3, 512], strides = [1, 1]} : vector<8x512xf32> to vector<3x512xf32>
        %slice3A_333 = vector.extract_strided_slice %scan3A_288 {offsets = [0, 0], sizes = [5, 512], strides = [1, 1]} : vector<8x512xf32> to vector<5x512xf32>
        %concatenate3A_334 = tpu.concatenate %slice3A_332, %slice3A_333 in 0 : vector<3x512xf32>, vector<5x512xf32> -> vector<8x512xf32>
        %mul3A_335 = vector.broadcast %broadcast_in_dim3A_185 : vector<8x1xf32> to vector<8x512xf32>
        %mul3A_336 = arith.mulf %concatenate3A_334, %mul3A_335 : vector<8x512xf32>
        %slice3A_337 = vector.extract_strided_slice %scan3A_288 {offsets = [6, 0], sizes = [2, 512], strides = [1, 1]} : vector<8x512xf32> to vector<2x512xf32>
        %slice3A_338 = vector.extract_strided_slice %scan3A_288 {offsets = [0, 0], sizes = [6, 512], strides = [1, 1]} : vector<8x512xf32> to vector<6x512xf32>
        %concatenate3A_339 = tpu.concatenate %slice3A_337, %slice3A_338 in 0 : vector<2x512xf32>, vector<6x512xf32> -> vector<8x512xf32>
        %mul3A_340 = vector.broadcast %broadcast_in_dim3A_217 : vector<8x1xf32> to vector<8x512xf32>
        %mul3A_341 = arith.mulf %concatenate3A_339, %mul3A_340 : vector<8x512xf32>
        %slice3A_342 = vector.extract_strided_slice %scan3A_288 {offsets = [7, 0], sizes = [1, 512], strides = [1, 1]} : vector<8x512xf32> to vector<1x512xf32>
        %slice3A_343 = vector.extract_strided_slice %scan3A_288 {offsets = [0, 0], sizes = [7, 512], strides = [1, 1]} : vector<8x512xf32> to vector<7x512xf32>
        %concatenate3A_344 = tpu.concatenate %slice3A_342, %slice3A_343 in 0 : vector<1x512xf32>, vector<7x512xf32> -> vector<8x512xf32>
        %mul3A_345 = vector.broadcast %broadcast_in_dim3A_249 : vector<8x1xf32> to vector<8x512xf32>
        %mul3A_346 = arith.mulf %concatenate3A_344, %mul3A_345 : vector<8x512xf32>
        %add3A_347 = arith.addf %mul3A_312, %mul3A_316 : vector<8x512xf32>
        %add3A_348 = arith.addf %mul3A_321, %mul3A_326 : vector<8x512xf32>
        %add3A_349 = arith.addf %mul3A_331, %mul3A_336 : vector<8x512xf32>
        %add3A_350 = arith.addf %mul3A_341, %mul3A_346 : vector<8x512xf32>
        %add3A_351 = arith.addf %add3A_347, %add3A_348 : vector<8x512xf32>
        %add3A_352 = arith.addf %add3A_349, %add3A_350 : vector<8x512xf32>
        %add3A_353 = arith.addf %add3A_351, %add3A_352 : vector<8x512xf32>
        %mul3A_354 = arith.mulf %add3A_353, %exp3A_310 : vector<8x512xf32>
        %mul3A_355 = arith.constant 8 : i32
        %mul3A_356 = arith.muli %scan3A_287, %mul3A_355 : i32
        %add3A_357 = arith.constant 1 : i32
        %add3A_358 = arith.addi %mul3A_356, %add3A_357 : i32
        %get3A_359 = arith.index_cast %add3A_358 : i32 to index
        %get3A_360 = arith.constant 0 : index
        %get3A_361 = arith.constant 0 : index
        %get3A_362 = vector.load %arg1[%get3A_359, %get3A_360, %get3A_361] : memref<128x8x512xf32, #tpu.memory_space<vmem>>, vector<1x8x512xf32>
        %get3A_363 = vector.shape_cast %get3A_362 : vector<1x8x512xf32> to vector<8x512xf32>
        %slice3A_364 = vector.extract_strided_slice %get3A_294 {offsets = [1, 0], sizes = [1, 512], strides = [1, 1]} : vector<8x512xi32> to vector<1x512xi32>
        %eq3A_365 = vector.broadcast %slice3A_364 : vector<1x512xi32> to vector<8x512xi32>
        %eq3A_366 = arith.cmpi eq, %iota3A, %eq3A_365 : vector<8x512xi32>
        %jit3A_367 = arith.constant 0.000000e+00 : f32
        %broadcast_in_dim3A_368 = vector.broadcast %jit3A_367 : f32 to vector<8x512xf32>
        %select_n3A_369 = arith.select %eq3A_366, %get3A_363, %broadcast_in_dim3A_368 : vector<8x512xi1>, vector<8x512xf32>
        %add3A_370 = arith.addf %add3A_309, %select_n3A_369 : vector<8x512xf32>
        %exp3A_371 = math.exp %get3A_363 : vector<8x512xf32>
        %mul3A_372 = vector.broadcast %broadcast_in_dim3A_25 : vector<8x1xf32> to vector<8x512xf32>
        %mul3A_373 = arith.mulf %mul3A_354, %mul3A_372 : vector<8x512xf32>
        %slice3A_374 = vector.extract_strided_slice %mul3A_354 {offsets = [1, 0], sizes = [7, 512], strides = [1, 1]} : vector<8x512xf32> to vector<7x512xf32>
        %slice3A_375 = vector.extract_strided_slice %mul3A_354 {offsets = [0, 0], sizes = [1, 512], strides = [1, 1]} : vector<8x512xf32> to vector<1x512xf32>
        %concatenate3A_376 = tpu.concatenate %slice3A_374, %slice3A_375 in 0 : vector<7x512xf32>, vector<1x512xf32> -> vector<8x512xf32>
        %mul3A_377 = vector.broadcast %broadcast_in_dim3A_57 : vector<8x1xf32> to vector<8x512xf32>
        %mul3A_378 = arith.mulf %concatenate3A_376, %mul3A_377 : vector<8x512xf32>
        %slice3A_379 = vector.extract_strided_slice %mul3A_354 {offsets = [2, 0], sizes = [6, 512], strides = [1, 1]} : vector<8x512xf32> to vector<6x512xf32>
        %slice3A_380 = vector.extract_strided_slice %mul3A_354 {offsets = [0, 0], sizes = [2, 512], strides = [1, 1]} : vector<8x512xf32> to vector<2x512xf32>
        %concatenate3A_381 = tpu.concatenate %slice3A_379, %slice3A_380 in 0 : vector<6x512xf32>, vector<2x512xf32> -> vector<8x512xf32>
        %mul3A_382 = vector.broadcast %broadcast_in_dim3A_89 : vector<8x1xf32> to vector<8x512xf32>
        %mul3A_383 = arith.mulf %concatenate3A_381, %mul3A_382 : vector<8x512xf32>
        %slice3A_384 = vector.extract_strided_slice %mul3A_354 {offsets = [3, 0], sizes = [5, 512], strides = [1, 1]} : vector<8x512xf32> to vector<5x512xf32>
        %slice3A_385 = vector.extract_strided_slice %mul3A_354 {offsets = [0, 0], sizes = [3, 512], strides = [1, 1]} : vector<8x512xf32> to vector<3x512xf32>
        %concatenate3A_386 = tpu.concatenate %slice3A_384, %slice3A_385 in 0 : vector<5x512xf32>, vector<3x512xf32> -> vector<8x512xf32>
        %mul3A_387 = vector.broadcast %broadcast_in_dim3A_121 : vector<8x1xf32> to vector<8x512xf32>
        %mul3A_388 = arith.mulf %concatenate3A_386, %mul3A_387 : vector<8x512xf32>
        %slice3A_389 = vector.extract_strided_slice %mul3A_354 {offsets = [4, 0], sizes = [4, 512], strides = [1, 1]} : vector<8x512xf32> to vector<4x512xf32>
        %slice3A_390 = vector.extract_strided_slice %mul3A_354 {offsets = [0, 0], sizes = [4, 512], strides = [1, 1]} : vector<8x512xf32> to vector<4x512xf32>
        %concatenate3A_391 = tpu.concatenate %slice3A_389, %slice3A_390 in 0 : vector<4x512xf32>, vector<4x512xf32> -> vector<8x512xf32>
        %mul3A_392 = vector.broadcast %broadcast_in_dim3A_153 : vector<8x1xf32> to vector<8x512xf32>
        %mul3A_393 = arith.mulf %concatenate3A_391, %mul3A_392 : vector<8x512xf32>
        %slice3A_394 = vector.extract_strided_slice %mul3A_354 {offsets = [5, 0], sizes = [3, 512], strides = [1, 1]} : vector<8x512xf32> to vector<3x512xf32>
        %slice3A_395 = vector.extract_strided_slice %mul3A_354 {offsets = [0, 0], sizes = [5, 512], strides = [1, 1]} : vector<8x512xf32> to vector<5x512xf32>
        %concatenate3A_396 = tpu.concatenate %slice3A_394, %slice3A_395 in 0 : vector<3x512xf32>, vector<5x512xf32> -> vector<8x512xf32>
        %mul3A_397 = vector.broadcast %broadcast_in_dim3A_185 : vector<8x1xf32> to vector<8x512xf32>
        %mul3A_398 = arith.mulf %concatenate3A_396, %mul3A_397 : vector<8x512xf32>
        %slice3A_399 = vector.extract_strided_slice %mul3A_354 {offsets = [6, 0], sizes = [2, 512], strides = [1, 1]} : vector<8x512xf32> to vector<2x512xf32>
        %slice3A_400 = vector.extract_strided_slice %mul3A_354 {offsets = [0, 0], sizes = [6, 512], strides = [1, 1]} : vector<8x512xf32> to vector<6x512xf32>
        %concatenate3A_401 = tpu.concatenate %slice3A_399, %slice3A_400 in 0 : vector<2x512xf32>, vector<6x512xf32> -> vector<8x512xf32>
        %mul3A_402 = vector.broadcast %broadcast_in_dim3A_217 : vector<8x1xf32> to vector<8x512xf32>
        %mul3A_403 = arith.mulf %concatenate3A_401, %mul3A_402 : vector<8x512xf32>
        %slice3A_404 = vector.extract_strided_slice %mul3A_354 {offsets = [7, 0], sizes = [1, 512], strides = [1, 1]} : vector<8x512xf32> to vector<1x512xf32>
        %slice3A_405 = vector.extract_strided_slice %mul3A_354 {offsets = [0, 0], sizes = [7, 512], strides = [1, 1]} : vector<8x512xf32> to vector<7x512xf32>
        %concatenate3A_406 = tpu.concatenate %slice3A_404, %slice3A_405 in 0 : vector<1x512xf32>, vector<7x512xf32> -> vector<8x512xf32>
        %mul3A_407 = vector.broadcast %broadcast_in_dim3A_249 : vector<8x1xf32> to vector<8x512xf32>
        %mul3A_408 = arith.mulf %concatenate3A_406, %mul3A_407 : vector<8x512xf32>
        %add3A_409 = arith.addf %mul3A_373, %mul3A_378 : vector<8x512xf32>
        %add3A_410 = arith.addf %mul3A_383, %mul3A_388 : vector<8x512xf32>
        %add3A_411 = arith.addf %mul3A_393, %mul3A_398 : vector<8x512xf32>
        %add3A_412 = arith.addf %mul3A_403, %mul3A_408 : vector<8x512xf32>
        %add3A_413 = arith.addf %add3A_409, %add3A_410 : vector<8x512xf32>
        %add3A_414 = arith.addf %add3A_411, %add3A_412 : vector<8x512xf32>
        %add3A_415 = arith.addf %add3A_413, %add3A_414 : vector<8x512xf32>
        %mul3A_416 = arith.mulf %add3A_415, %exp3A_371 : vector<8x512xf32>
        %mul3A_417 = arith.constant 8 : i32
        %mul3A_418 = arith.muli %scan3A_287, %mul3A_417 : i32
        %add3A_419 = arith.constant 2 : i32
        %add3A_420 = arith.addi %mul3A_418, %add3A_419 : i32
        %get3A_421 = arith.index_cast %add3A_420 : i32 to index
        %get3A_422 = arith.constant 0 : index
        %get3A_423 = arith.constant 0 : index
        %get3A_424 = vector.load %arg1[%get3A_421, %get3A_422, %get3A_423] : memref<128x8x512xf32, #tpu.memory_space<vmem>>, vector<1x8x512xf32>
        %get3A_425 = vector.shape_cast %get3A_424 : vector<1x8x512xf32> to vector<8x512xf32>
        %slice3A_426 = vector.extract_strided_slice %get3A_294 {offsets = [2, 0], sizes = [1, 512], strides = [1, 1]} : vector<8x512xi32> to vector<1x512xi32>
        %eq3A_427 = vector.broadcast %slice3A_426 : vector<1x512xi32> to vector<8x512xi32>
        %eq3A_428 = arith.cmpi eq, %iota3A, %eq3A_427 : vector<8x512xi32>
        %jit3A_429 = arith.constant 0.000000e+00 : f32
        %broadcast_in_dim3A_430 = vector.broadcast %jit3A_429 : f32 to vector<8x512xf32>
        %select_n3A_431 = arith.select %eq3A_428, %get3A_425, %broadcast_in_dim3A_430 : vector<8x512xi1>, vector<8x512xf32>
        %add3A_432 = arith.addf %add3A_370, %select_n3A_431 : vector<8x512xf32>
        %exp3A_433 = math.exp %get3A_425 : vector<8x512xf32>
        %mul3A_434 = vector.broadcast %broadcast_in_dim3A_25 : vector<8x1xf32> to vector<8x512xf32>
        %mul3A_435 = arith.mulf %mul3A_416, %mul3A_434 : vector<8x512xf32>
        %slice3A_436 = vector.extract_strided_slice %mul3A_416 {offsets = [1, 0], sizes = [7, 512], strides = [1, 1]} : vector<8x512xf32> to vector<7x512xf32>
        %slice3A_437 = vector.extract_strided_slice %mul3A_416 {offsets = [0, 0], sizes = [1, 512], strides = [1, 1]} : vector<8x512xf32> to vector<1x512xf32>
        %concatenate3A_438 = tpu.concatenate %slice3A_436, %slice3A_437 in 0 : vector<7x512xf32>, vector<1x512xf32> -> vector<8x512xf32>
        %mul3A_439 = vector.broadcast %broadcast_in_dim3A_57 : vector<8x1xf32> to vector<8x512xf32>
        %mul3A_440 = arith.mulf %concatenate3A_438, %mul3A_439 : vector<8x512xf32>
        %slice3A_441 = vector.extract_strided_slice %mul3A_416 {offsets = [2, 0], sizes = [6, 512], strides = [1, 1]} : vector<8x512xf32> to vector<6x512xf32>
        %slice3A_442 = vector.extract_strided_slice %mul3A_416 {offsets = [0, 0], sizes = [2, 512], strides = [1, 1]} : vector<8x512xf32> to vector<2x512xf32>
        %concatenate3A_443 = tpu.concatenate %slice3A_441, %slice3A_442 in 0 : vector<6x512xf32>, vector<2x512xf32> -> vector<8x512xf32>
        %mul3A_444 = vector.broadcast %broadcast_in_dim3A_89 : vector<8x1xf32> to vector<8x512xf32>
        %mul3A_445 = arith.mulf %concatenate3A_443, %mul3A_444 : vector<8x512xf32>
        %slice3A_446 = vector.extract_strided_slice %mul3A_416 {offsets = [3, 0], sizes = [5, 512], strides = [1, 1]} : vector<8x512xf32> to vector<5x512xf32>
        %slice3A_447 = vector.extract_strided_slice %mul3A_416 {offsets = [0, 0], sizes = [3, 512], strides = [1, 1]} : vector<8x512xf32> to vector<3x512xf32>
        %concatenate3A_448 = tpu.concatenate %slice3A_446, %slice3A_447 in 0 : vector<5x512xf32>, vector<3x512xf32> -> vector<8x512xf32>
        %mul3A_449 = vector.broadcast %broadcast_in_dim3A_121 : vector<8x1xf32> to vector<8x512xf32>
        %mul3A_450 = arith.mulf %concatenate3A_448, %mul3A_449 : vector<8x512xf32>
        %slice3A_451 = vector.extract_strided_slice %mul3A_416 {offsets = [4, 0], sizes = [4, 512], strides = [1, 1]} : vector<8x512xf32> to vector<4x512xf32>
        %slice3A_452 = vector.extract_strided_slice %mul3A_416 {offsets = [0, 0], sizes = [4, 512], strides = [1, 1]} : vector<8x512xf32> to vector<4x512xf32>
        %concatenate3A_453 = tpu.concatenate %slice3A_451, %slice3A_452 in 0 : vector<4x512xf32>, vector<4x512xf32> -> vector<8x512xf32>
        %mul3A_454 = vector.broadcast %broadcast_in_dim3A_153 : vector<8x1xf32> to vector<8x512xf32>
        %mul3A_455 = arith.mulf %concatenate3A_453, %mul3A_454 : vector<8x512xf32>
        %slice3A_456 = vector.extract_strided_slice %mul3A_416 {offsets = [5, 0], sizes = [3, 512], strides = [1, 1]} : vector<8x512xf32> to vector<3x512xf32>
        %slice3A_457 = vector.extract_strided_slice %mul3A_416 {offsets = [0, 0], sizes = [5, 512], strides = [1, 1]} : vector<8x512xf32> to vector<5x512xf32>
        %concatenate3A_458 = tpu.concatenate %slice3A_456, %slice3A_457 in 0 : vector<3x512xf32>, vector<5x512xf32> -> vector<8x512xf32>
        %mul3A_459 = vector.broadcast %broadcast_in_dim3A_185 : vector<8x1xf32> to vector<8x512xf32>
        %mul3A_460 = arith.mulf %concatenate3A_458, %mul3A_459 : vector<8x512xf32>
        %slice3A_461 = vector.extract_strided_slice %mul3A_416 {offsets = [6, 0], sizes = [2, 512], strides = [1, 1]} : vector<8x512xf32> to vector<2x512xf32>
        %slice3A_462 = vector.extract_strided_slice %mul3A_416 {offsets = [0, 0], sizes = [6, 512], strides = [1, 1]} : vector<8x512xf32> to vector<6x512xf32>
        %concatenate3A_463 = tpu.concatenate %slice3A_461, %slice3A_462 in 0 : vector<2x512xf32>, vector<6x512xf32> -> vector<8x512xf32>
        %mul3A_464 = vector.broadcast %broadcast_in_dim3A_217 : vector<8x1xf32> to vector<8x512xf32>
        %mul3A_465 = arith.mulf %concatenate3A_463, %mul3A_464 : vector<8x512xf32>
        %slice3A_466 = vector.extract_strided_slice %mul3A_416 {offsets = [7, 0], sizes = [1, 512], strides = [1, 1]} : vector<8x512xf32> to vector<1x512xf32>
        %slice3A_467 = vector.extract_strided_slice %mul3A_416 {offsets = [0, 0], sizes = [7, 512], strides = [1, 1]} : vector<8x512xf32> to vector<7x512xf32>
        %concatenate3A_468 = tpu.concatenate %slice3A_466, %slice3A_467 in 0 : vector<1x512xf32>, vector<7x512xf32> -> vector<8x512xf32>
        %mul3A_469 = vector.broadcast %broadcast_in_dim3A_249 : vector<8x1xf32> to vector<8x512xf32>
        %mul3A_470 = arith.mulf %concatenate3A_468, %mul3A_469 : vector<8x512xf32>
        %add3A_471 = arith.addf %mul3A_435, %mul3A_440 : vector<8x512xf32>
        %add3A_472 = arith.addf %mul3A_445, %mul3A_450 : vector<8x512xf32>
        %add3A_473 = arith.addf %mul3A_455, %mul3A_460 : vector<8x512xf32>
        %add3A_474 = arith.addf %mul3A_465, %mul3A_470 : vector<8x512xf32>
        %add3A_475 = arith.addf %add3A_471, %add3A_472 : vector<8x512xf32>
        %add3A_476 = arith.addf %add3A_473, %add3A_474 : vector<8x512xf32>
        %add3A_477 = arith.addf %add3A_475, %add3A_476 : vector<8x512xf32>
        %mul3A_478 = arith.mulf %add3A_477, %exp3A_433 : vector<8x512xf32>
        %mul3A_479 = arith.constant 8 : i32
        %mul3A_480 = arith.muli %scan3A_287, %mul3A_479 : i32
        %add3A_481 = arith.constant 3 : i32
        %add3A_482 = arith.addi %mul3A_480, %add3A_481 : i32
        %get3A_483 = arith.index_cast %add3A_482 : i32 to index
        %get3A_484 = arith.constant 0 : index
        %get3A_485 = arith.constant 0 : index
        %get3A_486 = vector.load %arg1[%get3A_483, %get3A_484, %get3A_485] : memref<128x8x512xf32, #tpu.memory_space<vmem>>, vector<1x8x512xf32>
        %get3A_487 = vector.shape_cast %get3A_486 : vector<1x8x512xf32> to vector<8x512xf32>
        %slice3A_488 = vector.extract_strided_slice %get3A_294 {offsets = [3, 0], sizes = [1, 512], strides = [1, 1]} : vector<8x512xi32> to vector<1x512xi32>
        %eq3A_489 = vector.broadcast %slice3A_488 : vector<1x512xi32> to vector<8x512xi32>
        %eq3A_490 = arith.cmpi eq, %iota3A, %eq3A_489 : vector<8x512xi32>
        %jit3A_491 = arith.constant 0.000000e+00 : f32
        %broadcast_in_dim3A_492 = vector.broadcast %jit3A_491 : f32 to vector<8x512xf32>
        %select_n3A_493 = arith.select %eq3A_490, %get3A_487, %broadcast_in_dim3A_492 : vector<8x512xi1>, vector<8x512xf32>
        %add3A_494 = arith.addf %add3A_432, %select_n3A_493 : vector<8x512xf32>
        %exp3A_495 = math.exp %get3A_487 : vector<8x512xf32>
        %mul3A_496 = vector.broadcast %broadcast_in_dim3A_25 : vector<8x1xf32> to vector<8x512xf32>
        %mul3A_497 = arith.mulf %mul3A_478, %mul3A_496 : vector<8x512xf32>
        %slice3A_498 = vector.extract_strided_slice %mul3A_478 {offsets = [1, 0], sizes = [7, 512], strides = [1, 1]} : vector<8x512xf32> to vector<7x512xf32>
        %slice3A_499 = vector.extract_strided_slice %mul3A_478 {offsets = [0, 0], sizes = [1, 512], strides = [1, 1]} : vector<8x512xf32> to vector<1x512xf32>
        %concatenate3A_500 = tpu.concatenate %slice3A_498, %slice3A_499 in 0 : vector<7x512xf32>, vector<1x512xf32> -> vector<8x512xf32>
        %mul3A_501 = vector.broadcast %broadcast_in_dim3A_57 : vector<8x1xf32> to vector<8x512xf32>
        %mul3A_502 = arith.mulf %concatenate3A_500, %mul3A_501 : vector<8x512xf32>
        %slice3A_503 = vector.extract_strided_slice %mul3A_478 {offsets = [2, 0], sizes = [6, 512], strides = [1, 1]} : vector<8x512xf32> to vector<6x512xf32>
        %slice3A_504 = vector.extract_strided_slice %mul3A_478 {offsets = [0, 0], sizes = [2, 512], strides = [1, 1]} : vector<8x512xf32> to vector<2x512xf32>
        %concatenate3A_505 = tpu.concatenate %slice3A_503, %slice3A_504 in 0 : vector<6x512xf32>, vector<2x512xf32> -> vector<8x512xf32>
        %mul3A_506 = vector.broadcast %broadcast_in_dim3A_89 : vector<8x1xf32> to vector<8x512xf32>
        %mul3A_507 = arith.mulf %concatenate3A_505, %mul3A_506 : vector<8x512xf32>
        %slice3A_508 = vector.extract_strided_slice %mul3A_478 {offsets = [3, 0], sizes = [5, 512], strides = [1, 1]} : vector<8x512xf32> to vector<5x512xf32>
        %slice3A_509 = vector.extract_strided_slice %mul3A_478 {offsets = [0, 0], sizes = [3, 512], strides = [1, 1]} : vector<8x512xf32> to vector<3x512xf32>
        %concatenate3A_510 = tpu.concatenate %slice3A_508, %slice3A_509 in 0 : vector<5x512xf32>, vector<3x512xf32> -> vector<8x512xf32>
        %mul3A_511 = vector.broadcast %broadcast_in_dim3A_121 : vector<8x1xf32> to vector<8x512xf32>
        %mul3A_512 = arith.mulf %concatenate3A_510, %mul3A_511 : vector<8x512xf32>
        %slice3A_513 = vector.extract_strided_slice %mul3A_478 {offsets = [4, 0], sizes = [4, 512], strides = [1, 1]} : vector<8x512xf32> to vector<4x512xf32>
        %slice3A_514 = vector.extract_strided_slice %mul3A_478 {offsets = [0, 0], sizes = [4, 512], strides = [1, 1]} : vector<8x512xf32> to vector<4x512xf32>
        %concatenate3A_515 = tpu.concatenate %slice3A_513, %slice3A_514 in 0 : vector<4x512xf32>, vector<4x512xf32> -> vector<8x512xf32>
        %mul3A_516 = vector.broadcast %broadcast_in_dim3A_153 : vector<8x1xf32> to vector<8x512xf32>
        %mul3A_517 = arith.mulf %concatenate3A_515, %mul3A_516 : vector<8x512xf32>
        %slice3A_518 = vector.extract_strided_slice %mul3A_478 {offsets = [5, 0], sizes = [3, 512], strides = [1, 1]} : vector<8x512xf32> to vector<3x512xf32>
        %slice3A_519 = vector.extract_strided_slice %mul3A_478 {offsets = [0, 0], sizes = [5, 512], strides = [1, 1]} : vector<8x512xf32> to vector<5x512xf32>
        %concatenate3A_520 = tpu.concatenate %slice3A_518, %slice3A_519 in 0 : vector<3x512xf32>, vector<5x512xf32> -> vector<8x512xf32>
        %mul3A_521 = vector.broadcast %broadcast_in_dim3A_185 : vector<8x1xf32> to vector<8x512xf32>
        %mul3A_522 = arith.mulf %concatenate3A_520, %mul3A_521 : vector<8x512xf32>
        %slice3A_523 = vector.extract_strided_slice %mul3A_478 {offsets = [6, 0], sizes = [2, 512], strides = [1, 1]} : vector<8x512xf32> to vector<2x512xf32>
        %slice3A_524 = vector.extract_strided_slice %mul3A_478 {offsets = [0, 0], sizes = [6, 512], strides = [1, 1]} : vector<8x512xf32> to vector<6x512xf32>
        %concatenate3A_525 = tpu.concatenate %slice3A_523, %slice3A_524 in 0 : vector<2x512xf32>, vector<6x512xf32> -> vector<8x512xf32>
        %mul3A_526 = vector.broadcast %broadcast_in_dim3A_217 : vector<8x1xf32> to vector<8x512xf32>
        %mul3A_527 = arith.mulf %concatenate3A_525, %mul3A_526 : vector<8x512xf32>
        %slice3A_528 = vector.extract_strided_slice %mul3A_478 {offsets = [7, 0], sizes = [1, 512], strides = [1, 1]} : vector<8x512xf32> to vector<1x512xf32>
        %slice3A_529 = vector.extract_strided_slice %mul3A_478 {offsets = [0, 0], sizes = [7, 512], strides = [1, 1]} : vector<8x512xf32> to vector<7x512xf32>
        %concatenate3A_530 = tpu.concatenate %slice3A_528, %slice3A_529 in 0 : vector<1x512xf32>, vector<7x512xf32> -> vector<8x512xf32>
        %mul3A_531 = vector.broadcast %broadcast_in_dim3A_249 : vector<8x1xf32> to vector<8x512xf32>
        %mul3A_532 = arith.mulf %concatenate3A_530, %mul3A_531 : vector<8x512xf32>
        %add3A_533 = arith.addf %mul3A_497, %mul3A_502 : vector<8x512xf32>
        %add3A_534 = arith.addf %mul3A_507, %mul3A_512 : vector<8x512xf32>
        %add3A_535 = arith.addf %mul3A_517, %mul3A_522 : vector<8x512xf32>
        %add3A_536 = arith.addf %mul3A_527, %mul3A_532 : vector<8x512xf32>
        %add3A_537 = arith.addf %add3A_533, %add3A_534 : vector<8x512xf32>
        %add3A_538 = arith.addf %add3A_535, %add3A_536 : vector<8x512xf32>
        %add3A_539 = arith.addf %add3A_537, %add3A_538 : vector<8x512xf32>
        %mul3A_540 = arith.mulf %add3A_539, %exp3A_495 : vector<8x512xf32>
        %mul3A_541 = arith.constant 8 : i32
        %mul3A_542 = arith.muli %scan3A_287, %mul3A_541 : i32
        %add3A_543 = arith.constant 4 : i32
        %add3A_544 = arith.addi %mul3A_542, %add3A_543 : i32
        %get3A_545 = arith.index_cast %add3A_544 : i32 to index
        %get3A_546 = arith.constant 0 : index
        %get3A_547 = arith.constant 0 : index
        %get3A_548 = vector.load %arg1[%get3A_545, %get3A_546, %get3A_547] : memref<128x8x512xf32, #tpu.memory_space<vmem>>, vector<1x8x512xf32>
        %get3A_549 = vector.shape_cast %get3A_548 : vector<1x8x512xf32> to vector<8x512xf32>
        %slice3A_550 = vector.extract_strided_slice %get3A_294 {offsets = [4, 0], sizes = [1, 512], strides = [1, 1]} : vector<8x512xi32> to vector<1x512xi32>
        %eq3A_551 = vector.broadcast %slice3A_550 : vector<1x512xi32> to vector<8x512xi32>
        %eq3A_552 = arith.cmpi eq, %iota3A, %eq3A_551 : vector<8x512xi32>
        %jit3A_553 = arith.constant 0.000000e+00 : f32
        %broadcast_in_dim3A_554 = vector.broadcast %jit3A_553 : f32 to vector<8x512xf32>
        %select_n3A_555 = arith.select %eq3A_552, %get3A_549, %broadcast_in_dim3A_554 : vector<8x512xi1>, vector<8x512xf32>
        %add3A_556 = arith.addf %add3A_494, %select_n3A_555 : vector<8x512xf32>
        %exp3A_557 = math.exp %get3A_549 : vector<8x512xf32>
        %mul3A_558 = vector.broadcast %broadcast_in_dim3A_25 : vector<8x1xf32> to vector<8x512xf32>
        %mul3A_559 = arith.mulf %mul3A_540, %mul3A_558 : vector<8x512xf32>
        %slice3A_560 = vector.extract_strided_slice %mul3A_540 {offsets = [1, 0], sizes = [7, 512], strides = [1, 1]} : vector<8x512xf32> to vector<7x512xf32>
        %slice3A_561 = vector.extract_strided_slice %mul3A_540 {offsets = [0, 0], sizes = [1, 512], strides = [1, 1]} : vector<8x512xf32> to vector<1x512xf32>
        %concatenate3A_562 = tpu.concatenate %slice3A_560, %slice3A_561 in 0 : vector<7x512xf32>, vector<1x512xf32> -> vector<8x512xf32>
        %mul3A_563 = vector.broadcast %broadcast_in_dim3A_57 : vector<8x1xf32> to vector<8x512xf32>
        %mul3A_564 = arith.mulf %concatenate3A_562, %mul3A_563 : vector<8x512xf32>
        %slice3A_565 = vector.extract_strided_slice %mul3A_540 {offsets = [2, 0], sizes = [6, 512], strides = [1, 1]} : vector<8x512xf32> to vector<6x512xf32>
        %slice3A_566 = vector.extract_strided_slice %mul3A_540 {offsets = [0, 0], sizes = [2, 512], strides = [1, 1]} : vector<8x512xf32> to vector<2x512xf32>
        %concatenate3A_567 = tpu.concatenate %slice3A_565, %slice3A_566 in 0 : vector<6x512xf32>, vector<2x512xf32> -> vector<8x512xf32>
        %mul3A_568 = vector.broadcast %broadcast_in_dim3A_89 : vector<8x1xf32> to vector<8x512xf32>
        %mul3A_569 = arith.mulf %concatenate3A_567, %mul3A_568 : vector<8x512xf32>
        %slice3A_570 = vector.extract_strided_slice %mul3A_540 {offsets = [3, 0], sizes = [5, 512], strides = [1, 1]} : vector<8x512xf32> to vector<5x512xf32>
        %slice3A_571 = vector.extract_strided_slice %mul3A_540 {offsets = [0, 0], sizes = [3, 512], strides = [1, 1]} : vector<8x512xf32> to vector<3x512xf32>
        %concatenate3A_572 = tpu.concatenate %slice3A_570, %slice3A_571 in 0 : vector<5x512xf32>, vector<3x512xf32> -> vector<8x512xf32>
        %mul3A_573 = vector.broadcast %broadcast_in_dim3A_121 : vector<8x1xf32> to vector<8x512xf32>
        %mul3A_574 = arith.mulf %concatenate3A_572, %mul3A_573 : vector<8x512xf32>
        %slice3A_575 = vector.extract_strided_slice %mul3A_540 {offsets = [4, 0], sizes = [4, 512], strides = [1, 1]} : vector<8x512xf32> to vector<4x512xf32>
        %slice3A_576 = vector.extract_strided_slice %mul3A_540 {offsets = [0, 0], sizes = [4, 512], strides = [1, 1]} : vector<8x512xf32> to vector<4x512xf32>
        %concatenate3A_577 = tpu.concatenate %slice3A_575, %slice3A_576 in 0 : vector<4x512xf32>, vector<4x512xf32> -> vector<8x512xf32>
        %mul3A_578 = vector.broadcast %broadcast_in_dim3A_153 : vector<8x1xf32> to vector<8x512xf32>
        %mul3A_579 = arith.mulf %concatenate3A_577, %mul3A_578 : vector<8x512xf32>
        %slice3A_580 = vector.extract_strided_slice %mul3A_540 {offsets = [5, 0], sizes = [3, 512], strides = [1, 1]} : vector<8x512xf32> to vector<3x512xf32>
        %slice3A_581 = vector.extract_strided_slice %mul3A_540 {offsets = [0, 0], sizes = [5, 512], strides = [1, 1]} : vector<8x512xf32> to vector<5x512xf32>
        %concatenate3A_582 = tpu.concatenate %slice3A_580, %slice3A_581 in 0 : vector<3x512xf32>, vector<5x512xf32> -> vector<8x512xf32>
        %mul3A_583 = vector.broadcast %broadcast_in_dim3A_185 : vector<8x1xf32> to vector<8x512xf32>
        %mul3A_584 = arith.mulf %concatenate3A_582, %mul3A_583 : vector<8x512xf32>
        %slice3A_585 = vector.extract_strided_slice %mul3A_540 {offsets = [6, 0], sizes = [2, 512], strides = [1, 1]} : vector<8x512xf32> to vector<2x512xf32>
        %slice3A_586 = vector.extract_strided_slice %mul3A_540 {offsets = [0, 0], sizes = [6, 512], strides = [1, 1]} : vector<8x512xf32> to vector<6x512xf32>
        %concatenate3A_587 = tpu.concatenate %slice3A_585, %slice3A_586 in 0 : vector<2x512xf32>, vector<6x512xf32> -> vector<8x512xf32>
        %mul3A_588 = vector.broadcast %broadcast_in_dim3A_217 : vector<8x1xf32> to vector<8x512xf32>
        %mul3A_589 = arith.mulf %concatenate3A_587, %mul3A_588 : vector<8x512xf32>
        %slice3A_590 = vector.extract_strided_slice %mul3A_540 {offsets = [7, 0], sizes = [1, 512], strides = [1, 1]} : vector<8x512xf32> to vector<1x512xf32>
        %slice3A_591 = vector.extract_strided_slice %mul3A_540 {offsets = [0, 0], sizes = [7, 512], strides = [1, 1]} : vector<8x512xf32> to vector<7x512xf32>
        %concatenate3A_592 = tpu.concatenate %slice3A_590, %slice3A_591 in 0 : vector<1x512xf32>, vector<7x512xf32> -> vector<8x512xf32>
        %mul3A_593 = vector.broadcast %broadcast_in_dim3A_249 : vector<8x1xf32> to vector<8x512xf32>
        %mul3A_594 = arith.mulf %concatenate3A_592, %mul3A_593 : vector<8x512xf32>
        %add3A_595 = arith.addf %mul3A_559, %mul3A_564 : vector<8x512xf32>
        %add3A_596 = arith.addf %mul3A_569, %mul3A_574 : vector<8x512xf32>
        %add3A_597 = arith.addf %mul3A_579, %mul3A_584 : vector<8x512xf32>
        %add3A_598 = arith.addf %mul3A_589, %mul3A_594 : vector<8x512xf32>
        %add3A_599 = arith.addf %add3A_595, %add3A_596 : vector<8x512xf32>
        %add3A_600 = arith.addf %add3A_597, %add3A_598 : vector<8x512xf32>
        %add3A_601 = arith.addf %add3A_599, %add3A_600 : vector<8x512xf32>
        %mul3A_602 = arith.mulf %add3A_601, %exp3A_557 : vector<8x512xf32>
        %mul3A_603 = arith.constant 8 : i32
        %mul3A_604 = arith.muli %scan3A_287, %mul3A_603 : i32
        %add3A_605 = arith.constant 5 : i32
        %add3A_606 = arith.addi %mul3A_604, %add3A_605 : i32
        %get3A_607 = arith.index_cast %add3A_606 : i32 to index
        %get3A_608 = arith.constant 0 : index
        %get3A_609 = arith.constant 0 : index
        %get3A_610 = vector.load %arg1[%get3A_607, %get3A_608, %get3A_609] : memref<128x8x512xf32, #tpu.memory_space<vmem>>, vector<1x8x512xf32>
        %get3A_611 = vector.shape_cast %get3A_610 : vector<1x8x512xf32> to vector<8x512xf32>
        %slice3A_612 = vector.extract_strided_slice %get3A_294 {offsets = [5, 0], sizes = [1, 512], strides = [1, 1]} : vector<8x512xi32> to vector<1x512xi32>
        %eq3A_613 = vector.broadcast %slice3A_612 : vector<1x512xi32> to vector<8x512xi32>
        %eq3A_614 = arith.cmpi eq, %iota3A, %eq3A_613 : vector<8x512xi32>
        %jit3A_615 = arith.constant 0.000000e+00 : f32
        %broadcast_in_dim3A_616 = vector.broadcast %jit3A_615 : f32 to vector<8x512xf32>
        %select_n3A_617 = arith.select %eq3A_614, %get3A_611, %broadcast_in_dim3A_616 : vector<8x512xi1>, vector<8x512xf32>
        %add3A_618 = arith.addf %add3A_556, %select_n3A_617 : vector<8x512xf32>
        %exp3A_619 = math.exp %get3A_611 : vector<8x512xf32>
        %mul3A_620 = vector.broadcast %broadcast_in_dim3A_25 : vector<8x1xf32> to vector<8x512xf32>
        %mul3A_621 = arith.mulf %mul3A_602, %mul3A_620 : vector<8x512xf32>
        %slice3A_622 = vector.extract_strided_slice %mul3A_602 {offsets = [1, 0], sizes = [7, 512], strides = [1, 1]} : vector<8x512xf32> to vector<7x512xf32>
        %slice3A_623 = vector.extract_strided_slice %mul3A_602 {offsets = [0, 0], sizes = [1, 512], strides = [1, 1]} : vector<8x512xf32> to vector<1x512xf32>
        %concatenate3A_624 = tpu.concatenate %slice3A_622, %slice3A_623 in 0 : vector<7x512xf32>, vector<1x512xf32> -> vector<8x512xf32>
        %mul3A_625 = vector.broadcast %broadcast_in_dim3A_57 : vector<8x1xf32> to vector<8x512xf32>
        %mul3A_626 = arith.mulf %concatenate3A_624, %mul3A_625 : vector<8x512xf32>
        %slice3A_627 = vector.extract_strided_slice %mul3A_602 {offsets = [2, 0], sizes = [6, 512], strides = [1, 1]} : vector<8x512xf32> to vector<6x512xf32>
        %slice3A_628 = vector.extract_strided_slice %mul3A_602 {offsets = [0, 0], sizes = [2, 512], strides = [1, 1]} : vector<8x512xf32> to vector<2x512xf32>
        %concatenate3A_629 = tpu.concatenate %slice3A_627, %slice3A_628 in 0 : vector<6x512xf32>, vector<2x512xf32> -> vector<8x512xf32>
        %mul3A_630 = vector.broadcast %broadcast_in_dim3A_89 : vector<8x1xf32> to vector<8x512xf32>
        %mul3A_631 = arith.mulf %concatenate3A_629, %mul3A_630 : vector<8x512xf32>
        %slice3A_632 = vector.extract_strided_slice %mul3A_602 {offsets = [3, 0], sizes = [5, 512], strides = [1, 1]} : vector<8x512xf32> to vector<5x512xf32>
        %slice3A_633 = vector.extract_strided_slice %mul3A_602 {offsets = [0, 0], sizes = [3, 512], strides = [1, 1]} : vector<8x512xf32> to vector<3x512xf32>
        %concatenate3A_634 = tpu.concatenate %slice3A_632, %slice3A_633 in 0 : vector<5x512xf32>, vector<3x512xf32> -> vector<8x512xf32>
        %mul3A_635 = vector.broadcast %broadcast_in_dim3A_121 : vector<8x1xf32> to vector<8x512xf32>
        %mul3A_636 = arith.mulf %concatenate3A_634, %mul3A_635 : vector<8x512xf32>
        %slice3A_637 = vector.extract_strided_slice %mul3A_602 {offsets = [4, 0], sizes = [4, 512], strides = [1, 1]} : vector<8x512xf32> to vector<4x512xf32>
        %slice3A_638 = vector.extract_strided_slice %mul3A_602 {offsets = [0, 0], sizes = [4, 512], strides = [1, 1]} : vector<8x512xf32> to vector<4x512xf32>
        %concatenate3A_639 = tpu.concatenate %slice3A_637, %slice3A_638 in 0 : vector<4x512xf32>, vector<4x512xf32> -> vector<8x512xf32>
        %mul3A_640 = vector.broadcast %broadcast_in_dim3A_153 : vector<8x1xf32> to vector<8x512xf32>
        %mul3A_641 = arith.mulf %concatenate3A_639, %mul3A_640 : vector<8x512xf32>
        %slice3A_642 = vector.extract_strided_slice %mul3A_602 {offsets = [5, 0], sizes = [3, 512], strides = [1, 1]} : vector<8x512xf32> to vector<3x512xf32>
        %slice3A_643 = vector.extract_strided_slice %mul3A_602 {offsets = [0, 0], sizes = [5, 512], strides = [1, 1]} : vector<8x512xf32> to vector<5x512xf32>
        %concatenate3A_644 = tpu.concatenate %slice3A_642, %slice3A_643 in 0 : vector<3x512xf32>, vector<5x512xf32> -> vector<8x512xf32>
        %mul3A_645 = vector.broadcast %broadcast_in_dim3A_185 : vector<8x1xf32> to vector<8x512xf32>
        %mul3A_646 = arith.mulf %concatenate3A_644, %mul3A_645 : vector<8x512xf32>
        %slice3A_647 = vector.extract_strided_slice %mul3A_602 {offsets = [6, 0], sizes = [2, 512], strides = [1, 1]} : vector<8x512xf32> to vector<2x512xf32>
        %slice3A_648 = vector.extract_strided_slice %mul3A_602 {offsets = [0, 0], sizes = [6, 512], strides = [1, 1]} : vector<8x512xf32> to vector<6x512xf32>
        %concatenate3A_649 = tpu.concatenate %slice3A_647, %slice3A_648 in 0 : vector<2x512xf32>, vector<6x512xf32> -> vector<8x512xf32>
        %mul3A_650 = vector.broadcast %broadcast_in_dim3A_217 : vector<8x1xf32> to vector<8x512xf32>
        %mul3A_651 = arith.mulf %concatenate3A_649, %mul3A_650 : vector<8x512xf32>
        %slice3A_652 = vector.extract_strided_slice %mul3A_602 {offsets = [7, 0], sizes = [1, 512], strides = [1, 1]} : vector<8x512xf32> to vector<1x512xf32>
        %slice3A_653 = vector.extract_strided_slice %mul3A_602 {offsets = [0, 0], sizes = [7, 512], strides = [1, 1]} : vector<8x512xf32> to vector<7x512xf32>
        %concatenate3A_654 = tpu.concatenate %slice3A_652, %slice3A_653 in 0 : vector<1x512xf32>, vector<7x512xf32> -> vector<8x512xf32>
        %mul3A_655 = vector.broadcast %broadcast_in_dim3A_249 : vector<8x1xf32> to vector<8x512xf32>
        %mul3A_656 = arith.mulf %concatenate3A_654, %mul3A_655 : vector<8x512xf32>
        %add3A_657 = arith.addf %mul3A_621, %mul3A_626 : vector<8x512xf32>
        %add3A_658 = arith.addf %mul3A_631, %mul3A_636 : vector<8x512xf32>
        %add3A_659 = arith.addf %mul3A_641, %mul3A_646 : vector<8x512xf32>
        %add3A_660 = arith.addf %mul3A_651, %mul3A_656 : vector<8x512xf32>
        %add3A_661 = arith.addf %add3A_657, %add3A_658 : vector<8x512xf32>
        %add3A_662 = arith.addf %add3A_659, %add3A_660 : vector<8x512xf32>
        %add3A_663 = arith.addf %add3A_661, %add3A_662 : vector<8x512xf32>
        %mul3A_664 = arith.mulf %add3A_663, %exp3A_619 : vector<8x512xf32>
        %mul3A_665 = arith.constant 8 : i32
        %mul3A_666 = arith.muli %scan3A_287, %mul3A_665 : i32
        %add3A_667 = arith.constant 6 : i32
        %add3A_668 = arith.addi %mul3A_666, %add3A_667 : i32
        %get3A_669 = arith.index_cast %add3A_668 : i32 to index
        %get3A_670 = arith.constant 0 : index
        %get3A_671 = arith.constant 0 : index
        %get3A_672 = vector.load %arg1[%get3A_669, %get3A_670, %get3A_671] : memref<128x8x512xf32, #tpu.memory_space<vmem>>, vector<1x8x512xf32>
        %get3A_673 = vector.shape_cast %get3A_672 : vector<1x8x512xf32> to vector<8x512xf32>
        %slice3A_674 = vector.extract_strided_slice %get3A_294 {offsets = [6, 0], sizes = [1, 512], strides = [1, 1]} : vector<8x512xi32> to vector<1x512xi32>
        %eq3A_675 = vector.broadcast %slice3A_674 : vector<1x512xi32> to vector<8x512xi32>
        %eq3A_676 = arith.cmpi eq, %iota3A, %eq3A_675 : vector<8x512xi32>
        %jit3A_677 = arith.constant 0.000000e+00 : f32
        %broadcast_in_dim3A_678 = vector.broadcast %jit3A_677 : f32 to vector<8x512xf32>
        %select_n3A_679 = arith.select %eq3A_676, %get3A_673, %broadcast_in_dim3A_678 : vector<8x512xi1>, vector<8x512xf32>
        %add3A_680 = arith.addf %add3A_618, %select_n3A_679 : vector<8x512xf32>
        %exp3A_681 = math.exp %get3A_673 : vector<8x512xf32>
        %mul3A_682 = vector.broadcast %broadcast_in_dim3A_25 : vector<8x1xf32> to vector<8x512xf32>
        %mul3A_683 = arith.mulf %mul3A_664, %mul3A_682 : vector<8x512xf32>
        %slice3A_684 = vector.extract_strided_slice %mul3A_664 {offsets = [1, 0], sizes = [7, 512], strides = [1, 1]} : vector<8x512xf32> to vector<7x512xf32>
        %slice3A_685 = vector.extract_strided_slice %mul3A_664 {offsets = [0, 0], sizes = [1, 512], strides = [1, 1]} : vector<8x512xf32> to vector<1x512xf32>
        %concatenate3A_686 = tpu.concatenate %slice3A_684, %slice3A_685 in 0 : vector<7x512xf32>, vector<1x512xf32> -> vector<8x512xf32>
        %mul3A_687 = vector.broadcast %broadcast_in_dim3A_57 : vector<8x1xf32> to vector<8x512xf32>
        %mul3A_688 = arith.mulf %concatenate3A_686, %mul3A_687 : vector<8x512xf32>
        %slice3A_689 = vector.extract_strided_slice %mul3A_664 {offsets = [2, 0], sizes = [6, 512], strides = [1, 1]} : vector<8x512xf32> to vector<6x512xf32>
        %slice3A_690 = vector.extract_strided_slice %mul3A_664 {offsets = [0, 0], sizes = [2, 512], strides = [1, 1]} : vector<8x512xf32> to vector<2x512xf32>
        %concatenate3A_691 = tpu.concatenate %slice3A_689, %slice3A_690 in 0 : vector<6x512xf32>, vector<2x512xf32> -> vector<8x512xf32>
        %mul3A_692 = vector.broadcast %broadcast_in_dim3A_89 : vector<8x1xf32> to vector<8x512xf32>
        %mul3A_693 = arith.mulf %concatenate3A_691, %mul3A_692 : vector<8x512xf32>
        %slice3A_694 = vector.extract_strided_slice %mul3A_664 {offsets = [3, 0], sizes = [5, 512], strides = [1, 1]} : vector<8x512xf32> to vector<5x512xf32>
        %slice3A_695 = vector.extract_strided_slice %mul3A_664 {offsets = [0, 0], sizes = [3, 512], strides = [1, 1]} : vector<8x512xf32> to vector<3x512xf32>
        %concatenate3A_696 = tpu.concatenate %slice3A_694, %slice3A_695 in 0 : vector<5x512xf32>, vector<3x512xf32> -> vector<8x512xf32>
        %mul3A_697 = vector.broadcast %broadcast_in_dim3A_121 : vector<8x1xf32> to vector<8x512xf32>
        %mul3A_698 = arith.mulf %concatenate3A_696, %mul3A_697 : vector<8x512xf32>
        %slice3A_699 = vector.extract_strided_slice %mul3A_664 {offsets = [4, 0], sizes = [4, 512], strides = [1, 1]} : vector<8x512xf32> to vector<4x512xf32>
        %slice3A_700 = vector.extract_strided_slice %mul3A_664 {offsets = [0, 0], sizes = [4, 512], strides = [1, 1]} : vector<8x512xf32> to vector<4x512xf32>
        %concatenate3A_701 = tpu.concatenate %slice3A_699, %slice3A_700 in 0 : vector<4x512xf32>, vector<4x512xf32> -> vector<8x512xf32>
        %mul3A_702 = vector.broadcast %broadcast_in_dim3A_153 : vector<8x1xf32> to vector<8x512xf32>
        %mul3A_703 = arith.mulf %concatenate3A_701, %mul3A_702 : vector<8x512xf32>
        %slice3A_704 = vector.extract_strided_slice %mul3A_664 {offsets = [5, 0], sizes = [3, 512], strides = [1, 1]} : vector<8x512xf32> to vector<3x512xf32>
        %slice3A_705 = vector.extract_strided_slice %mul3A_664 {offsets = [0, 0], sizes = [5, 512], strides = [1, 1]} : vector<8x512xf32> to vector<5x512xf32>
        %concatenate3A_706 = tpu.concatenate %slice3A_704, %slice3A_705 in 0 : vector<3x512xf32>, vector<5x512xf32> -> vector<8x512xf32>
        %mul3A_707 = vector.broadcast %broadcast_in_dim3A_185 : vector<8x1xf32> to vector<8x512xf32>
        %mul3A_708 = arith.mulf %concatenate3A_706, %mul3A_707 : vector<8x512xf32>
        %slice3A_709 = vector.extract_strided_slice %mul3A_664 {offsets = [6, 0], sizes = [2, 512], strides = [1, 1]} : vector<8x512xf32> to vector<2x512xf32>
        %slice3A_710 = vector.extract_strided_slice %mul3A_664 {offsets = [0, 0], sizes = [6, 512], strides = [1, 1]} : vector<8x512xf32> to vector<6x512xf32>
        %concatenate3A_711 = tpu.concatenate %slice3A_709, %slice3A_710 in 0 : vector<2x512xf32>, vector<6x512xf32> -> vector<8x512xf32>
        %mul3A_712 = vector.broadcast %broadcast_in_dim3A_217 : vector<8x1xf32> to vector<8x512xf32>
        %mul3A_713 = arith.mulf %concatenate3A_711, %mul3A_712 : vector<8x512xf32>
        %slice3A_714 = vector.extract_strided_slice %mul3A_664 {offsets = [7, 0], sizes = [1, 512], strides = [1, 1]} : vector<8x512xf32> to vector<1x512xf32>
        %slice3A_715 = vector.extract_strided_slice %mul3A_664 {offsets = [0, 0], sizes = [7, 512], strides = [1, 1]} : vector<8x512xf32> to vector<7x512xf32>
        %concatenate3A_716 = tpu.concatenate %slice3A_714, %slice3A_715 in 0 : vector<1x512xf32>, vector<7x512xf32> -> vector<8x512xf32>
        %mul3A_717 = vector.broadcast %broadcast_in_dim3A_249 : vector<8x1xf32> to vector<8x512xf32>
        %mul3A_718 = arith.mulf %concatenate3A_716, %mul3A_717 : vector<8x512xf32>
        %add3A_719 = arith.addf %mul3A_683, %mul3A_688 : vector<8x512xf32>
        %add3A_720 = arith.addf %mul3A_693, %mul3A_698 : vector<8x512xf32>
        %add3A_721 = arith.addf %mul3A_703, %mul3A_708 : vector<8x512xf32>
        %add3A_722 = arith.addf %mul3A_713, %mul3A_718 : vector<8x512xf32>
        %add3A_723 = arith.addf %add3A_719, %add3A_720 : vector<8x512xf32>
        %add3A_724 = arith.addf %add3A_721, %add3A_722 : vector<8x512xf32>
        %add3A_725 = arith.addf %add3A_723, %add3A_724 : vector<8x512xf32>
        %mul3A_726 = arith.mulf %add3A_725, %exp3A_681 : vector<8x512xf32>
        %mul3A_727 = arith.constant 8 : i32
        %mul3A_728 = arith.muli %scan3A_287, %mul3A_727 : i32
        %add3A_729 = arith.constant 7 : i32
        %add3A_730 = arith.addi %mul3A_728, %add3A_729 : i32
        %get3A_731 = arith.index_cast %add3A_730 : i32 to index
        %get3A_732 = arith.constant 0 : index
        %get3A_733 = arith.constant 0 : index
        %get3A_734 = vector.load %arg1[%get3A_731, %get3A_732, %get3A_733] : memref<128x8x512xf32, #tpu.memory_space<vmem>>, vector<1x8x512xf32>
        %get3A_735 = vector.shape_cast %get3A_734 : vector<1x8x512xf32> to vector<8x512xf32>
        %slice3A_736 = vector.extract_strided_slice %get3A_294 {offsets = [7, 0], sizes = [1, 512], strides = [1, 1]} : vector<8x512xi32> to vector<1x512xi32>
        %eq3A_737 = vector.broadcast %slice3A_736 : vector<1x512xi32> to vector<8x512xi32>
        %eq3A_738 = arith.cmpi eq, %iota3A, %eq3A_737 : vector<8x512xi32>
        %jit3A_739 = arith.constant 0.000000e+00 : f32
        %broadcast_in_dim3A_740 = vector.broadcast %jit3A_739 : f32 to vector<8x512xf32>
        %select_n3A_741 = arith.select %eq3A_738, %get3A_735, %broadcast_in_dim3A_740 : vector<8x512xi1>, vector<8x512xf32>
        %add3A_742 = arith.addf %add3A_680, %select_n3A_741 : vector<8x512xf32>
        %exp3A_743 = math.exp %get3A_735 : vector<8x512xf32>
        %mul3A_744 = vector.broadcast %broadcast_in_dim3A_25 : vector<8x1xf32> to vector<8x512xf32>
        %mul3A_745 = arith.mulf %mul3A_726, %mul3A_744 : vector<8x512xf32>
        %slice3A_746 = vector.extract_strided_slice %mul3A_726 {offsets = [1, 0], sizes = [7, 512], strides = [1, 1]} : vector<8x512xf32> to vector<7x512xf32>
        %slice3A_747 = vector.extract_strided_slice %mul3A_726 {offsets = [0, 0], sizes = [1, 512], strides = [1, 1]} : vector<8x512xf32> to vector<1x512xf32>
        %concatenate3A_748 = tpu.concatenate %slice3A_746, %slice3A_747 in 0 : vector<7x512xf32>, vector<1x512xf32> -> vector<8x512xf32>
        %mul3A_749 = vector.broadcast %broadcast_in_dim3A_57 : vector<8x1xf32> to vector<8x512xf32>
        %mul3A_750 = arith.mulf %concatenate3A_748, %mul3A_749 : vector<8x512xf32>
        %slice3A_751 = vector.extract_strided_slice %mul3A_726 {offsets = [2, 0], sizes = [6, 512], strides = [1, 1]} : vector<8x512xf32> to vector<6x512xf32>
        %slice3A_752 = vector.extract_strided_slice %mul3A_726 {offsets = [0, 0], sizes = [2, 512], strides = [1, 1]} : vector<8x512xf32> to vector<2x512xf32>
        %concatenate3A_753 = tpu.concatenate %slice3A_751, %slice3A_752 in 0 : vector<6x512xf32>, vector<2x512xf32> -> vector<8x512xf32>
        %mul3A_754 = vector.broadcast %broadcast_in_dim3A_89 : vector<8x1xf32> to vector<8x512xf32>
        %mul3A_755 = arith.mulf %concatenate3A_753, %mul3A_754 : vector<8x512xf32>
        %slice3A_756 = vector.extract_strided_slice %mul3A_726 {offsets = [3, 0], sizes = [5, 512], strides = [1, 1]} : vector<8x512xf32> to vector<5x512xf32>
        %slice3A_757 = vector.extract_strided_slice %mul3A_726 {offsets = [0, 0], sizes = [3, 512], strides = [1, 1]} : vector<8x512xf32> to vector<3x512xf32>
        %concatenate3A_758 = tpu.concatenate %slice3A_756, %slice3A_757 in 0 : vector<5x512xf32>, vector<3x512xf32> -> vector<8x512xf32>
        %mul3A_759 = vector.broadcast %broadcast_in_dim3A_121 : vector<8x1xf32> to vector<8x512xf32>
        %mul3A_760 = arith.mulf %concatenate3A_758, %mul3A_759 : vector<8x512xf32>
        %slice3A_761 = vector.extract_strided_slice %mul3A_726 {offsets = [4, 0], sizes = [4, 512], strides = [1, 1]} : vector<8x512xf32> to vector<4x512xf32>
        %slice3A_762 = vector.extract_strided_slice %mul3A_726 {offsets = [0, 0], sizes = [4, 512], strides = [1, 1]} : vector<8x512xf32> to vector<4x512xf32>
        %concatenate3A_763 = tpu.concatenate %slice3A_761, %slice3A_762 in 0 : vector<4x512xf32>, vector<4x512xf32> -> vector<8x512xf32>
        %mul3A_764 = vector.broadcast %broadcast_in_dim3A_153 : vector<8x1xf32> to vector<8x512xf32>
        %mul3A_765 = arith.mulf %concatenate3A_763, %mul3A_764 : vector<8x512xf32>
        %slice3A_766 = vector.extract_strided_slice %mul3A_726 {offsets = [5, 0], sizes = [3, 512], strides = [1, 1]} : vector<8x512xf32> to vector<3x512xf32>
        %slice3A_767 = vector.extract_strided_slice %mul3A_726 {offsets = [0, 0], sizes = [5, 512], strides = [1, 1]} : vector<8x512xf32> to vector<5x512xf32>
        %concatenate3A_768 = tpu.concatenate %slice3A_766, %slice3A_767 in 0 : vector<3x512xf32>, vector<5x512xf32> -> vector<8x512xf32>
        %mul3A_769 = vector.broadcast %broadcast_in_dim3A_185 : vector<8x1xf32> to vector<8x512xf32>
        %mul3A_770 = arith.mulf %concatenate3A_768, %mul3A_769 : vector<8x512xf32>
        %slice3A_771 = vector.extract_strided_slice %mul3A_726 {offsets = [6, 0], sizes = [2, 512], strides = [1, 1]} : vector<8x512xf32> to vector<2x512xf32>
        %slice3A_772 = vector.extract_strided_slice %mul3A_726 {offsets = [0, 0], sizes = [6, 512], strides = [1, 1]} : vector<8x512xf32> to vector<6x512xf32>
        %concatenate3A_773 = tpu.concatenate %slice3A_771, %slice3A_772 in 0 : vector<2x512xf32>, vector<6x512xf32> -> vector<8x512xf32>
        %mul3A_774 = vector.broadcast %broadcast_in_dim3A_217 : vector<8x1xf32> to vector<8x512xf32>
        %mul3A_775 = arith.mulf %concatenate3A_773, %mul3A_774 : vector<8x512xf32>
        %slice3A_776 = vector.extract_strided_slice %mul3A_726 {offsets = [7, 0], sizes = [1, 512], strides = [1, 1]} : vector<8x512xf32> to vector<1x512xf32>
        %slice3A_777 = vector.extract_strided_slice %mul3A_726 {offsets = [0, 0], sizes = [7, 512], strides = [1, 1]} : vector<8x512xf32> to vector<7x512xf32>
        %concatenate3A_778 = tpu.concatenate %slice3A_776, %slice3A_777 in 0 : vector<1x512xf32>, vector<7x512xf32> -> vector<8x512xf32>
        %mul3A_779 = vector.broadcast %broadcast_in_dim3A_249 : vector<8x1xf32> to vector<8x512xf32>
        %mul3A_780 = arith.mulf %concatenate3A_778, %mul3A_779 : vector<8x512xf32>
        %add3A_781 = arith.addf %mul3A_745, %mul3A_750 : vector<8x512xf32>
        %add3A_782 = arith.addf %mul3A_755, %mul3A_760 : vector<8x512xf32>
        %add3A_783 = arith.addf %mul3A_765, %mul3A_770 : vector<8x512xf32>
        %add3A_784 = arith.addf %mul3A_775, %mul3A_780 : vector<8x512xf32>
        %add3A_785 = arith.addf %add3A_781, %add3A_782 : vector<8x512xf32>
        %add3A_786 = arith.addf %add3A_783, %add3A_784 : vector<8x512xf32>
        %add3A_787 = arith.addf %add3A_785, %add3A_786 : vector<8x512xf32>
        %mul3A_788 = arith.mulf %add3A_787, %exp3A_743 : vector<8x512xf32>
        %slice3A_789 = vector.extract_strided_slice %mul3A_788 {offsets = [0, 0], sizes = [1, 512], strides = [1, 1]} : vector<8x512xf32> to vector<1x512xf32>
        %bitcast_convert_type3A = tpu.bitcast %slice3A_789 : vector<1x512xf32> -> vector<1x512xi32>
        %shift_right_logical3A = arith.constant 23 : i32
        %shift_right_logical3A_790 = vector.broadcast %shift_right_logical3A : i32 to vector<1x512xi32>
        %shift_right_logical3A_791 = arith.shrui %bitcast_convert_type3A, %shift_right_logical3A_790 : vector<1x512xi32>
        %sub3A = arith.constant 254 : i32
        %sub3A_792 = vector.broadcast %sub3A : i32 to vector<1x512xi32>
        %sub3A_793 = arith.subi %sub3A_792, %shift_right_logical3A_791 : vector<1x512xi32>
        %shift_left3A = arith.constant 23 : i32
        %shift_left3A_794 = vector.broadcast %shift_left3A : i32 to vector<1x512xi32>
        %shift_left3A_795 = arith.shli %sub3A_793, %shift_left3A_794 : vector<1x512xi32>
        %bitcast_convert_type3A_796 = tpu.bitcast %shift_left3A_795 : vector<1x512xi32> -> vector<1x512xf32>
        %mul3A_797 = vector.broadcast %bitcast_convert_type3A_796 : vector<1x512xf32> to vector<8x512xf32>
        %mul3A_798 = arith.mulf %mul3A_788, %mul3A_797 : vector<8x512xf32>
        %sub3A_799 = arith.constant 127 : i32
        %sub3A_800 = vector.broadcast %sub3A_799 : i32 to vector<1x512xi32>
        %sub3A_801 = arith.subi %shift_right_logical3A_791, %sub3A_800 : vector<1x512xi32>
        %add3A_802 = arith.addi %scan3A_289, %sub3A_801 : vector<1x512xi32>
        scf.yield %mul3A_798, %add3A_802, %add3A_742 : vector<8x512xf32>, vector<1x512xi32>, vector<8x512xf32>
      }
      %scan3A_278 = arith.constant 16 : i32
      %swap3A = arith.constant 0 : index
      %swap3A_279 = arith.constant 0 : index
      %swap3A_280 = vector.load %arg5[%swap3A, %swap3A_279] : memref<8x512xf32, #tpu.memory_space<vmem>>, vector<8x512xf32>
      tpu.vector_store %arg5[%swap3A, %swap3A_279], %scan3A_277#0 {strides = array<i32>} : memref<8x512xf32, #tpu.memory_space<vmem>>, vector<8x512xf32>,
      %swap3A_281 = arith.constant 0 : index
      %swap3A_282 = arith.constant 0 : index
      %swap3A_283 = vector.load %arg6[%swap3A_281, %swap3A_282] : memref<1x512xi32, #tpu.memory_space<vmem>>, vector<1x512xi32>
      tpu.vector_store %arg6[%swap3A_281, %swap3A_282], %scan3A_277#1 {strides = array<i32>} : memref<1x512xi32, #tpu.memory_space<vmem>>, vector<1x512xi32>,
      %swap3A_284 = arith.constant 0 : index
      %swap3A_285 = arith.constant 0 : index
      %swap3A_286 = vector.load %arg7[%swap3A_284, %swap3A_285] : memref<8x512xf32, #tpu.memory_space<vmem>>, vector<8x512xf32>
      tpu.vector_store %arg7[%swap3A_284, %swap3A_285], %scan3A_277#2 {strides = array<i32>} : memref<8x512xf32, #tpu.memory_space<vmem>>, vector<8x512xf32>,
    } else {
    }
    %eq3A_260 = arith.constant 15 : i32
    %eq3A_261 = arith.cmpi eq, %arg0, %eq3A_260 : i32
    %convert_element_type3A_262 = arith.extui %eq3A_261 : i1 to i32
    %cond3A_263 = arith.constant 0 : i32
    %cond3A_264 = arith.cmpi ne, %convert_element_type3A_262, %cond3A_263 : i32
    scf.if %cond3A_264 {
      %get3A_265 = arith.constant 0 : index
      %get3A_266 = arith.constant 0 : index
      %get3A_267 = vector.load %arg5[%get3A_265, %get3A_266] : memref<8x512xf32, #tpu.memory_space<vmem>>, vector<8x512xf32>
      %reduce_sum3A_268 = arith.constant dense<0.000000e+00> : vector<512xf32>
      %reduce_sum3A_269 = vector.multi_reduction <add>, %get3A_267, %reduce_sum3A_268 [0] : vector<8x512xf32> to vector<512xf32>
      %broadcast_in_dim3A_270 = vector.shape_cast %reduce_sum3A_269 : vector<512xf32> to vector<1x512xf32>
      %log3A = math.log %broadcast_in_dim3A_270 : vector<1x512xf32>
      %get3A_271 = arith.constant 0 : index
      %get3A_272 = arith.constant 0 : index
      %get3A_273 = vector.load %arg6[%get3A_271, %get3A_272] : memref<1x512xi32, #tpu.memory_space<vmem>>, vector<1x512xi32>
      %convert_element_type3A_274 = arith.sitofp %get3A_273 : vector<1x512xi32> to vector<1x512xf32>
      %mul3A = arith.constant 0.693147182 : f32
      %mul3A_275 = vector.broadcast %mul3A : f32 to vector<1x512xf32>
      %mul3A_276 = arith.mulf %mul3A_275, %convert_element_type3A_274 : vector<1x512xf32>
      %add3A_277 = arith.addf %log3A, %mul3A_276 : vector<1x512xf32>
      %reduce_sum3A_278 = vector.shape_cast %add3A_277 : vector<1x512xf32> to vector<1x1x512xf32>
      %reduce_sum3A_279 = arith.constant dense<0.000000e+00> : vector<1xf32>
      %reduce_sum3A_280 = vector.multi_reduction <add>, %reduce_sum3A_278, %reduce_sum3A_279 [1, 2] : vector<1x1x512xf32> to vector<1xf32>
      %reduce_sum3A_281 = vector.shape_cast %reduce_sum3A_280 : vector<1xf32> to vector<1x1x1xf32>
      %reduce_sum3A_282 = vector.extract %reduce_sum3A_281[0, 0, 0] : f32 from vector<1x1x1xf32>
      %get3A_283 = arith.constant 0 : index
      %get3A_284 = arith.constant 0 : index
      %get3A_285 = vector.load %arg7[%get3A_283, %get3A_284] : memref<8x512xf32, #tpu.memory_space<vmem>>, vector<8x512xf32>
      %reduce_sum3A_286 = vector.shape_cast %get3A_285 : vector<8x512xf32> to vector<1x8x512xf32>
      %reduce_sum3A_287 = arith.constant dense<0.000000e+00> : vector<1xf32>
      %reduce_sum3A_288 = vector.multi_reduction <add>, %reduce_sum3A_286, %reduce_sum3A_287 [1, 2] : vector<1x8x512xf32> to vector<1xf32>
      %reduce_sum3A_289 = vector.shape_cast %reduce_sum3A_288 : vector<1xf32> to vector<1x1x1xf32>
      %reduce_sum3A_290 = vector.extract %reduce_sum3A_289[0, 0, 0] : f32 from vector<1x1x1xf32>
      %sub3A = arith.subf %reduce_sum3A_282, %reduce_sum3A_290 : f32
      %broadcast_in_dim3A_291 = vector.broadcast %sub3A : f32 to vector<8x128xf32>
      %swap3A = arith.constant 0 : index
      %swap3A_292 = arith.constant 0 : index
      %swap3A_293 = vector.load %arg4[%swap3A, %swap3A_292] : memref<8x128xf32, #tpu.memory_space<vmem>>, vector<8x128xf32>
      tpu.vector_store %arg4[%swap3A, %swap3A_292], %broadcast_in_dim3A_291 {strides = array<i32>} : memref<8x128xf32, #tpu.memory_space<vmem>>, vector<8x128xf32>,
    } else {
    }
    return
  }
  func.func @transform_0(%arg0: i32) -> (i32, i32, i32) {
    %c0_i32 = arith.constant 0 : i32
    %c0_i32_0 = arith.constant 0 : i32
    %c0_i32_1 = arith.constant 0 : i32
    return %arg0, %c0_i32, %c0_i32_0 : i32, i32, i32
  }
  func.func @transform_1(%arg0: i32) -> (i32, i32) {
    %c0_i32 = arith.constant 0 : i32
    %c0_i32_0 = arith.constant 0 : i32
    return %arg0, %c0_i32 : i32, i32
  }
  func.func @transform_2(%arg0: i32) -> (i32, i32) {
    %c0_i32 = arith.constant 0 : i32
    %c0_i32_0 = arith.constant 0 : i32
    %c0_i32_1 = arith.constant 0 : i32
    return %c0_i32, %c0_i32_0 : i32, i32
  }
  func.func @transform_3(%arg0: i32) -> (i32, i32) {
    %c0_i32 = arith.constant 0 : i32
    %c0_i32_0 = arith.constant 0 : i32
    %c0_i32_1 = arith.constant 0 : i32
    return %c0_i32, %c0_i32_0 : i32, i32
  }
}

</mosaic_0001>

<sc_bundles>
// kernel: kernel.4.cloned.1.call-start
scs
__scs_entry_jumppad:
0x0: {  	(pc) =	sbr.rel $0x88, $3  }
0x1: {  	(tag) =	ssettag $0x0;
	lr =	simm.s32 $0x1  }
0x2: {  	[smem:$0x3F9E] =	sst lr;
	_ =	strace $0xD0000000  }
0x3: {  	_ = 	snop  }
0x4: {  	_ = 	snop  }
0x5: {  	_ = 	snop  }
0x6: {  	_ = 	snop  }
0x7: {  	_ = 	snop  }
__scs_overlays_trampoline_lowered:
0x8: {  	[smem:$0x3FAD] =	sst s0  }
0x9: {  	[smem:$0x3FAE] =	sst s1  }
0xa: {  	[smem:$0x3FAF] =	sst s2  }
0xb: {  	[smem:$0x3FB0] =	sst s3  }
0xc: {  	[smem:$0x3FB1] =	sst s4  }
0xd: {  	[smem:$0x3FB2] =	sst s5  }
0xe: {  	[smem:$0x3FB3] =	sst s6  }
0xf: {  	[smem:$0x3FB4] =	sst s7  }
0x10: {  	[smem:$0x3FB5] =	sst s8  }
0x11: {  	[smem:$0x3FB6] =	sst s9;
	s0 =	simm.s32 @!p0 $0x0  }
0x12: {  	s1 =	sld [smem:$0x3F9C];
	s0 =	simm.s32 @p0 $0x1  }
0x13: {  	[smem:$0x3FB7] =	sst s0;
	s0 =	simm.s32 @!p1 $0x0  }
0x14: {  	s2 =	sld [smem:$0x3F9B];
	s0 =	simm.s32 @p1 $0x1  }
0x15: {  	[smem:$0x3FB8] =	sst s0;
	s0 =	simm.s32 @!p2 $0x0  }
0x16: {  	s3 =	sld [smem:$0x3FDB];
	s0 =	simm.s32 @p2 $0x1  }
0x17: {  	s4 =	simm.s32 $0x1BF5;
	[smem:$0x3FBA] =	sst s0  }
0x18: {  	s0 =	sld [smem:$0x3F9D];
	_ =	swait.ge [sflag:s4], $0x0  }
0x19: {  	s7 =	sld [smem:$0x3F9E]  }
0x1a: {  	s8 =	sadd.s32 $0xFFFFE003, lr  }
0x1b: {  	s9 =	sadd.s32 $0xFFFFFEF7, lr;
	s5 =	simm.s32 $0xFFFFFFFF;
	p2 =	slt.u32 s8, $0xFFFFF086  }
0x1c: {  	p1 =	slt.u32 s9, $0xF7A;
	s5 =	simm.s32 @!p2 $0x0  }
0x1d: {  	s5 =	simm.s32 @p1 $0x1;
	p0 =	seq.s32 s7, s2  }
0x1e: {  	s7 =	smul.u32 @!p0 $0xF7A, s2;
	p2 =	seq.s32 @!p0 s5, $0x0  }
0x1f: {  	s9 =	smul.u32 $0xF7A, s1;
	s8 =	simm.s32 @!p0 $0x1BF5;
	p2 =	por !p2, p0  }
0x20: {  	[sflag:s8] =	ssyncset.s32 @!p0 $0xFFFFF086;
	s6 =	sadd.s32 @!p0 s3, s7;
	s7 =	simm.s32 @!p0 $0x108  }
0x21: {  	s3 =	sadd.s32 s3, s9;
	s6 =	sadd.s32 @!p0 $0x88, s6;
	s7 =	simm.s32 @p2 $0x1082  }
0x22: {  	[simem:s7], [sflag:s8] =	dma.local @!p0 [hbm:s6], $0xF7A  }
0x23: {  	s9 =	sor.u32 $0xD0000000, s2;
	s6 =	simm.s32 $0x108;
	_ =	swait.ge @!p0 [sflag:s8], $0x0  }
0x24: {  	s3 =	sadd.s32 $0x88, s3;
	s6 =	simm.s32 @!p1 $0x1082;
	[sflag:s4] =	ssyncset.s32 $0xFFFFF086  }
0x25: {  	[simem:s6], [sflag:s4] =	dma.local [hbm:s3], $0xF7A  }
0x26: {  	[smem:$0x3F9E] =	sst s1;
	(tag) =	ssettag s2;
	_ =	strace s9  }
0x27: {  	s1 =	sld [smem:$0x3FAE]  }
0x28: {  	s2 =	sld [smem:$0x3FAF]  }
0x29: {  	s4 =	sld [smem:$0x3FB1]  }
0x2a: {  	p0 =	seq.s32 s5, $0x0;
	s5 =	sld [smem:$0x3FB2]  }
0x2b: {  	s6 =	sld [smem:$0x3FB3]  }
0x2c: {  	s7 =	sld [smem:$0x3FB4]  }
0x2d: {  	s3 =	simm.s32 $0x108;
	s8 =	sld [smem:$0x3FB5]  }
0x2e: {  	s3 =	simm.s32 @!p0 $0x1082;
	s9 =	sld [smem:$0x3FB6]  }
0x2f: {  	lr =	sadd.s32 s0, s3;
	s0 =	sld [smem:$0x3FAD]  }
0x30: {  	s3 =	sld [smem:$0x3FB0]  }
0x31: {  	[smem:$0x3FB9] =	sst s10  }
0x32: {  	s10 =	sld [smem:$0x3FB7];
	_ =	sdelay $0x3  }
0x33: {  	p0 =	seq.s32 s10, $0x1;
	s10 =	sld [smem:$0x3FB9];
	_ =	sdelay $0x3  }
0x34: {  	[smem:$0x3FB9] =	sst s10  }
0x35: {  	s10 =	sld [smem:$0x3FB8];
	_ =	sdelay $0x3  }
0x36: {  	p1 =	seq.s32 s10, $0x1;
	s10 =	sld [smem:$0x3FB9];
	_ =	sdelay $0x3  }
0x37: {  	[smem:$0x3FB9] =	sst s10  }
0x38: {  	s10 =	sld [smem:$0x3FBA]  }
0x39: {  	_ = 	snop;
	(pc) =	sbr.ind lr, $3  }
0x3a: {  	_ = 	snop  }
0x3b: {  	_ = 	snop  }
0x3c: {  	p2 =	seq.s32 s10, $0x1;
	s10 =	sld [smem:$0x3FB9]  }
0x3d: {  	_ =	shalt  }
0x3e: {  	_ =	shalt  }
0x3f: {  	_ =	shalt  }
0x40: {  	_ =	shalt  }
0x41: {  	_ =	shalt  }
0x42: {  	_ =	shalt  }
0x43: {  	_ =	shalt  }
0x44: {  	_ =	shalt  }
0x45: {  	_ =	shalt  }
0x46: {  	_ =	shalt  }
0x47: {  	_ =	shalt  }
0x48: {  	_ =	shalt  }
0x49: {  	_ =	shalt  }
0x4a: {  	_ =	shalt  }
0x4b: {  	_ =	shalt  }
0x4c: {  	_ =	shalt  }
0x4d: {  	_ =	shalt  }
0x4e: {  	_ =	shalt  }
0x4f: {  	_ =	shalt  }
0x50: {  	_ =	shalt  }
0x51: {  	_ =	shalt  }
0x52: {  	_ =	shalt  }
0x53: {  	_ =	shalt  }
0x54: {  	_ =	shalt  }
0x55: {  	_ =	shalt  }
0x56: {  	_ =	shalt  }
0x57: {  	_ =	shalt  }
0x58: {  	_ =	shalt  }
0x59: {  	_ =	shalt  }
0x5a: {  	_ =	shalt  }
0x5b: {  	_ =	shalt  }
0x5c: {  	_ =	shalt  }
0x5d: {  	_ =	shalt  }
0x5e: {  	_ =	shalt  }
0x5f: {  	_ =	shalt  }
0x60: {  	_ =	shalt  }
0x61: {  	_ =	shalt  }
0x62: {  	_ =	shalt  }
0x63: {  	_ =	shalt  }
0x64: {  	_ =	shalt  }
0x65: {  	_ =	shalt  }
0x66: {  	_ =	shalt  }
0x67: {  	_ =	shalt  }
0x68: {  	_ =	shalt  }
0x69: {  	_ =	shalt  }
0x6a: {  	_ =	shalt  }
0x6b: {  	_ =	shalt  }
0x6c: {  	_ =	shalt  }
0x6d: {  	_ =	shalt  }
0x6e: {  	_ =	shalt  }
0x6f: {  	_ =	shalt  }
0x70: {  	_ =	shalt  }
0x71: {  	_ =	shalt  }
0x72: {  	_ =	shalt  }
0x73: {  	_ =	shalt  }
0x74: {  	_ =	shalt  }
0x75: {  	_ =	shalt  }
0x76: {  	_ =	shalt  }
0x77: {  	_ =	shalt  }
0x78: {  	_ =	shalt  }
0x79: {  	_ =	shalt  }
0x7a: {  	_ =	shalt  }
0x7b: {  	_ =	shalt  }
0x7c: {  	_ =	shalt  }
0x7d: {  	_ =	shalt  }
0x7e: {  	_ =	shalt  }
0x7f: {  	_ =	shalt  }
0x80: {  	_ =	shalt  }
0x81: {  	_ =	shalt  }
0x82: {  	_ =	shalt  }
0x83: {  	_ =	shalt  }
0x84: {  	_ =	shalt  }
0x85: {  	_ =	shalt  }
0x86: {  	_ =	shalt  }
0x87: {  	_ =	shalt  }
.Lfunc_end0:
.L_simem_size_0:
called_computation_lowered:
.L_overlay_start_0:
0x88: {  	s2 =	sld [smem:$0x3FD9]  }
0x89: {  	s3 =	sld [smem:$0x3FFE];
	_ =	sdelay $0x1  }
0x8a: {  	s1 =	srdreg.scid  }
0x8b: {  	s0 =	sand.u32 $0x1, s1  }
0x8c: {  	s17 =	sshll.u32 s0, $0xA;
	s2 =	sadd.s32 s3, s2  }
0x8d: {  	s2 =	sadd.s32 s2, s17  }
0x8e: {  	[smem:$0x3FC5] =	sst s2  }
0x8f: {  	_ = 	snop  }
0x90: {  	s2 =	sld [smem:$0x3FC8];
	(tm) =	ssettm $0x1  }
0x91: {  	s18 =	sld [smem:$0x3FFB];
	_ =	sdelay $0x3  }
0x92: {  	_ =	strace s18  }
0x93: {  	s3 =	sld [smem:$0x3FFC];
	_ =	sdelay $0x3  }
0x94: {  	_ =	strace s3  }
0x95: {  	s3 =	sld [smem:$0x3FFD];
	_ =	sdelay $0x3  }
0x96: {  	_ =	strace s3  }
0x97: {  	_ =	strace $0x8FFFFFFF  }
0x98: {  	s19 =	sld [smem:$0x3FDB];
	_ =	sdelay $0x1  }
0x99: {  	s4 =	simm.s32 $_scs_section_size  }
0x9a: {  	s5 =	simm.s32 $_size__tile_overlayer_lowered;
	s6 =	simm.s32 $_tile_overlayer_lowered  }
0x9b: {  	s22 =	simm.s32 $0x1BFF;
	s21 =	sshll.u32 s6, $0x1;
	s3 =	sadd.s32 s4, s19  }
0x9c: {  	s7 =	simm.s32 $0x0;
	s20 =	sshll.u32 s5, $0x1;
	s5 =	sadd.s32 s21, s3  }
0x9d: {  	[timem:s7], [sflag:s22] =	dma.local [hbm:s5], s20  }
0x9e: {  	_ =	swait.ge [sflag:s22], s20  }
0x9f: {  	s4 =	ssub.s32 $0x0, s20;
	[sflag:s22] =	ssyncset.done $0x0  }
0xa0: {  	[sflag:s22] =	ssyncadd.s32 s4;
	_ =	sdelay $0x1  }
0xa1: {  	s23 =	simm.s32 $0x1B8B  }
0xa2: {  	_ =	swait.ge [sflag:s23], $0x1  }
0xa3: {  	[sflag:s23] =	ssyncset.done $0x0  }
0xa4: {  	s25 =	simm.s32 $0x1B8E;
	s24 =	sld [smem:$0x3FFE];
	[sflag:s23] =	ssyncadd.s32 $0xFFFFFFFF  }
0xa5: {  	s26 =	simm.s32 $execute0_lowered;
	[smem:$0x3FD2] =	sst s25  }
0xa6: {  	s5 =	sshll.u32 s26, $0x1;
	_ =	strace $0x80000046;
	[dreg:$0x1] =	wrdreg $0xFFFFFFFF  }
0xa7: {  	s28 =	simm.s32 $_size_execute0_lowered;
	s3 =	sadd.s32 s3, s5;
	[dreg:$0x0] =	wrdreg $0x0  }
0xa8: {  	s5 =	sshll.u32 s28, $0x1;
	[dreg:$0x2] =	wrdreg s3  }
0xa9: {  	[dreg:$0x3] =	wrdreg s5  }
0xaa: {  	[dreg:$0x4] =	wrdreg $0xC0  }
0xab: {  	_ =	task [dreg:s7], $0x5FFFF  }
0xac: {  	[dreg:$0x1] =	wrdreg $0xFFFFFFFF  }
0xad: {  	[dreg:$0x0] =	wrdreg $0x60  }
0xae: {  	[dreg:$0x2] =	wrdreg s2  }
0xaf: {  	[dreg:$0x3] =	wrdreg s24  }
0xb0: {  	[dreg:$0x4] =	wrdreg $0x9  }
0xb1: {  	_ =	task.clear_ibuf [dreg:s7], $0x5FFFF;
	_ =	strace $0x90000046  }
0xb2: {  	s29 =	simm.s32 $0x9;
	_ =	strace $0x80000048  }
0xb3: {  	_ =	swait.ge [sflag:s29], $0x1  }
0xb4: {  	[sflag:s29] =	ssyncadd.s32 $0xFFFFFFFF  }
0xb5: {  	_ =	strace $0x90000048  }
0xb6: {  	_ =	sfence  }
0xb7: {  	s30 =	sld [smem:$0x0];
	_ =	sdelay $0x2  }
0xb8: {  	s31 =	sshll.u32 s1, $0xD;
	s1 =	sshrl.u32 s1, $0x2  }
0xb9: {  	s3 =	sand.u32 $0x4000, s31;
	s1 =	sadd.s32 s1, s30  }
0xba: {  	s0 =	sor.u32 s3, s0;
	s1 =	sshll.u32 s1, $0x11  }
0xbb: {  	s0 =	sor.u32 s1, s0  }
0xbc: {  	s0 =	sadd.s32 $0x8F2B, s0  }
0xbd: {  	[sflag:s0] =	ssyncadd.remote.s32 $0x1  }
0xbe: {  	_ =	sfence.sel $0xFFFF  }
0xbf: {  	[dreg:$0x0] =	wrdreg $0xFFFFFFFF;
	(pc) =	sbr.abs _section_cstart, $3  }
0xc0: {  	[dreg:$0x1] =	wrdreg $0xFFFFFFFF  }
0xc1: {  	_ =	task.clear_ibuf [dreg:s7], $0x2FFFF;
	_ =	strace $0x9FFFFFFF  }
0xc2: {  	(tm) =	ssettm $0x7FFFFFFF  }
0xc3: {  	_ =	shalt  }
tec
execute0_lowered:
.L_overlay_start_1:
0x0: {  	(tag) =	ssettag $0x1  }
0x1: {  	s4 =	rddreg [dreg:$0x0]  }
0x2: {  	s5 =	rddreg [dreg:$0x1]  }
0x3: {  	s0 =	rddreg [dreg:$0x2];
	s2 =	simm.s32 $0x0  }
0x4: {  	s3 =	srdreg.scid;
	s1 =	stileid.u32;
	s10 =	simm.s32 $0x0  }
0x5: {  	v0 =	vimm.s32 $0xFFEDCBA9;
	v1 =	vimm.s32 $0x87654321;
	[smem:$0x7FF] =	sst s2;
	s6 =	sand.u32 $0x1, s3;
	s7 =	sshll.u32 s1, $0x1  }
0x6: {  	v0 =	vunpack.c.l.s4.s8 v0;
	v1 =	vunpack.c.l.s4.s8 v1;
	s3 =	sadd.s32 $0x400, s5;
	s7 =	sor.u32 s6, s7;
	s6 =	ssub.s32 $0x2, s6  }
0x7: {  	_ =	strace $0x80000047;
	s8 =	sshll.u32 s7, $0x4;
	s9 =	sshrl.u32 s6, $0x1  }
0x8: {  	s7 =	sshll.u32 s7, $0xC;
	v0 =	vunpack.c.0.s8.s32 v0;
	v1 =	vunpack.c.0.s8.s32 v1;
	s5 =	sadd.s32 s8, s5;
	s6 =	ssub.s32 s6, s9  }
0x9: {  	vm0 =	vmmov $0x7fff;
	s4 =	sadd.s32 s4, s7;
	s7 =	simm.s32 $0x1;
	s8 =	simm.s32 $0x8000  }
0xa: {  	v2 =	vlaneseq.u32;
	s9 =	simm.s32 $0x8080;
	s5 =	sadd.s32 $0x600, s5;
	s6 =	smax.u32 s6, $0x1;
	v0 =	vcombine.low v1, v0;
	v1 =	vimm.s32 $0x0  }
.LBB2_1:
0xb: {  	[tilespmem:s2], [sflag:$0x1] =	stream.linear.gather [hbm4b:s4+s2], $0x8000, $0x38;
	[tilespmem:$0x8100] =	vst v63  }
0xc: {  	_ =	swait.ge [sflag:s7], $0x8000  }
0xd: {  	[sflag:s7] =	ssyncset.done $0x0  }
0xe: {  	[sflag:s7] =	ssyncadd.s32 $0xFFFF8000  }
0xf: {  	[tilespmem:s8], [sflag:$0x1] =	stream.linear.gather [hbm4b:s3+s2], $0x80, $0x38;
	[tilespmem:$0x8100] =	vst v63  }
0x10: {  	_ =	swait.ge [sflag:s7], $0x80  }
0x11: {  	[sflag:s7] =	ssyncset.done $0x0  }
0x12: {  	[sflag:s7] =	ssyncadd.s32 $0xFFFFFF80  }
0x13: {  	v3 =	vld [tilespmem:$0x8000]  }
0x14: {  	v4 =	vld [tilespmem:$0x8010]  }
0x15: {  	v5 =	vld [tilespmem:$0x8020]  }
0x16: {  	v6 =	vld [tilespmem:$0x8030];
	_ =	sdelay $0x2  }
0x17: {  	v7 =	vimm.f32 $0.0e+00;
	s11 =	simm.s32 $0x0  }
.LBB2_2:
0x18: {  	s12 =	sshll.u32 s11, $0x7  }
0x19: {  	s12 =	sand.u32 $0x380, s12  }
0x1a: {  	s13 =	sshll.u32 s11, $0xB;
	v8 =	vmov s12  }
0x1b: {  	s21 =	simm.s32 $0x10;
	s14 =	simm.s32 $0x80;
	s15 =	simm.s32 $0x0  }
0x1c: {  	s17 =	simm.s32 $0x0;
	s16 =	sand.u32 $0x7C00, s14;
	s12 =	sand.u32 $0x4000, s13  }
0x1d: {  	s15 =	sand.u32 $0x3C00, s15;
	s13 =	sand.u32 $0x70, s21;
	s16 =	sadd.s32 s16, s12  }
0x1e: {  	s17 =	sand.u32 $0x70, s17;
	s15 =	sadd.s32 s15, s12;
	s13 =	sadd.s32 s13, s16  }
0x1f: {  	s22 =	simm.s32 $0x20;
	s15 =	sadd.s32 s17, s15;
	v9 =	vld.idx.msk [tilespmem:v8+s13+$0x0 ss:$0x1], $0xffff  }
0x20: {  	s23 =	simm.s32 $0x100;
	s25 =	simm.s32 $0x10;
	s14 =	sand.u32 $0x3C00, s14;
	v10 =	vld.idx.msk [tilespmem:v8+s15+$0x0 ss:$0x1], $0xffff  }
0x21: {  	s24 =	sand.u32 $0x7C00, s23;
	s14 =	sadd.s32 s14, s12;
	s17 =	sand.u32 $0x70, s25  }
0x22: {  	s14 =	sadd.s32 s17, s14;
	s13 =	sand.u32 $0x70, s22;
	s15 =	sadd.s32 s24, s12  }
0x23: {  	v13 =	vld.idx.msk [tilespmem:v8+s14+$0x0 ss:$0x1], $0xffff;
	s13 =	sadd.s32 s13, s15  }
0x24: {  	v12 =	vld.idx.msk [tilespmem:v8+s13+$0x0 ss:$0x1], $0xffff;
	s13 =	simm.s32 $0x180  }
0x25: {  	s26 =	simm.s32 $0x30;
	s30 =	simm.s32 $0x20;
	s29 =	sand.u32 $0x7C00, s13;
	v9 =	vperm.xlane v9, v1;
	v11 =	vperm.xlane v10, v0  }
0x26: {  	s28 =	sand.u32 $0x70, s26;
	s16 =	sand.u32 $0x3C00, s23;
	s15 =	sadd.s32 s29, s12  }
0x27: {  	s17 =	sand.u32 $0x70, s30;
	s16 =	sadd.s32 s16, s12;
	v14 =	vshll.u32 v10, $0x3;
	s14 =	sadd.s32 s28, s15;
	v9 =	vsel vm0, v11, v9  }
0x28: {  	s31 =	sadd.s32 s17, s16;
	v10 =	vld.idx.msk [tilespmem:v8+s14+$0x0 ss:$0x1], $0xffff;
	v11 =	vadd.s32 v14, v9  }
0x29: {  	s14 =	simm.s32 $0x40;
	v12 =	vperm.xlane v12, v1;
	v9 =	vld.idx.msk [tilespmem:v8+s31+$0x0 ss:$0x1], $0xffff;
	v14 =	vperm.xlane v13, v0;
	v15 =	vand.u32 $0xF, v11  }
.LBB2_3:
0x2a: {  	v13 =	vshll.u32 v13, $0x3;
	v16 =	vperm.xlane v3, v15;
	v17 =	vperm.xlane v4, v15;
	s15 =	smov.u32 s13;
	s13 =	sadd.s32 $0x80, s13;
	p0 =	sne.s32 s14, $0x7F0  }
.Ltmp0:
0x2b: {  	s16 =	sand.u32 $0x70, s14;
	v18 =	vshrl.u32 v11, $0x4;
	v19 =	vperm.xlane v5, v15;
	v15 =	vperm.xlane v6, v15;
	s17 =	sand.u32 $0x7C00, s13;
	(pc) =	sbr.rel @p0 .LBB2_3-.Ltmp0, $4  }
0x2c: {  	s18 =	sadd.s32 $0xFFFFFFF0, s14;
	s15 =	sand.u32 $0x3C00, s15;
	v14 =	vsel vm0, v14, v12;
	vm1 =	veq.s32 v18, $0x0;
	vm2 =	veq.s32 v18, $0x2;
	s17 =	sadd.s32 s17, s12  }
0x2d: {  	s18 =	sand.u32 $0x70, s18;
	s15 =	sadd.s32 s15, s12;
	v16 =	vsel vm1, v16, v17;
	v15 =	vsel vm2, v19, v15;
	vm1 =	vlt.u32 v11, $0x20;
	s16 =	sadd.s32 s16, s17  }
0x2e: {  	s14 =	sadd.s32 $0x10, s14;
	v11 =	vadd.s32 v13, v14;
	s15 =	sadd.s32 s18, s15;
	v12 =	vperm.xlane v10, v1;
	v16 =	vsel vm1, v16, v15;
	v10 =	vld.idx.msk [tilespmem:v8+s16+$0x0 ss:$0x1], $0xffff  }
0x2f: {  	v15 =	vand.u32 $0xF, v11;
	v14 =	vperm.xlane v9, v0;
	v7 =	vadd.f32 v16, v7;
	v13 =	vmovc v9;
	v9 =	vld.idx.msk [tilespmem:v8+s15+$0x0 ss:$0x1], $0xffff  }
0x30: {  	v8 =	vperm.xlane v3, v15;
	v16 =	vperm.xlane v4, v15;
	v17 =	vshrl.u32 v11, $0x4  }
0x31: {  	v18 =	vperm.xlane v5, v15;
	v41 =	vperm.xlane v6, v15;
	v13 =	vshll.u32 v13, $0x3  }
0x32: {  	v12 =	vsel vm0, v14, v12;
	vm1 =	veq.s32 v17, $0x0;
	vm2 =	veq.s32 v17, $0x2  }
0x33: {  	v8 =	vsel vm1, v8, v16;
	v42 =	vsel vm2, v18, v41;
	vm1 =	vlt.u32 v11, $0x20  }
0x34: {  	s12 =	smul.u32 $0x880, s11;
	v43 =	vadd.s32 v13, v12;
	v10 =	vperm.xlane v10, v1;
	v8 =	vsel vm1, v8, v42  }
0x35: {  	v13 =	vand.u32 $0xF, v43;
	v47 =	vshrl.u32 v43, $0x4;
	v44 =	vperm.xlane v9, v0  }
0x36: {  	s12 =	sor.u32 $0x3C70, s12;
	v7 =	vadd.f32 v8, v7;
	v45 =	vperm.xlane v3, v13;
	v46 =	vperm.xlane v4, v13  }
0x37: {  	v49 =	vld [tilespmem:s12+$0x0];
	v8 =	vshll.u32 v9, $0x3;
	v48 =	vperm.xlane v5, v13;
	v13 =	vperm.xlane v6, v13  }
0x38: {  	vm1 =	veq.s32 v47, $0x0;
	vm2 =	veq.s32 v47, $0x2;
	v10 =	vsel vm0, v44, v10  }
0x39: {  	v9 =	vsel vm1, v45, v46;
	v50 =	vsel vm2, v48, v13;
	vm1 =	vlt.u32 v43, $0x20  }
0x3a: {  	v8 =	vadd.s32 v8, v10;
	v9 =	vsel vm1, v9, v50  }
0x3b: {  	v51 =	vand.u32 $0xF, v8;
	v7 =	vadd.f32 v9, v7  }
0x3c: {  	v53 =	vperm.xlane v49, v0;
	v54 =	vperm.xlane v49, v1;
	v56 =	vshrl.u32 v8, $0x4  }
0x3d: {  	v58 =	vshll.u32 v49, $0x3;
	v52 =	vperm.xlane v3, v51;
	v55 =	vperm.xlane v4, v51  }
0x3e: {  	v57 =	vperm.xlane v5, v51;
	v11 =	vperm.xlane v6, v51;
	v9 =	vsel vm0, v53, v54  }
0x3f: {  	vm1 =	veq.s32 v56, $0x0;
	vm2 =	veq.s32 v56, $0x2;
	v9 =	vadd.s32 v58, v9  }
0x40: {  	v10 =	vsel vm1, v52, v55;
	v11 =	vsel vm2, v57, v11;
	v59 =	vand.u32 $0xF, v9  }
0x41: {  	s11 =	sadd.s32 $0x1, s11;
	vm1 =	vlt.u32 v8, $0x20;
	v8 =	vperm.xlane v3, v59;
	v60 =	vperm.xlane v4, v59  }
0x42: {  	p0 =	sne.s32 s11, $0x10;
	v61 =	vshrl.u32 v9, $0x4;
	v62 =	vperm.xlane v5, v59;
	v12 =	vperm.xlane v6, v59  }
.Ltmp1:
0x43: {  	v10 =	vsel vm1, v10, v11;
	vm1 =	veq.s32 v61, $0x0;
	vm2 =	veq.s32 v61, $0x2;
	(pc) =	sbr.rel @p0 .LBB2_2-.Ltmp1, $4  }
0x44: {  	v8 =	vsel vm1, v8, v60;
	v63 =	vsel vm2, v62, v12;
	vm1 =	vlt.u32 v9, $0x20  }
0x45: {  	v7 =	vadd.f32 v10, v7;
	v8 =	vsel vm1, v8, v63;
	vm1 =	veq.s32 v2, $0xF  }
0x46: {  	v8 =	vsel vm1, $0x0, v8  }
0x47: {  	v7 =	vadd.f32 v8, v7  }
0x48: {  	s10 =	sadd.s32 $0x1, s10  }
0x49: {  	p0 =	sne.s32 s10, s6  }
.Ltmp2:
0x4a: {  	[tilespmem:$0x8080] =	vst v7;
	(pc) =	sbr.rel @p0 .LBB2_1-.Ltmp2, $4  }
0x4b: {  	[hbm4b:s5+s2] =	stream.linear.scatter [tilespmem:s9], [sflag:$0x1], $0x80, $0x38;
	[tilespmem:$0x8100] =	vst v63  }
0x4c: {  	_ =	swait.ge [sflag:s7], $0x80  }
0x4d: {  	[sflag:s7] =	ssyncset.done $0x0  }
0x4e: {  	[sflag:s7] =	ssyncadd.s32 $0xFFFFFF80  }
0x4f: {  	_ =	sfence.sel $0x180000  }
0x50: {  	[bflag:$0x0] =	sbarrier.arrive $0xFFFF  }
0x51: {  	p0 =	sne.s32 s1, $0x0;
	_ =	strace $0x90000047  }
0x52: {  	s0 =	sadd.s32 @!p0 $0x100000, s0;
	[bflag:$0x2] =	sbarrier.arrive $0xFFFF  }
0x53: {  	[sflag:s0] =	ssyncadd.tile.s32 @!p0 $0x1;
	_ =	shalt  }
.Lfunc_end2:
_tile_overlayer_lowered:
.L_overlay_start_2:
0x54: {  	(tag) =	ssettag $0x2  }
0x55: {  	s0 =	rddreg [dreg:$0x0];
	s2 =	stileid.u32  }
0x56: {  	s1 =	rddreg [dreg:$0x1];
	p0 =	sne.s32 s2, $0x0  }
0x57: {  	s3 =	rddreg [dreg:$0x2];
	[bflag:$0x3] =	sbarrier.arrive $0xFFFF;
	s2 =	simm.s32 @!p0 $0x1C01  }
0x58: {  	[timem:s3], [sflag:s2] =	dma.local @!p0 [hbm:s0], s1  }
0x59: {  	s0 =	simm.s32 @!p0 $0x1  }
0x5a: {  	_ =	swait.ge @!p0 [sflag:s0], s1  }
0x5b: {  	s1 =	ssub.s32 @!p0 $0x0, s1;
	[sflag:s0] =	ssyncset.done @!p0 $0x0  }
0x5c: {  	[sflag:s0] =	ssyncadd.s32 @!p0 s1  }
0x5d: {  	[bflag:$0x3] =	sbarrier.arrive $0xFFFF  }
0x5e: {  	_ =	shalt  }

</sc_bundles>
